<compile_context>
chip_gen: v7x
topology: tpu7x:2x2x1
jax: 0.10.2.dev20260603
libtpu: 0.0.44.dev20260713+nightly
codegen_flags: <defaults>
</compile_context>

<pallas_src>
import functools

import jax
import jax.numpy as jnp
from jax import lax
from jax.experimental import pallas as pl
from jax.experimental.pallas import tpu as pltpu
from jax.experimental.pallas import tpu_sc as plsc

_BATCH = 16384
_HIST = 50
_DIM = 64
_EPS = 1e-5

_NC, _NS, _L = 2, 16, 16
_NW = _NC * _NS
_BPW = _BATCH // _NW
_BN = 128
_NBB = _BPW // _BN
_NBLK_W = _HIST * _NBB
_TP = 129
_UNROLL = 4


def _ln_row(rows_in, rows_t, wtmp, riota, r, g, b):
    w = wtmp[pl.ds(r * 16, 16)][0]
    v = [rows_in[r, pl.ds(16 * k, 16)] for k in range(4)]
    s = (v[0] + v[1]) + (v[2] + v[3])
    q = (v[0] * v[0] + v[1] * v[1]) + (v[2] * v[2] + v[3] * v[3])
    mean = jnp.sum(s) * jnp.float32(1.0 / 64.0)
    ex2 = jnp.sum(q) * jnp.float32(1.0 / 64.0)
    x = (ex2 - mean * mean) * (w * w) + jnp.float32(_EPS)
    ii = lax.bitcast_convert_type(x, jnp.int32)
    ii = jnp.int32(0x5F3759DF) - (ii >> 1)
    y = lax.bitcast_convert_type(ii, jnp.float32)
    h = jnp.float32(0.5) * x
    for _ in range(3):
        y = y * (jnp.float32(1.5) - h * y * y)
    a = w * y
    c = mean * a
    col = jnp.full((16,), r, jnp.int32)
    for k in range(4):
        out_k = (v[k] * a - c) * g[k] + b[k]
        plsc.store_scatter(rows_t, [riota + 16 * k, col], out_k)


def _sc_body(table_hbm, idxt_hbm, wgtt_hbm, gamma_hbm, beta_hbm, out_hbm,
             idx_t, wgt_t, wtmp, in0, in1, t0, t1, g_v, b_v,
             gsem0, gsem1, wsem0, wsem1):
    wid = lax.axis_index("s") * _NC + lax.axis_index("c")
    n0w = wid * _BPW
    pltpu.sync_copy(idxt_hbm.at[:, pl.ds(n0w, _BPW)], idx_t)
    pltpu.sync_copy(wgtt_hbm.at[:, pl.ds(n0w, _BPW)], wgt_t)
    pltpu.sync_copy(gamma_hbm, g_v)
    pltpu.sync_copy(beta_hbm, b_v)
    g = [g_v[pl.ds(16 * k, 16)] for k in range(4)]
    b = [b_v[pl.ds(16 * k, 16)] for k in range(4)]
    riota = lax.iota(jnp.int32, 16)
    lanes16 = riota * 16

    def _lnb(j):
        l = j // _NBB
        return l, j - l * _NBB

    def gather_desc(j, buf, sem):
        l, nb = _lnb(j)
        return pltpu.make_async_copy(
            table_hbm.at[idx_t.at[l, pl.ds(nb * _BN, _BN)]], buf, sem)

    def wb_descs(j, buf, sem):
        l, nb = _lnb(j)
        tn = wid * _NBB + nb
        return [pltpu.make_async_copy(
                    buf.at[pl.ds(td * 8, 8), pl.ds(0, _BN)],
                    out_hbm.at[l, td, tn], sem)
                for td in range(8)]

    def compute(j, rows_in, rows_t):
        l, nb = _lnb(j)

        @plsc.parallel_loop(0, _BN // 16, step=1)
        def wstage(gi):
            wv = wgt_t[l, pl.ds(nb * _BN + gi * 16, 16)]
            plsc.store_scatter(wtmp, [lanes16 + gi * 256], wv)

        @plsc.parallel_loop(0, _BN, step=1, unroll=_UNROLL)
        def row_body(r):
            _ln_row(rows_in, rows_t, wtmp, riota, r, g, b)

    gather_desc(0, in0, gsem0).start()

    def pair_body(i, carry):
        j0 = 2 * i
        gather_desc(j0 + 1, in1, gsem1).start()
        gather_desc(j0, in0, gsem0).wait()

        @pl.when(i > 0)
        def _():
            for d in wb_descs(j0 - 2, t0, wsem0):
                d.wait()

        compute(j0, in0, t0)
        for d in wb_descs(j0, t0, wsem0):
            d.start()

        @pl.when(i < _NBLK_W // 2 - 1)
        def _():
            gather_desc(j0 + 2, in0, gsem0).start()

        gather_desc(j0 + 1, in1, gsem1).wait()

        @pl.when(i > 0)
        def _():
            for d in wb_descs(j0 - 1, t1, wsem1):
                d.wait()

        compute(j0 + 1, in1, t1)
        for d in wb_descs(j0 + 1, t1, wsem1):
            d.start()
        return carry

    lax.fori_loop(0, _NBLK_W // 2, pair_body, 0)
    for d in wb_descs(_NBLK_W - 2, t0, wsem0):
        d.wait()
    for d in wb_descs(_NBLK_W - 1, t1, wsem1):
        d.wait()


@jax.jit
def kernel(holder, holder_wgt, table, ln_gamma, ln_beta):
    idxt = holder.T
    wgtt = holder_wgt.T
    mesh = plsc.VectorSubcoreMesh(core_axis_name="c", subcore_axis_name="s",
                                  num_cores=_NC, num_subcores=_NS)
    run = pl.kernel(
        _sc_body,
        out_type=jax.ShapeDtypeStruct((_HIST, 8, _BATCH // _BN, 8, _BN),
                                      jnp.float32),
        mesh=mesh,
        scratch_types=[
            pltpu.VMEM((_HIST, _BPW), jnp.int32),
            pltpu.VMEM((_HIST, _BPW), jnp.float32),
            pltpu.VMEM((_BN * 16,), jnp.float32),
            pltpu.VMEM((_BN, _DIM), jnp.float32),
            pltpu.VMEM((_BN, _DIM), jnp.float32),
            pltpu.VMEM((_DIM, _TP), jnp.float32),
            pltpu.VMEM((_DIM, _TP), jnp.float32),
            pltpu.VMEM((_DIM,), jnp.float32),
            pltpu.VMEM((_DIM,), jnp.float32),
            pltpu.SemaphoreType.DMA,
            pltpu.SemaphoreType.DMA,
            pltpu.SemaphoreType.DMA,
            pltpu.SemaphoreType.DMA,
        ],
        compiler_params=pltpu.CompilerParams(needs_layout_passes=False,
                                             use_tc_tiling_on_sc=False),
    )
    out = run(table, idxt, wgtt, ln_gamma, ln_beta)
    return jnp.transpose(out, (2, 4, 0, 1, 3)).reshape(_BATCH, _HIST, _DIM)

# --- scband reference (transcript-rebuilt; emitter-appended) ---
"""Pipeline reference for scband-expander-layer-39204461478894 (READ-ONLY COPY).

The authoritative reference and input builder live on the scoring server;
editing this copy changes nothing except your own understanding.
"""

import jax, jax.numpy as jnp
import numpy as np

BATCH = 16384
HIST = 50
VOCAB = 100000
DIM = 64
LN_EPS = 1e-5

def setup_inputs(seed: int = 0) -> dict:
    key = jax.random.key(seed)
    k1, k2, k3 = jax.random.split(key, 3)
    holder = jax.random.randint(k1, (BATCH, HIST), 0, VOCAB, dtype=jnp.int64 if jax.config.jax_enable_x64 else jnp.int32).astype(jnp.int32)
    holder_wgt = jax.random.uniform(k2, (BATCH, HIST), dtype=jnp.float32)
    table = jax.random.normal(k3, (VOCAB, DIM), dtype=jnp.float32) * 0.02
    ln_gamma = jnp.ones((DIM,), dtype=jnp.float32)
    ln_beta = jnp.zeros((DIM,), dtype=jnp.float32)
    return {"holder": holder, "holder_wgt": holder_wgt, "table": table, "ln_gamma": ln_gamma, "ln_beta": ln_beta}

def reference(holder, holder_wgt, table, ln_gamma, ln_beta):
    # CateEmbeddingLayer: embedding lookup
    embed = jnp.take(table, holder, axis=0)  # [B, L, D]
    # weight multiply (holder_wgt.unsqueeze(-1))
    embed = embed * holder_wgt[..., None]
    # postprocess: LayerNorm over embed_size
    mean = jnp.mean(embed, axis=-1, keepdims=True)
    var = jnp.mean((embed - mean) ** 2, axis=-1, keepdims=True)
    embed = (embed - mean) / jnp.sqrt(var + LN_EPS) * ln_gamma + ln_beta
    return embed

if __name__ == "__main__":
    import jax
    _d = setup_inputs()
    print(jax.jit(kernel)(*tuple(_d.values())))

</pallas_src>

<mosaic_0001>
#map = affine_map<(d0, d1) -> (0, 0)>
#map1 = affine_map<(d0, d1) -> (0)>
#map2 = affine_map<(d0, d1) -> (0, 0, 0, 0, 0)>
module attributes {stable_mosaic.version = 14 : i64} {
  func.func @_sc_body(%arg0: i32, %arg1: i32, %arg2: memref<100000x64xf32, #tpu.memory_space<hbm>>, %arg3: memref<50x16384xi32, #tpu.memory_space<hbm>>, %arg4: memref<50x16384xf32, #tpu.memory_space<hbm>>, %arg5: memref<64xf32, #tpu.memory_space<hbm>>, %arg6: memref<64xf32, #tpu.memory_space<hbm>>, %arg7: memref<50x8x128x8x128xf32, #tpu.memory_space<hbm>>, %arg8: memref<50x512xi32, #tpu.memory_space<vmem>>, %arg9: memref<50x512xf32, #tpu.memory_space<vmem>>, %arg10: memref<2048xf32, #tpu.memory_space<vmem>>, %arg11: memref<128x64xf32, #tpu.memory_space<vmem>>, %arg12: memref<128x64xf32, #tpu.memory_space<vmem>>, %arg13: memref<64x129xf32, #tpu.memory_space<vmem>>, %arg14: memref<64x129xf32, #tpu.memory_space<vmem>>, %arg15: memref<64xf32, #tpu.memory_space<vmem>>, %arg16: memref<64xf32, #tpu.memory_space<vmem>>, %arg17: memref<!tpu.dma_semaphore, #tpu.memory_space<semaphore_mem>>, %arg18: memref<!tpu.dma_semaphore, #tpu.memory_space<semaphore_mem>>, %arg19: memref<!tpu.dma_semaphore, #tpu.memory_space<semaphore_mem>>, %arg20: memref<!tpu.dma_semaphore, #tpu.memory_space<semaphore_mem>>) attributes {dimension_semantics = [#tpu.dimension_semantics<core_parallel>, #tpu.dimension_semantics<subcore_parallel>], iteration_bounds = array<i64: 2, 16>, scalar_prefetch = 0 : i64, scratch_operands = 13 : i64, tpu.core_type = #tpu.core_type<sc_vector_subcore>, window_params = [{transform_indices = #map}, {transform_indices = #map}, {transform_indices = #map}, {transform_indices = #map1}, {transform_indices = #map1}, {transform_indices = #map2}]} {
    %mul3A = arith.constant 2 : i32
    %mul3A_0 = arith.muli %arg1, %mul3A : i32
    %add3A = arith.addi %mul3A_0, %arg0 : i32
    %mul3A_1 = arith.constant 512 : i32
    %mul3A_2 = arith.muli %add3A, %mul3A_1 : i32
    "tpu.region"() ({
      %run_scoped3A = tpu.sem_alloc : memref<!tpu.dma_semaphore, #tpu.memory_space<semaphore_mem>>
      %dma_start3A_295 = arith.constant 0 : i32
      %dma_start3A_296 = tpu.memref_slice %arg3[%dma_start3A_295, %mul3A_2] : memref<50x16384xi32, #tpu.memory_space<hbm>> -> memref<50x512xi32, #tpu.memory_space<hbm>>
      %dma_start3A_297 = arith.constant 0 : i32
      %dma_start3A_298 = tpu.memref_slice %arg3[%dma_start3A_297, %mul3A_2] : memref<50x16384xi32, #tpu.memory_space<hbm>> -> memref<50x512xi32, #tpu.memory_space<hbm>>
      tpu.enqueue_dma source(%dma_start3A_298 : memref<50x512xi32, #tpu.memory_space<hbm>>) target(%arg8 : memref<50x512xi32, #tpu.memory_space<vmem>>) target_semaphore(%run_scoped3A : memref<!tpu.dma_semaphore, #tpu.memory_space<semaphore_mem>>)
      %dma_wait3A_299 = arith.constant 0 : i32
      %dma_wait3A_300 = tpu.memref_slice %arg3[%dma_wait3A_299, %mul3A_2] : memref<50x16384xi32, #tpu.memory_space<hbm>> -> memref<50x512xi32, #tpu.memory_space<hbm>>
      %dma_wait3A_301 = arith.constant 0 : i32
      %dma_wait3A_302 = tpu.memref_slice %arg3[%dma_wait3A_301, %mul3A_2] : memref<50x16384xi32, #tpu.memory_space<hbm>> -> memref<50x512xi32, #tpu.memory_space<hbm>>
      tpu.wait_dma2 semaphore(%run_scoped3A : memref<!tpu.dma_semaphore, #tpu.memory_space<semaphore_mem>>) src(%dma_wait3A_302 : memref<50x512xi32, #tpu.memory_space<hbm>>) dst(%arg8 : memref<50x512xi32, #tpu.memory_space<vmem>>)
      tpu.yield
    }) : () -> ()
    "tpu.region"() ({
      %run_scoped3A = tpu.sem_alloc : memref<!tpu.dma_semaphore, #tpu.memory_space<semaphore_mem>>
      %dma_start3A_295 = arith.constant 0 : i32
      %dma_start3A_296 = tpu.memref_slice %arg4[%dma_start3A_295, %mul3A_2] : memref<50x16384xf32, #tpu.memory_space<hbm>> -> memref<50x512xf32, #tpu.memory_space<hbm>>
      %dma_start3A_297 = arith.constant 0 : i32
      %dma_start3A_298 = tpu.memref_slice %arg4[%dma_start3A_297, %mul3A_2] : memref<50x16384xf32, #tpu.memory_space<hbm>> -> memref<50x512xf32, #tpu.memory_space<hbm>>
      tpu.enqueue_dma source(%dma_start3A_298 : memref<50x512xf32, #tpu.memory_space<hbm>>) target(%arg9 : memref<50x512xf32, #tpu.memory_space<vmem>>) target_semaphore(%run_scoped3A : memref<!tpu.dma_semaphore, #tpu.memory_space<semaphore_mem>>)
      %dma_wait3A_299 = arith.constant 0 : i32
      %dma_wait3A_300 = tpu.memref_slice %arg4[%dma_wait3A_299, %mul3A_2] : memref<50x16384xf32, #tpu.memory_space<hbm>> -> memref<50x512xf32, #tpu.memory_space<hbm>>
      %dma_wait3A_301 = arith.constant 0 : i32
      %dma_wait3A_302 = tpu.memref_slice %arg4[%dma_wait3A_301, %mul3A_2] : memref<50x16384xf32, #tpu.memory_space<hbm>> -> memref<50x512xf32, #tpu.memory_space<hbm>>
      tpu.wait_dma2 semaphore(%run_scoped3A : memref<!tpu.dma_semaphore, #tpu.memory_space<semaphore_mem>>) src(%dma_wait3A_302 : memref<50x512xf32, #tpu.memory_space<hbm>>) dst(%arg9 : memref<50x512xf32, #tpu.memory_space<vmem>>)
      tpu.yield
    }) : () -> ()
    "tpu.region"() ({
      %run_scoped3A = tpu.sem_alloc : memref<!tpu.dma_semaphore, #tpu.memory_space<semaphore_mem>>
      tpu.enqueue_dma source(%arg5 : memref<64xf32, #tpu.memory_space<hbm>>) target(%arg15 : memref<64xf32, #tpu.memory_space<vmem>>) target_semaphore(%run_scoped3A : memref<!tpu.dma_semaphore, #tpu.memory_space<semaphore_mem>>)
      tpu.wait_dma2 semaphore(%run_scoped3A : memref<!tpu.dma_semaphore, #tpu.memory_space<semaphore_mem>>) src(%arg5 : memref<64xf32, #tpu.memory_space<hbm>>) dst(%arg15 : memref<64xf32, #tpu.memory_space<vmem>>)
      tpu.yield
    }) : () -> ()
    "tpu.region"() ({
      %run_scoped3A = tpu.sem_alloc : memref<!tpu.dma_semaphore, #tpu.memory_space<semaphore_mem>>
      tpu.enqueue_dma source(%arg6 : memref<64xf32, #tpu.memory_space<hbm>>) target(%arg16 : memref<64xf32, #tpu.memory_space<vmem>>) target_semaphore(%run_scoped3A : memref<!tpu.dma_semaphore, #tpu.memory_space<semaphore_mem>>)
      tpu.wait_dma2 semaphore(%run_scoped3A : memref<!tpu.dma_semaphore, #tpu.memory_space<semaphore_mem>>) src(%arg6 : memref<64xf32, #tpu.memory_space<hbm>>) dst(%arg16 : memref<64xf32, #tpu.memory_space<vmem>>)
      tpu.yield
    }) : () -> ()
    %get3A = arith.constant 0 : index
    %get3A_3 = tpu.vector_load %arg15[%get3A] {strides = array<i32>} : memref<64xf32, #tpu.memory_space<vmem>>, vector<16xf32>,
    %get3A_4 = arith.constant 16 : index
    %get3A_5 = tpu.vector_load %arg15[%get3A_4] {strides = array<i32>} : memref<64xf32, #tpu.memory_space<vmem>>, vector<16xf32>,
    %get3A_6 = arith.constant 32 : index
    %get3A_7 = tpu.vector_load %arg15[%get3A_6] {strides = array<i32>} : memref<64xf32, #tpu.memory_space<vmem>>, vector<16xf32>,
    %get3A_8 = arith.constant 48 : index
    %get3A_9 = tpu.vector_load %arg15[%get3A_8] {strides = array<i32>} : memref<64xf32, #tpu.memory_space<vmem>>, vector<16xf32>,
    %get3A_10 = arith.constant 0 : index
    %get3A_11 = tpu.vector_load %arg16[%get3A_10] {strides = array<i32>} : memref<64xf32, #tpu.memory_space<vmem>>, vector<16xf32>,
    %get3A_12 = arith.constant 16 : index
    %get3A_13 = tpu.vector_load %arg16[%get3A_12] {strides = array<i32>} : memref<64xf32, #tpu.memory_space<vmem>>, vector<16xf32>,
    %get3A_14 = arith.constant 32 : index
    %get3A_15 = tpu.vector_load %arg16[%get3A_14] {strides = array<i32>} : memref<64xf32, #tpu.memory_space<vmem>>, vector<16xf32>,
    %get3A_16 = arith.constant 48 : index
    %get3A_17 = tpu.vector_load %arg16[%get3A_16] {strides = array<i32>} : memref<64xf32, #tpu.memory_space<vmem>>, vector<16xf32>,
    %iota3A = tpu.iota {dimensions = array<i32: 0>} : vector<16xi32>
    %mul3A_18 = arith.constant 16 : i32
    %mul3A_19 = vector.broadcast %mul3A_18 : i32 to vector<16xi32>
    %mul3A_20 = arith.muli %iota3A, %mul3A_19 : vector<16xi32>
    %dma_start3A = arith.constant 0 : i32
    %dma_start3A_21 = arith.constant 0 : i32
    %dma_start3A_22 = tpu.memref_slice %arg8[%dma_start3A, %dma_start3A_21] : memref<50x512xi32, #tpu.memory_space<vmem>> -> memref<1x128xi32, #tpu.memory_space<vmem>>
    %dma_start3A_23 = tpu.memref_squeeze %dma_start3A_22 : memref<1x128xi32, #tpu.memory_space<vmem>> -> memref<128xi32, #tpu.memory_space<vmem>>
    %dma_start3A_24 = arith.constant 0 : i32
    %dma_start3A_25 = arith.constant 0 : i32
    %dma_start3A_26 = tpu.memref_slice %arg2[%dma_start3A_24, %dma_start3A_25] : memref<100000x64xf32, #tpu.memory_space<hbm>> -> memref<100000x64xf32, #tpu.memory_space<hbm>>
    tpu.enqueue_indirect_dma source(%dma_start3A_26 : memref<100000x64xf32, #tpu.memory_space<hbm>>) target(%arg11 : memref<128x64xf32, #tpu.memory_space<vmem>>) offsets(%dma_start3A_23 : memref<128xi32, #tpu.memory_space<vmem>>) semaphore(%arg17 : memref<!tpu.dma_semaphore, #tpu.memory_space<semaphore_mem>>)
    %scan3A = arith.constant 0 : i32
    %scan3A_27 = arith.constant 0 : i32
    %scan3A_28 = arith.constant 100 : i32
    %scan3A_29 = arith.addi %scan3A_27, %scan3A_28 : i32
    %scan3A_30 = arith.constant 1 : i32
    scf.for %scan3A_295 = %scan3A_27 to %scan3A_29 step %scan3A_30  : i32 {
      %mul3A_296 = arith.constant 2 : i32
      %mul3A_297 = arith.muli %mul3A_296, %scan3A_295 : i32
      %add3A_298 = arith.constant 1 : i32
      %add3A_299 = arith.addi %mul3A_297, %add3A_298 : i32
      %jit3A = arith.constant 4 : i32
      %div3A = arith.divsi %add3A_299, %jit3A : i32
      %sign3A = arith.constant 0 : i32
      %sign3A_300 = arith.cmpi sgt, %add3A_299, %sign3A : i32
      %sign3A_301 = arith.extui %sign3A_300 : i1 to i32
      %sign3A_302 = arith.constant 0 : i32
      %sign3A_303 = arith.cmpi slt, %add3A_299, %sign3A_302 : i32
      %sign3A_304 = arith.extui %sign3A_303 : i1 to i32
      %sign3A_305 = arith.subi %sign3A_301, %sign3A_304 : i32
      %sign3A_306 = arith.constant 0 : i32
      %sign3A_307 = arith.cmpi sgt, %jit3A, %sign3A_306 : i32
      %sign3A_308 = arith.extui %sign3A_307 : i1 to i32
      %sign3A_309 = arith.constant 0 : i32
      %sign3A_310 = arith.cmpi slt, %jit3A, %sign3A_309 : i32
      %sign3A_311 = arith.extui %sign3A_310 : i1 to i32
      %sign3A_312 = arith.subi %sign3A_308, %sign3A_311 : i32
      %ne3A = arith.cmpi ne, %sign3A_305, %sign3A_312 : i32
      %rem3A = arith.remsi %add3A_299, %jit3A : i32
      %ne3A_313 = arith.constant 0 : i32
      %ne3A_314 = arith.cmpi ne, %rem3A, %ne3A_313 : i32
      %and3A = arith.andi %ne3A, %ne3A_314 : i1
      %sub3A = arith.constant 1 : i32
      %sub3A_315 = arith.subi %div3A, %sub3A : i32
      %select_n3A = arith.select %and3A, %sub3A_315, %div3A : i32
      %mul3A_316 = arith.constant 4 : i32
      %mul3A_317 = arith.muli %select_n3A, %mul3A_316 : i32
      %sub3A_318 = arith.subi %add3A_299, %mul3A_317 : i32
      %mul3A_319 = arith.constant 128 : i32
      %mul3A_320 = arith.muli %sub3A_318, %mul3A_319 : i32
      %dma_start3A_321 = tpu.memref_slice %arg8[%select_n3A, %mul3A_320] : memref<50x512xi32, #tpu.memory_space<vmem>> -> memref<1x128xi32, #tpu.memory_space<vmem>>
      %dma_start3A_322 = tpu.memref_squeeze %dma_start3A_321 : memref<1x128xi32, #tpu.memory_space<vmem>> -> memref<128xi32, #tpu.memory_space<vmem>>
      %dma_start3A_323 = arith.constant 0 : i32
      %dma_start3A_324 = arith.constant 0 : i32
      %dma_start3A_325 = tpu.memref_slice %arg2[%dma_start3A_323, %dma_start3A_324] : memref<100000x64xf32, #tpu.memory_space<hbm>> -> memref<100000x64xf32, #tpu.memory_space<hbm>>
      tpu.enqueue_indirect_dma source(%dma_start3A_325 : memref<100000x64xf32, #tpu.memory_space<hbm>>) target(%arg12 : memref<128x64xf32, #tpu.memory_space<vmem>>) offsets(%dma_start3A_322 : memref<128xi32, #tpu.memory_space<vmem>>) semaphore(%arg18 : memref<!tpu.dma_semaphore, #tpu.memory_space<semaphore_mem>>)
      %jit3A_326 = arith.constant 4 : i32
      %div3A_327 = arith.divsi %mul3A_297, %jit3A_326 : i32
      %sign3A_328 = arith.constant 0 : i32
      %sign3A_329 = arith.cmpi sgt, %mul3A_297, %sign3A_328 : i32
      %sign3A_330 = arith.extui %sign3A_329 : i1 to i32
      %sign3A_331 = arith.constant 0 : i32
      %sign3A_332 = arith.cmpi slt, %mul3A_297, %sign3A_331 : i32
      %sign3A_333 = arith.extui %sign3A_332 : i1 to i32
      %sign3A_334 = arith.subi %sign3A_330, %sign3A_333 : i32
      %sign3A_335 = arith.constant 0 : i32
      %sign3A_336 = arith.cmpi sgt, %jit3A_326, %sign3A_335 : i32
      %sign3A_337 = arith.extui %sign3A_336 : i1 to i32
      %sign3A_338 = arith.constant 0 : i32
      %sign3A_339 = arith.cmpi slt, %jit3A_326, %sign3A_338 : i32
      %sign3A_340 = arith.extui %sign3A_339 : i1 to i32
      %sign3A_341 = arith.subi %sign3A_337, %sign3A_340 : i32
      %ne3A_342 = arith.cmpi ne, %sign3A_334, %sign3A_341 : i32
      %rem3A_343 = arith.remsi %mul3A_297, %jit3A_326 : i32
      %ne3A_344 = arith.constant 0 : i32
      %ne3A_345 = arith.cmpi ne, %rem3A_343, %ne3A_344 : i32
      %and3A_346 = arith.andi %ne3A_342, %ne3A_345 : i1
      %sub3A_347 = arith.constant 1 : i32
      %sub3A_348 = arith.subi %div3A_327, %sub3A_347 : i32
      %select_n3A_349 = arith.select %and3A_346, %sub3A_348, %div3A_327 : i32
      %mul3A_350 = arith.constant 4 : i32
      %mul3A_351 = arith.muli %select_n3A_349, %mul3A_350 : i32
      %sub3A_352 = arith.subi %mul3A_297, %mul3A_351 : i32
      %mul3A_353 = arith.constant 128 : i32
      %mul3A_354 = arith.muli %sub3A_352, %mul3A_353 : i32
      %dma_wait3A_355 = tpu.memref_slice %arg8[%select_n3A_349, %mul3A_354] : memref<50x512xi32, #tpu.memory_space<vmem>> -> memref<1x128xi32, #tpu.memory_space<vmem>>
      %dma_wait3A_356 = tpu.memref_squeeze %dma_wait3A_355 : memref<1x128xi32, #tpu.memory_space<vmem>> -> memref<128xi32, #tpu.memory_space<vmem>>
      %dma_wait3A_357 = arith.constant 0 : i32
      %dma_wait3A_358 = arith.constant 0 : i32
      %dma_wait3A_359 = tpu.memref_slice %arg2[%dma_wait3A_357, %dma_wait3A_358] : memref<100000x64xf32, #tpu.memory_space<hbm>> -> memref<100000x64xf32, #tpu.memory_space<hbm>>
      tpu.wait_indirect_dma semaphore(%arg17 : memref<!tpu.dma_semaphore, #tpu.memory_space<semaphore_mem>>) src(%dma_wait3A_359 : memref<100000x64xf32, #tpu.memory_space<hbm>>) dst(%arg11 : memref<128x64xf32, #tpu.memory_space<vmem>>)
      %gt3A = arith.constant 0 : i32
      %gt3A_360 = arith.cmpi sgt, %scan3A_295, %gt3A : i32
      %convert_element_type3A = arith.extui %gt3A_360 : i1 to i32
      %cond3A = arith.constant 0 : i32
      %cond3A_361 = arith.cmpi ne, %convert_element_type3A, %cond3A : i32
      scf.if %cond3A_361 {
        %sub3A_776 = arith.constant 2 : i32
        %sub3A_777 = arith.subi %mul3A_297, %sub3A_776 : i32
        %jit3A_778 = arith.constant 4 : i32
        %div3A_779 = arith.divsi %sub3A_777, %jit3A_778 : i32
        %sign3A_780 = arith.constant 0 : i32
        %sign3A_781 = arith.cmpi sgt, %sub3A_777, %sign3A_780 : i32
        %sign3A_782 = arith.extui %sign3A_781 : i1 to i32
        %sign3A_783 = arith.constant 0 : i32
        %sign3A_784 = arith.cmpi slt, %sub3A_777, %sign3A_783 : i32
        %sign3A_785 = arith.extui %sign3A_784 : i1 to i32
        %sign3A_786 = arith.subi %sign3A_782, %sign3A_785 : i32
        %sign3A_787 = arith.constant 0 : i32
        %sign3A_788 = arith.cmpi sgt, %jit3A_778, %sign3A_787 : i32
        %sign3A_789 = arith.extui %sign3A_788 : i1 to i32
        %sign3A_790 = arith.constant 0 : i32
        %sign3A_791 = arith.cmpi slt, %jit3A_778, %sign3A_790 : i32
        %sign3A_792 = arith.extui %sign3A_791 : i1 to i32
        %sign3A_793 = arith.subi %sign3A_789, %sign3A_792 : i32
        %ne3A_794 = arith.cmpi ne, %sign3A_786, %sign3A_793 : i32
        %rem3A_795 = arith.remsi %sub3A_777, %jit3A_778 : i32
        %ne3A_796 = arith.constant 0 : i32
        %ne3A_797 = arith.cmpi ne, %rem3A_795, %ne3A_796 : i32
        %and3A_798 = arith.andi %ne3A_794, %ne3A_797 : i1
        %sub3A_799 = arith.constant 1 : i32
        %sub3A_800 = arith.subi %div3A_779, %sub3A_799 : i32
        %select_n3A_801 = arith.select %and3A_798, %sub3A_800, %div3A_779 : i32
        %mul3A_802 = arith.constant 4 : i32
        %mul3A_803 = arith.muli %select_n3A_801, %mul3A_802 : i32
        %sub3A_804 = arith.subi %sub3A_777, %mul3A_803 : i32
        %mul3A_805 = arith.constant 4 : i32
        %mul3A_806 = arith.muli %add3A, %mul3A_805 : i32
        %add3A_807 = arith.addi %mul3A_806, %sub3A_804 : i32
        %dma_wait3A_808 = arith.constant 0 : i32
        %dma_wait3A_809 = arith.constant 0 : i32
        %dma_wait3A_810 = arith.constant 0 : i32
        %dma_wait3A_811 = tpu.memref_slice %arg13[%dma_wait3A_809, %dma_wait3A_810] : memref<64x129xf32, #tpu.memory_space<vmem>> -> memref<8x128xf32, #tpu.memory_space<vmem>>
        %dma_wait3A_812 = arith.constant 0 : i32
        %dma_wait3A_813 = arith.constant 0 : i32
        %dma_wait3A_814 = tpu.memref_slice %arg7[%select_n3A_801, %dma_wait3A_808, %add3A_807, %dma_wait3A_812, %dma_wait3A_813] : memref<50x8x128x8x128xf32, #tpu.memory_space<hbm>> -> memref<1x1x1x8x128xf32, #tpu.memory_space<hbm>>
        %dma_wait3A_815 = tpu.memref_squeeze %dma_wait3A_814 : memref<1x1x1x8x128xf32, #tpu.memory_space<hbm>> -> memref<8x128xf32, #tpu.memory_space<hbm>>
        %dma_wait3A_816 = arith.constant 0 : i32
        %dma_wait3A_817 = arith.constant 0 : i32
        %dma_wait3A_818 = tpu.memref_slice %arg7[%select_n3A_801, %dma_wait3A_808, %add3A_807, %dma_wait3A_816, %dma_wait3A_817] : memref<50x8x128x8x128xf32, #tpu.memory_space<hbm>> -> memref<1x1x1x8x128xf32, #tpu.memory_space<hbm>>
        %dma_wait3A_819 = tpu.memref_squeeze %dma_wait3A_818 : memref<1x1x1x8x128xf32, #tpu.memory_space<hbm>> -> memref<8x128xf32, #tpu.memory_space<hbm>>
        %dma_wait3A_820 = arith.constant 0 : i32
        %dma_wait3A_821 = arith.constant 0 : i32
        %dma_wait3A_822 = tpu.memref_slice %arg13[%dma_wait3A_820, %dma_wait3A_821] : memref<64x129xf32, #tpu.memory_space<vmem>> -> memref<8x128xf32, #tpu.memory_space<vmem>>
        tpu.wait_dma2 semaphore(%arg19 : memref<!tpu.dma_semaphore, #tpu.memory_space<semaphore_mem>>) src(%dma_wait3A_822 : memref<8x128xf32, #tpu.memory_space<vmem>>) dst(%dma_wait3A_819 : memref<8x128xf32, #tpu.memory_space<hbm>>)
        %dma_wait3A_823 = arith.constant 1 : i32
        %dma_wait3A_824 = arith.constant 8 : i32
        %dma_wait3A_825 = arith.constant 0 : i32
        %dma_wait3A_826 = tpu.memref_slice %arg13[%dma_wait3A_824, %dma_wait3A_825] : memref<64x129xf32, #tpu.memory_space<vmem>> -> memref<8x128xf32, #tpu.memory_space<vmem>>
        %dma_wait3A_827 = arith.constant 0 : i32
        %dma_wait3A_828 = arith.constant 0 : i32
        %dma_wait3A_829 = tpu.memref_slice %arg7[%select_n3A_801, %dma_wait3A_823, %add3A_807, %dma_wait3A_827, %dma_wait3A_828] : memref<50x8x128x8x128xf32, #tpu.memory_space<hbm>> -> memref<1x1x1x8x128xf32, #tpu.memory_space<hbm>>
        %dma_wait3A_830 = tpu.memref_squeeze %dma_wait3A_829 : memref<1x1x1x8x128xf32, #tpu.memory_space<hbm>> -> memref<8x128xf32, #tpu.memory_space<hbm>>
        %dma_wait3A_831 = arith.constant 0 : i32
        %dma_wait3A_832 = arith.constant 0 : i32
        %dma_wait3A_833 = tpu.memref_slice %arg7[%select_n3A_801, %dma_wait3A_823, %add3A_807, %dma_wait3A_831, %dma_wait3A_832] : memref<50x8x128x8x128xf32, #tpu.memory_space<hbm>> -> memref<1x1x1x8x128xf32, #tpu.memory_space<hbm>>
        %dma_wait3A_834 = tpu.memref_squeeze %dma_wait3A_833 : memref<1x1x1x8x128xf32, #tpu.memory_space<hbm>> -> memref<8x128xf32, #tpu.memory_space<hbm>>
        %dma_wait3A_835 = arith.constant 8 : i32
        %dma_wait3A_836 = arith.constant 0 : i32
        %dma_wait3A_837 = tpu.memref_slice %arg13[%dma_wait3A_835, %dma_wait3A_836] : memref<64x129xf32, #tpu.memory_space<vmem>> -> memref<8x128xf32, #tpu.memory_space<vmem>>
        tpu.wait_dma2 semaphore(%arg19 : memref<!tpu.dma_semaphore, #tpu.memory_space<semaphore_mem>>) src(%dma_wait3A_837 : memref<8x128xf32, #tpu.memory_space<vmem>>) dst(%dma_wait3A_834 : memref<8x128xf32, #tpu.memory_space<hbm>>)
        %dma_wait3A_838 = arith.constant 2 : i32
        %dma_wait3A_839 = arith.constant 16 : i32
        %dma_wait3A_840 = arith.constant 0 : i32
        %dma_wait3A_841 = tpu.memref_slice %arg13[%dma_wait3A_839, %dma_wait3A_840] : memref<64x129xf32, #tpu.memory_space<vmem>> -> memref<8x128xf32, #tpu.memory_space<vmem>>
        %dma_wait3A_842 = arith.constant 0 : i32
        %dma_wait3A_843 = arith.constant 0 : i32
        %dma_wait3A_844 = tpu.memref_slice %arg7[%select_n3A_801, %dma_wait3A_838, %add3A_807, %dma_wait3A_842, %dma_wait3A_843] : memref<50x8x128x8x128xf32, #tpu.memory_space<hbm>> -> memref<1x1x1x8x128xf32, #tpu.memory_space<hbm>>
        %dma_wait3A_845 = tpu.memref_squeeze %dma_wait3A_844 : memref<1x1x1x8x128xf32, #tpu.memory_space<hbm>> -> memref<8x128xf32, #tpu.memory_space<hbm>>
        %dma_wait3A_846 = arith.constant 0 : i32
        %dma_wait3A_847 = arith.constant 0 : i32
        %dma_wait3A_848 = tpu.memref_slice %arg7[%select_n3A_801, %dma_wait3A_838, %add3A_807, %dma_wait3A_846, %dma_wait3A_847] : memref<50x8x128x8x128xf32, #tpu.memory_space<hbm>> -> memref<1x1x1x8x128xf32, #tpu.memory_space<hbm>>
        %dma_wait3A_849 = tpu.memref_squeeze %dma_wait3A_848 : memref<1x1x1x8x128xf32, #tpu.memory_space<hbm>> -> memref<8x128xf32, #tpu.memory_space<hbm>>
        %dma_wait3A_850 = arith.constant 16 : i32
        %dma_wait3A_851 = arith.constant 0 : i32
        %dma_wait3A_852 = tpu.memref_slice %arg13[%dma_wait3A_850, %dma_wait3A_851] : memref<64x129xf32, #tpu.memory_space<vmem>> -> memref<8x128xf32, #tpu.memory_space<vmem>>
        tpu.wait_dma2 semaphore(%arg19 : memref<!tpu.dma_semaphore, #tpu.memory_space<semaphore_mem>>) src(%dma_wait3A_852 : memref<8x128xf32, #tpu.memory_space<vmem>>) dst(%dma_wait3A_849 : memref<8x128xf32, #tpu.memory_space<hbm>>)
        %dma_wait3A_853 = arith.constant 3 : i32
        %dma_wait3A_854 = arith.constant 24 : i32
        %dma_wait3A_855 = arith.constant 0 : i32
        %dma_wait3A_856 = tpu.memref_slice %arg13[%dma_wait3A_854, %dma_wait3A_855] : memref<64x129xf32, #tpu.memory_space<vmem>> -> memref<8x128xf32, #tpu.memory_space<vmem>>
        %dma_wait3A_857 = arith.constant 0 : i32
        %dma_wait3A_858 = arith.constant 0 : i32
        %dma_wait3A_859 = tpu.memref_slice %arg7[%select_n3A_801, %dma_wait3A_853, %add3A_807, %dma_wait3A_857, %dma_wait3A_858] : memref<50x8x128x8x128xf32, #tpu.memory_space<hbm>> -> memref<1x1x1x8x128xf32, #tpu.memory_space<hbm>>
        %dma_wait3A_860 = tpu.memref_squeeze %dma_wait3A_859 : memref<1x1x1x8x128xf32, #tpu.memory_space<hbm>> -> memref<8x128xf32, #tpu.memory_space<hbm>>
        %dma_wait3A_861 = arith.constant 0 : i32
        %dma_wait3A_862 = arith.constant 0 : i32
        %dma_wait3A_863 = tpu.memref_slice %arg7[%select_n3A_801, %dma_wait3A_853, %add3A_807, %dma_wait3A_861, %dma_wait3A_862] : memref<50x8x128x8x128xf32, #tpu.memory_space<hbm>> -> memref<1x1x1x8x128xf32, #tpu.memory_space<hbm>>
        %dma_wait3A_864 = tpu.memref_squeeze %dma_wait3A_863 : memref<1x1x1x8x128xf32, #tpu.memory_space<hbm>> -> memref<8x128xf32, #tpu.memory_space<hbm>>
        %dma_wait3A_865 = arith.constant 24 : i32
        %dma_wait3A_866 = arith.constant 0 : i32
        %dma_wait3A_867 = tpu.memref_slice %arg13[%dma_wait3A_865, %dma_wait3A_866] : memref<64x129xf32, #tpu.memory_space<vmem>> -> memref<8x128xf32, #tpu.memory_space<vmem>>
        tpu.wait_dma2 semaphore(%arg19 : memref<!tpu.dma_semaphore, #tpu.memory_space<semaphore_mem>>) src(%dma_wait3A_867 : memref<8x128xf32, #tpu.memory_space<vmem>>) dst(%dma_wait3A_864 : memref<8x128xf32, #tpu.memory_space<hbm>>)
        %dma_wait3A_868 = arith.constant 4 : i32
        %dma_wait3A_869 = arith.constant 32 : i32
        %dma_wait3A_870 = arith.constant 0 : i32
        %dma_wait3A_871 = tpu.memref_slice %arg13[%dma_wait3A_869, %dma_wait3A_870] : memref<64x129xf32, #tpu.memory_space<vmem>> -> memref<8x128xf32, #tpu.memory_space<vmem>>
        %dma_wait3A_872 = arith.constant 0 : i32
        %dma_wait3A_873 = arith.constant 0 : i32
        %dma_wait3A_874 = tpu.memref_slice %arg7[%select_n3A_801, %dma_wait3A_868, %add3A_807, %dma_wait3A_872, %dma_wait3A_873] : memref<50x8x128x8x128xf32, #tpu.memory_space<hbm>> -> memref<1x1x1x8x128xf32, #tpu.memory_space<hbm>>
        %dma_wait3A_875 = tpu.memref_squeeze %dma_wait3A_874 : memref<1x1x1x8x128xf32, #tpu.memory_space<hbm>> -> memref<8x128xf32, #tpu.memory_space<hbm>>
        %dma_wait3A_876 = arith.constant 0 : i32
        %dma_wait3A_877 = arith.constant 0 : i32
        %dma_wait3A_878 = tpu.memref_slice %arg7[%select_n3A_801, %dma_wait3A_868, %add3A_807, %dma_wait3A_876, %dma_wait3A_877] : memref<50x8x128x8x128xf32, #tpu.memory_space<hbm>> -> memref<1x1x1x8x128xf32, #tpu.memory_space<hbm>>
        %dma_wait3A_879 = tpu.memref_squeeze %dma_wait3A_878 : memref<1x1x1x8x128xf32, #tpu.memory_space<hbm>> -> memref<8x128xf32, #tpu.memory_space<hbm>>
        %dma_wait3A_880 = arith.constant 32 : i32
        %dma_wait3A_881 = arith.constant 0 : i32
        %dma_wait3A_882 = tpu.memref_slice %arg13[%dma_wait3A_880, %dma_wait3A_881] : memref<64x129xf32, #tpu.memory_space<vmem>> -> memref<8x128xf32, #tpu.memory_space<vmem>>
        tpu.wait_dma2 semaphore(%arg19 : memref<!tpu.dma_semaphore, #tpu.memory_space<semaphore_mem>>) src(%dma_wait3A_882 : memref<8x128xf32, #tpu.memory_space<vmem>>) dst(%dma_wait3A_879 : memref<8x128xf32, #tpu.memory_space<hbm>>)
        %dma_wait3A_883 = arith.constant 5 : i32
        %dma_wait3A_884 = arith.constant 40 : i32
        %dma_wait3A_885 = arith.constant 0 : i32
        %dma_wait3A_886 = tpu.memref_slice %arg13[%dma_wait3A_884, %dma_wait3A_885] : memref<64x129xf32, #tpu.memory_space<vmem>> -> memref<8x128xf32, #tpu.memory_space<vmem>>
        %dma_wait3A_887 = arith.constant 0 : i32
        %dma_wait3A_888 = arith.constant 0 : i32
        %dma_wait3A_889 = tpu.memref_slice %arg7[%select_n3A_801, %dma_wait3A_883, %add3A_807, %dma_wait3A_887, %dma_wait3A_888] : memref<50x8x128x8x128xf32, #tpu.memory_space<hbm>> -> memref<1x1x1x8x128xf32, #tpu.memory_space<hbm>>
        %dma_wait3A_890 = tpu.memref_squeeze %dma_wait3A_889 : memref<1x1x1x8x128xf32, #tpu.memory_space<hbm>> -> memref<8x128xf32, #tpu.memory_space<hbm>>
        %dma_wait3A_891 = arith.constant 0 : i32
        %dma_wait3A_892 = arith.constant 0 : i32
        %dma_wait3A_893 = tpu.memref_slice %arg7[%select_n3A_801, %dma_wait3A_883, %add3A_807, %dma_wait3A_891, %dma_wait3A_892] : memref<50x8x128x8x128xf32, #tpu.memory_space<hbm>> -> memref<1x1x1x8x128xf32, #tpu.memory_space<hbm>>
        %dma_wait3A_894 = tpu.memref_squeeze %dma_wait3A_893 : memref<1x1x1x8x128xf32, #tpu.memory_space<hbm>> -> memref<8x128xf32, #tpu.memory_space<hbm>>
        %dma_wait3A_895 = arith.constant 40 : i32
        %dma_wait3A_896 = arith.constant 0 : i32
        %dma_wait3A_897 = tpu.memref_slice %arg13[%dma_wait3A_895, %dma_wait3A_896] : memref<64x129xf32, #tpu.memory_space<vmem>> -> memref<8x128xf32, #tpu.memory_space<vmem>>
        tpu.wait_dma2 semaphore(%arg19 : memref<!tpu.dma_semaphore, #tpu.memory_space<semaphore_mem>>) src(%dma_wait3A_897 : memref<8x128xf32, #tpu.memory_space<vmem>>) dst(%dma_wait3A_894 : memref<8x128xf32, #tpu.memory_space<hbm>>)
        %dma_wait3A_898 = arith.constant 6 : i32
        %dma_wait3A_899 = arith.constant 48 : i32
        %dma_wait3A_900 = arith.constant 0 : i32
        %dma_wait3A_901 = tpu.memref_slice %arg13[%dma_wait3A_899, %dma_wait3A_900] : memref<64x129xf32, #tpu.memory_space<vmem>> -> memref<8x128xf32, #tpu.memory_space<vmem>>
        %dma_wait3A_902 = arith.constant 0 : i32
        %dma_wait3A_903 = arith.constant 0 : i32
        %dma_wait3A_904 = tpu.memref_slice %arg7[%select_n3A_801, %dma_wait3A_898, %add3A_807, %dma_wait3A_902, %dma_wait3A_903] : memref<50x8x128x8x128xf32, #tpu.memory_space<hbm>> -> memref<1x1x1x8x128xf32, #tpu.memory_space<hbm>>
        %dma_wait3A_905 = tpu.memref_squeeze %dma_wait3A_904 : memref<1x1x1x8x128xf32, #tpu.memory_space<hbm>> -> memref<8x128xf32, #tpu.memory_space<hbm>>
        %dma_wait3A_906 = arith.constant 0 : i32
        %dma_wait3A_907 = arith.constant 0 : i32
        %dma_wait3A_908 = tpu.memref_slice %arg7[%select_n3A_801, %dma_wait3A_898, %add3A_807, %dma_wait3A_906, %dma_wait3A_907] : memref<50x8x128x8x128xf32, #tpu.memory_space<hbm>> -> memref<1x1x1x8x128xf32, #tpu.memory_space<hbm>>
        %dma_wait3A_909 = tpu.memref_squeeze %dma_wait3A_908 : memref<1x1x1x8x128xf32, #tpu.memory_space<hbm>> -> memref<8x128xf32, #tpu.memory_space<hbm>>
        %dma_wait3A_910 = arith.constant 48 : i32
        %dma_wait3A_911 = arith.constant 0 : i32
        %dma_wait3A_912 = tpu.memref_slice %arg13[%dma_wait3A_910, %dma_wait3A_911] : memref<64x129xf32, #tpu.memory_space<vmem>> -> memref<8x128xf32, #tpu.memory_space<vmem>>
        tpu.wait_dma2 semaphore(%arg19 : memref<!tpu.dma_semaphore, #tpu.memory_space<semaphore_mem>>) src(%dma_wait3A_912 : memref<8x128xf32, #tpu.memory_space<vmem>>) dst(%dma_wait3A_909 : memref<8x128xf32, #tpu.memory_space<hbm>>)
        %dma_wait3A_913 = arith.constant 7 : i32
        %dma_wait3A_914 = arith.constant 56 : i32
        %dma_wait3A_915 = arith.constant 0 : i32
        %dma_wait3A_916 = tpu.memref_slice %arg13[%dma_wait3A_914, %dma_wait3A_915] : memref<64x129xf32, #tpu.memory_space<vmem>> -> memref<8x128xf32, #tpu.memory_space<vmem>>
        %dma_wait3A_917 = arith.constant 0 : i32
        %dma_wait3A_918 = arith.constant 0 : i32
        %dma_wait3A_919 = tpu.memref_slice %arg7[%select_n3A_801, %dma_wait3A_913, %add3A_807, %dma_wait3A_917, %dma_wait3A_918] : memref<50x8x128x8x128xf32, #tpu.memory_space<hbm>> -> memref<1x1x1x8x128xf32, #tpu.memory_space<hbm>>
        %dma_wait3A_920 = tpu.memref_squeeze %dma_wait3A_919 : memref<1x1x1x8x128xf32, #tpu.memory_space<hbm>> -> memref<8x128xf32, #tpu.memory_space<hbm>>
        %dma_wait3A_921 = arith.constant 0 : i32
        %dma_wait3A_922 = arith.constant 0 : i32
        %dma_wait3A_923 = tpu.memref_slice %arg7[%select_n3A_801, %dma_wait3A_913, %add3A_807, %dma_wait3A_921, %dma_wait3A_922] : memref<50x8x128x8x128xf32, #tpu.memory_space<hbm>> -> memref<1x1x1x8x128xf32, #tpu.memory_space<hbm>>
        %dma_wait3A_924 = tpu.memref_squeeze %dma_wait3A_923 : memref<1x1x1x8x128xf32, #tpu.memory_space<hbm>> -> memref<8x128xf32, #tpu.memory_space<hbm>>
        %dma_wait3A_925 = arith.constant 56 : i32
        %dma_wait3A_926 = arith.constant 0 : i32
        %dma_wait3A_927 = tpu.memref_slice %arg13[%dma_wait3A_925, %dma_wait3A_926] : memref<64x129xf32, #tpu.memory_space<vmem>> -> memref<8x128xf32, #tpu.memory_space<vmem>>
        tpu.wait_dma2 semaphore(%arg19 : memref<!tpu.dma_semaphore, #tpu.memory_space<semaphore_mem>>) src(%dma_wait3A_927 : memref<8x128xf32, #tpu.memory_space<vmem>>) dst(%dma_wait3A_924 : memref<8x128xf32, #tpu.memory_space<hbm>>)
      } else {
      }
      %jit3A_362 = arith.constant 4 : i32
      %div3A_363 = arith.divsi %mul3A_297, %jit3A_362 : i32
      %sign3A_364 = arith.constant 0 : i32
      %sign3A_365 = arith.cmpi sgt, %mul3A_297, %sign3A_364 : i32
      %sign3A_366 = arith.extui %sign3A_365 : i1 to i32
      %sign3A_367 = arith.constant 0 : i32
      %sign3A_368 = arith.cmpi slt, %mul3A_297, %sign3A_367 : i32
      %sign3A_369 = arith.extui %sign3A_368 : i1 to i32
      %sign3A_370 = arith.subi %sign3A_366, %sign3A_369 : i32
      %sign3A_371 = arith.constant 0 : i32
      %sign3A_372 = arith.cmpi sgt, %jit3A_362, %sign3A_371 : i32
      %sign3A_373 = arith.extui %sign3A_372 : i1 to i32
      %sign3A_374 = arith.constant 0 : i32
      %sign3A_375 = arith.cmpi slt, %jit3A_362, %sign3A_374 : i32
      %sign3A_376 = arith.extui %sign3A_375 : i1 to i32
      %sign3A_377 = arith.subi %sign3A_373, %sign3A_376 : i32
      %ne3A_378 = arith.cmpi ne, %sign3A_370, %sign3A_377 : i32
      %rem3A_379 = arith.remsi %mul3A_297, %jit3A_362 : i32
      %ne3A_380 = arith.constant 0 : i32
      %ne3A_381 = arith.cmpi ne, %rem3A_379, %ne3A_380 : i32
      %and3A_382 = arith.andi %ne3A_378, %ne3A_381 : i1
      %sub3A_383 = arith.constant 1 : i32
      %sub3A_384 = arith.subi %div3A_363, %sub3A_383 : i32
      %select_n3A_385 = arith.select %and3A_382, %sub3A_384, %div3A_363 : i32
      %mul3A_386 = arith.constant 4 : i32
      %mul3A_387 = arith.muli %select_n3A_385, %mul3A_386 : i32
      %sub3A_388 = arith.subi %mul3A_297, %mul3A_387 : i32
      %parallel_loop3A = arith.constant 0 : i32
      %parallel_loop3A_389 = arith.constant 8 : i32
      %parallel_loop3A_390 = arith.constant 1 : i32
      scf.for %parallel_loop3A_776 = %parallel_loop3A to %parallel_loop3A_389 step %parallel_loop3A_390  : i32 {
        %parallel_loop3A_777 = arith.constant 128 : i32
        %parallel_loop3A_778 = arith.muli %sub3A_388, %parallel_loop3A_777 : i32
        %parallel_loop3A_779 = arith.constant 16 : i32
        %parallel_loop3A_780 = arith.muli %parallel_loop3A_776, %parallel_loop3A_779 : i32
        %parallel_loop3A_781 = arith.addi %parallel_loop3A_778, %parallel_loop3A_780 : i32
        %parallel_loop3A_782 = arith.index_cast %select_n3A_385 : i32 to index
        %parallel_loop3A_783 = arith.index_cast %parallel_loop3A_781 : i32 to index
        %parallel_loop3A_784 = tpu.vector_load %arg9[%parallel_loop3A_782, %parallel_loop3A_783] {strides = array<i32>} : memref<50x512xf32, #tpu.memory_space<vmem>>, vector<16xf32>,
        %parallel_loop3A_785 = arith.constant 256 : i32
        %parallel_loop3A_786 = arith.muli %parallel_loop3A_776, %parallel_loop3A_785 : i32
        %parallel_loop3A_787 = vector.broadcast %parallel_loop3A_786 : i32 to vector<16xi32>
        %parallel_loop3A_788 = arith.addi %mul3A_20, %parallel_loop3A_787 : vector<16xi32>
        tpu.vector_store_idx %arg10[%parallel_loop3A_788], %parallel_loop3A_784 : memref<2048xf32, #tpu.memory_space<vmem>>[vector<16xi32>], vector<16xf32>,
      } {sc.loop_unroll_factor = 1 : i64, sc.parallel_access}
      %parallel_loop3A_391 = arith.constant 0 : i32
      %parallel_loop3A_392 = arith.constant 128 : i32
      %parallel_loop3A_393 = arith.constant 1 : i32
      scf.for %parallel_loop3A_776 = %parallel_loop3A_391 to %parallel_loop3A_392 step %parallel_loop3A_393  : i32 {
        %parallel_loop3A_777 = arith.constant 16 : i32
        %parallel_loop3A_778 = arith.muli %parallel_loop3A_776, %parallel_loop3A_777 : i32
        %parallel_loop3A_779 = arith.index_cast %parallel_loop3A_778 : i32 to index
        %parallel_loop3A_780 = tpu.vector_load %arg10[%parallel_loop3A_779] {strides = array<i32>} : memref<2048xf32, #tpu.memory_space<vmem>>, vector<16xf32>,
        %parallel_loop3A_781 = vector.extract_strided_slice %parallel_loop3A_780 {offsets = [0], sizes = [1], strides = [1]} : vector<16xf32> to vector<1xf32>
        %parallel_loop3A_782 = vector.extract %parallel_loop3A_781[0] : f32 from vector<1xf32>
        %parallel_loop3A_783 = arith.index_cast %parallel_loop3A_776 : i32 to index
        %parallel_loop3A_784 = arith.constant 0 : index
        %parallel_loop3A_785 = tpu.vector_load %arg11[%parallel_loop3A_783, %parallel_loop3A_784] {strides = array<i32>} : memref<128x64xf32, #tpu.memory_space<vmem>>, vector<16xf32>,
        %parallel_loop3A_786 = arith.index_cast %parallel_loop3A_776 : i32 to index
        %parallel_loop3A_787 = arith.constant 16 : index
        %parallel_loop3A_788 = tpu.vector_load %arg11[%parallel_loop3A_786, %parallel_loop3A_787] {strides = array<i32>} : memref<128x64xf32, #tpu.memory_space<vmem>>, vector<16xf32>,
        %parallel_loop3A_789 = arith.index_cast %parallel_loop3A_776 : i32 to index
        %parallel_loop3A_790 = arith.constant 32 : index
        %parallel_loop3A_791 = tpu.vector_load %arg11[%parallel_loop3A_789, %parallel_loop3A_790] {strides = array<i32>} : memref<128x64xf32, #tpu.memory_space<vmem>>, vector<16xf32>,
        %parallel_loop3A_792 = arith.index_cast %parallel_loop3A_776 : i32 to index
        %parallel_loop3A_793 = arith.constant 48 : index
        %parallel_loop3A_794 = tpu.vector_load %arg11[%parallel_loop3A_792, %parallel_loop3A_793] {strides = array<i32>} : memref<128x64xf32, #tpu.memory_space<vmem>>, vector<16xf32>,
        %parallel_loop3A_795 = arith.addf %parallel_loop3A_785, %parallel_loop3A_788 : vector<16xf32>
        %parallel_loop3A_796 = arith.addf %parallel_loop3A_791, %parallel_loop3A_794 : vector<16xf32>
        %parallel_loop3A_797 = arith.addf %parallel_loop3A_795, %parallel_loop3A_796 : vector<16xf32>
        %parallel_loop3A_798 = arith.mulf %parallel_loop3A_785, %parallel_loop3A_785 : vector<16xf32>
        %parallel_loop3A_799 = arith.mulf %parallel_loop3A_788, %parallel_loop3A_788 : vector<16xf32>
        %parallel_loop3A_800 = arith.addf %parallel_loop3A_798, %parallel_loop3A_799 : vector<16xf32>
        %parallel_loop3A_801 = arith.mulf %parallel_loop3A_791, %parallel_loop3A_791 : vector<16xf32>
        %parallel_loop3A_802 = arith.mulf %parallel_loop3A_794, %parallel_loop3A_794 : vector<16xf32>
        %parallel_loop3A_803 = arith.addf %parallel_loop3A_801, %parallel_loop3A_802 : vector<16xf32>
        %parallel_loop3A_804 = arith.addf %parallel_loop3A_800, %parallel_loop3A_803 : vector<16xf32>
        %parallel_loop3A_805 = arith.constant true
        %parallel_loop3A_806 = vector.broadcast %parallel_loop3A_805 : i1 to vector<16xi1>
        %parallel_loop3A_807 = tpu.scan <sum>, %parallel_loop3A_797 masked %parallel_loop3A_806 : vector<16xf32>, vector<16xi1> -> vector<16xf32>
        %parallel_loop3A_808 = vector.extract %parallel_loop3A_807[15] : f32 from vector<16xf32>
        %parallel_loop3A_809 = arith.constant 1.562500e-02 : f32
        %parallel_loop3A_810 = arith.mulf %parallel_loop3A_808, %parallel_loop3A_809 : f32
        %parallel_loop3A_811 = arith.constant true
        %parallel_loop3A_812 = vector.broadcast %parallel_loop3A_811 : i1 to vector<16xi1>
        %parallel_loop3A_813 = tpu.scan <sum>, %parallel_loop3A_804 masked %parallel_loop3A_812 : vector<16xf32>, vector<16xi1> -> vector<16xf32>
        %parallel_loop3A_814 = vector.extract %parallel_loop3A_813[15] : f32 from vector<16xf32>
        %parallel_loop3A_815 = arith.constant 1.562500e-02 : f32
        %parallel_loop3A_816 = arith.mulf %parallel_loop3A_814, %parallel_loop3A_815 : f32
        %parallel_loop3A_817 = arith.mulf %parallel_loop3A_810, %parallel_loop3A_810 : f32
        %parallel_loop3A_818 = arith.subf %parallel_loop3A_816, %parallel_loop3A_817 : f32
        %parallel_loop3A_819 = arith.mulf %parallel_loop3A_782, %parallel_loop3A_782 : f32
        %parallel_loop3A_820 = arith.mulf %parallel_loop3A_818, %parallel_loop3A_819 : f32
        %parallel_loop3A_821 = arith.constant 9.99999974E-6 : f32
        %parallel_loop3A_822 = arith.addf %parallel_loop3A_820, %parallel_loop3A_821 : f32
        %parallel_loop3A_823 = arith.bitcast %parallel_loop3A_822 : f32 to i32
        %parallel_loop3A_824 = arith.constant 1 : i32
        %parallel_loop3A_825 = arith.shrsi %parallel_loop3A_823, %parallel_loop3A_824 : i32
        %parallel_loop3A_826 = arith.constant 1597463007 : i32
        %parallel_loop3A_827 = arith.subi %parallel_loop3A_826, %parallel_loop3A_825 : i32
        %parallel_loop3A_828 = arith.bitcast %parallel_loop3A_827 : i32 to f32
        %parallel_loop3A_829 = arith.constant 5.000000e-01 : f32
        %parallel_loop3A_830 = arith.mulf %parallel_loop3A_829, %parallel_loop3A_822 : f32
        %parallel_loop3A_831 = arith.mulf %parallel_loop3A_830, %parallel_loop3A_828 : f32
        %parallel_loop3A_832 = arith.mulf %parallel_loop3A_831, %parallel_loop3A_828 : f32
        %parallel_loop3A_833 = arith.constant 1.500000e+00 : f32
        %parallel_loop3A_834 = arith.subf %parallel_loop3A_833, %parallel_loop3A_832 : f32
        %parallel_loop3A_835 = arith.mulf %parallel_loop3A_828, %parallel_loop3A_834 : f32
        %parallel_loop3A_836 = arith.mulf %parallel_loop3A_830, %parallel_loop3A_835 : f32
        %parallel_loop3A_837 = arith.mulf %parallel_loop3A_836, %parallel_loop3A_835 : f32
        %parallel_loop3A_838 = arith.constant 1.500000e+00 : f32
        %parallel_loop3A_839 = arith.subf %parallel_loop3A_838, %parallel_loop3A_837 : f32
        %parallel_loop3A_840 = arith.mulf %parallel_loop3A_835, %parallel_loop3A_839 : f32
        %parallel_loop3A_841 = arith.mulf %parallel_loop3A_830, %parallel_loop3A_840 : f32
        %parallel_loop3A_842 = arith.mulf %parallel_loop3A_841, %parallel_loop3A_840 : f32
        %parallel_loop3A_843 = arith.constant 1.500000e+00 : f32
        %parallel_loop3A_844 = arith.subf %parallel_loop3A_843, %parallel_loop3A_842 : f32
        %parallel_loop3A_845 = arith.mulf %parallel_loop3A_840, %parallel_loop3A_844 : f32
        %parallel_loop3A_846 = arith.mulf %parallel_loop3A_782, %parallel_loop3A_845 : f32
        %parallel_loop3A_847 = arith.mulf %parallel_loop3A_810, %parallel_loop3A_846 : f32
        %parallel_loop3A_848 = vector.broadcast %parallel_loop3A_776 : i32 to vector<16xi32>
        %parallel_loop3A_849 = vector.broadcast %parallel_loop3A_846 : f32 to vector<16xf32>
        %parallel_loop3A_850 = arith.mulf %parallel_loop3A_785, %parallel_loop3A_849 : vector<16xf32>
        %parallel_loop3A_851 = vector.broadcast %parallel_loop3A_847 : f32 to vector<16xf32>
        %parallel_loop3A_852 = arith.subf %parallel_loop3A_850, %parallel_loop3A_851 : vector<16xf32>
        %parallel_loop3A_853 = arith.mulf %parallel_loop3A_852, %get3A_3 : vector<16xf32>
        %parallel_loop3A_854 = arith.addf %parallel_loop3A_853, %get3A_11 : vector<16xf32>
        %parallel_loop3A_855 = arith.constant 0 : i32
        %parallel_loop3A_856 = vector.broadcast %parallel_loop3A_855 : i32 to vector<16xi32>
        %parallel_loop3A_857 = arith.addi %iota3A, %parallel_loop3A_856 : vector<16xi32>
        tpu.vector_store_idx %arg13[%parallel_loop3A_857, %parallel_loop3A_848], %parallel_loop3A_854 : memref<64x129xf32, #tpu.memory_space<vmem>>[vector<16xi32>, vector<16xi32>], vector<16xf32>,
        %parallel_loop3A_858 = vector.broadcast %parallel_loop3A_846 : f32 to vector<16xf32>
        %parallel_loop3A_859 = arith.mulf %parallel_loop3A_788, %parallel_loop3A_858 : vector<16xf32>
        %parallel_loop3A_860 = vector.broadcast %parallel_loop3A_847 : f32 to vector<16xf32>
        %parallel_loop3A_861 = arith.subf %parallel_loop3A_859, %parallel_loop3A_860 : vector<16xf32>
        %parallel_loop3A_862 = arith.mulf %parallel_loop3A_861, %get3A_5 : vector<16xf32>
        %parallel_loop3A_863 = arith.addf %parallel_loop3A_862, %get3A_13 : vector<16xf32>
        %parallel_loop3A_864 = arith.constant 16 : i32
        %parallel_loop3A_865 = vector.broadcast %parallel_loop3A_864 : i32 to vector<16xi32>
        %parallel_loop3A_866 = arith.addi %iota3A, %parallel_loop3A_865 : vector<16xi32>
        tpu.vector_store_idx %arg13[%parallel_loop3A_866, %parallel_loop3A_848], %parallel_loop3A_863 : memref<64x129xf32, #tpu.memory_space<vmem>>[vector<16xi32>, vector<16xi32>], vector<16xf32>,
        %parallel_loop3A_867 = vector.broadcast %parallel_loop3A_846 : f32 to vector<16xf32>
        %parallel_loop3A_868 = arith.mulf %parallel_loop3A_791, %parallel_loop3A_867 : vector<16xf32>
        %parallel_loop3A_869 = vector.broadcast %parallel_loop3A_847 : f32 to vector<16xf32>
        %parallel_loop3A_870 = arith.subf %parallel_loop3A_868, %parallel_loop3A_869 : vector<16xf32>
        %parallel_loop3A_871 = arith.mulf %parallel_loop3A_870, %get3A_7 : vector<16xf32>
        %parallel_loop3A_872 = arith.addf %parallel_loop3A_871, %get3A_15 : vector<16xf32>
        %parallel_loop3A_873 = arith.constant 32 : i32
        %parallel_loop3A_874 = vector.broadcast %parallel_loop3A_873 : i32 to vector<16xi32>
        %parallel_loop3A_875 = arith.addi %iota3A, %parallel_loop3A_874 : vector<16xi32>
        tpu.vector_store_idx %arg13[%parallel_loop3A_875, %parallel_loop3A_848], %parallel_loop3A_872 : memref<64x129xf32, #tpu.memory_space<vmem>>[vector<16xi32>, vector<16xi32>], vector<16xf32>,
        %parallel_loop3A_876 = vector.broadcast %parallel_loop3A_846 : f32 to vector<16xf32>
        %parallel_loop3A_877 = arith.mulf %parallel_loop3A_794, %parallel_loop3A_876 : vector<16xf32>
        %parallel_loop3A_878 = vector.broadcast %parallel_loop3A_847 : f32 to vector<16xf32>
        %parallel_loop3A_879 = arith.subf %parallel_loop3A_877, %parallel_loop3A_878 : vector<16xf32>
        %parallel_loop3A_880 = arith.mulf %parallel_loop3A_879, %get3A_9 : vector<16xf32>
        %parallel_loop3A_881 = arith.addf %parallel_loop3A_880, %get3A_17 : vector<16xf32>
        %parallel_loop3A_882 = arith.constant 48 : i32
        %parallel_loop3A_883 = vector.broadcast %parallel_loop3A_882 : i32 to vector<16xi32>
        %parallel_loop3A_884 = arith.addi %iota3A, %parallel_loop3A_883 : vector<16xi32>
        tpu.vector_store_idx %arg13[%parallel_loop3A_884, %parallel_loop3A_848], %parallel_loop3A_881 : memref<64x129xf32, #tpu.memory_space<vmem>>[vector<16xi32>, vector<16xi32>], vector<16xf32>,
      } {sc.loop_unroll_factor = 4 : i64, sc.parallel_access}
      %jit3A_394 = arith.constant 4 : i32
      %div3A_395 = arith.divsi %mul3A_297, %jit3A_394 : i32
      %sign3A_396 = arith.constant 0 : i32
      %sign3A_397 = arith.cmpi sgt, %mul3A_297, %sign3A_396 : i32
      %sign3A_398 = arith.extui %sign3A_397 : i1 to i32
      %sign3A_399 = arith.constant 0 : i32
      %sign3A_400 = arith.cmpi slt, %mul3A_297, %sign3A_399 : i32
      %sign3A_401 = arith.extui %sign3A_400 : i1 to i32
      %sign3A_402 = arith.subi %sign3A_398, %sign3A_401 : i32
      %sign3A_403 = arith.constant 0 : i32
      %sign3A_404 = arith.cmpi sgt, %jit3A_394, %sign3A_403 : i32
      %sign3A_405 = arith.extui %sign3A_404 : i1 to i32
      %sign3A_406 = arith.constant 0 : i32
      %sign3A_407 = arith.cmpi slt, %jit3A_394, %sign3A_406 : i32
      %sign3A_408 = arith.extui %sign3A_407 : i1 to i32
      %sign3A_409 = arith.subi %sign3A_405, %sign3A_408 : i32
      %ne3A_410 = arith.cmpi ne, %sign3A_402, %sign3A_409 : i32
      %rem3A_411 = arith.remsi %mul3A_297, %jit3A_394 : i32
      %ne3A_412 = arith.constant 0 : i32
      %ne3A_413 = arith.cmpi ne, %rem3A_411, %ne3A_412 : i32
      %and3A_414 = arith.andi %ne3A_410, %ne3A_413 : i1
      %sub3A_415 = arith.constant 1 : i32
      %sub3A_416 = arith.subi %div3A_395, %sub3A_415 : i32
      %select_n3A_417 = arith.select %and3A_414, %sub3A_416, %div3A_395 : i32
      %mul3A_418 = arith.constant 4 : i32
      %mul3A_419 = arith.muli %select_n3A_417, %mul3A_418 : i32
      %sub3A_420 = arith.subi %mul3A_297, %mul3A_419 : i32
      %mul3A_421 = arith.constant 4 : i32
      %mul3A_422 = arith.muli %add3A, %mul3A_421 : i32
      %add3A_423 = arith.addi %mul3A_422, %sub3A_420 : i32
      %dma_start3A_424 = arith.constant 0 : i32
      %dma_start3A_425 = arith.constant 0 : i32
      %dma_start3A_426 = arith.constant 0 : i32
      %dma_start3A_427 = tpu.memref_slice %arg13[%dma_start3A_425, %dma_start3A_426] : memref<64x129xf32, #tpu.memory_space<vmem>> -> memref<8x128xf32, #tpu.memory_space<vmem>>
      %dma_start3A_428 = arith.constant 0 : i32
      %dma_start3A_429 = arith.constant 0 : i32
      %dma_start3A_430 = tpu.memref_slice %arg7[%select_n3A_417, %dma_start3A_424, %add3A_423, %dma_start3A_428, %dma_start3A_429] : memref<50x8x128x8x128xf32, #tpu.memory_space<hbm>> -> memref<1x1x1x8x128xf32, #tpu.memory_space<hbm>>
      %dma_start3A_431 = tpu.memref_squeeze %dma_start3A_430 : memref<1x1x1x8x128xf32, #tpu.memory_space<hbm>> -> memref<8x128xf32, #tpu.memory_space<hbm>>
      %dma_start3A_432 = arith.constant 0 : i32
      %dma_start3A_433 = arith.constant 0 : i32
      %dma_start3A_434 = tpu.memref_slice %arg7[%select_n3A_417, %dma_start3A_424, %add3A_423, %dma_start3A_432, %dma_start3A_433] : memref<50x8x128x8x128xf32, #tpu.memory_space<hbm>> -> memref<1x1x1x8x128xf32, #tpu.memory_space<hbm>>
      %dma_start3A_435 = tpu.memref_squeeze %dma_start3A_434 : memref<1x1x1x8x128xf32, #tpu.memory_space<hbm>> -> memref<8x128xf32, #tpu.memory_space<hbm>>
      %dma_start3A_436 = arith.constant 0 : i32
      %dma_start3A_437 = arith.constant 0 : i32
      %dma_start3A_438 = tpu.memref_slice %arg13[%dma_start3A_436, %dma_start3A_437] : memref<64x129xf32, #tpu.memory_space<vmem>> -> memref<8x128xf32, #tpu.memory_space<vmem>>
      tpu.enqueue_dma source(%dma_start3A_438 : memref<8x128xf32, #tpu.memory_space<vmem>>) target(%dma_start3A_435 : memref<8x128xf32, #tpu.memory_space<hbm>>) target_semaphore(%arg19 : memref<!tpu.dma_semaphore, #tpu.memory_space<semaphore_mem>>)
      %dma_start3A_439 = arith.constant 1 : i32
      %dma_start3A_440 = arith.constant 8 : i32
      %dma_start3A_441 = arith.constant 0 : i32
      %dma_start3A_442 = tpu.memref_slice %arg13[%dma_start3A_440, %dma_start3A_441] : memref<64x129xf32, #tpu.memory_space<vmem>> -> memref<8x128xf32, #tpu.memory_space<vmem>>
      %dma_start3A_443 = arith.constant 0 : i32
      %dma_start3A_444 = arith.constant 0 : i32
      %dma_start3A_445 = tpu.memref_slice %arg7[%select_n3A_417, %dma_start3A_439, %add3A_423, %dma_start3A_443, %dma_start3A_444] : memref<50x8x128x8x128xf32, #tpu.memory_space<hbm>> -> memref<1x1x1x8x128xf32, #tpu.memory_space<hbm>>
      %dma_start3A_446 = tpu.memref_squeeze %dma_start3A_445 : memref<1x1x1x8x128xf32, #tpu.memory_space<hbm>> -> memref<8x128xf32, #tpu.memory_space<hbm>>
      %dma_start3A_447 = arith.constant 0 : i32
      %dma_start3A_448 = arith.constant 0 : i32
      %dma_start3A_449 = tpu.memref_slice %arg7[%select_n3A_417, %dma_start3A_439, %add3A_423, %dma_start3A_447, %dma_start3A_448] : memref<50x8x128x8x128xf32, #tpu.memory_space<hbm>> -> memref<1x1x1x8x128xf32, #tpu.memory_space<hbm>>
      %dma_start3A_450 = tpu.memref_squeeze %dma_start3A_449 : memref<1x1x1x8x128xf32, #tpu.memory_space<hbm>> -> memref<8x128xf32, #tpu.memory_space<hbm>>
      %dma_start3A_451 = arith.constant 8 : i32
      %dma_start3A_452 = arith.constant 0 : i32
      %dma_start3A_453 = tpu.memref_slice %arg13[%dma_start3A_451, %dma_start3A_452] : memref<64x129xf32, #tpu.memory_space<vmem>> -> memref<8x128xf32, #tpu.memory_space<vmem>>
      tpu.enqueue_dma source(%dma_start3A_453 : memref<8x128xf32, #tpu.memory_space<vmem>>) target(%dma_start3A_450 : memref<8x128xf32, #tpu.memory_space<hbm>>) target_semaphore(%arg19 : memref<!tpu.dma_semaphore, #tpu.memory_space<semaphore_mem>>)
      %dma_start3A_454 = arith.constant 2 : i32
      %dma_start3A_455 = arith.constant 16 : i32
      %dma_start3A_456 = arith.constant 0 : i32
      %dma_start3A_457 = tpu.memref_slice %arg13[%dma_start3A_455, %dma_start3A_456] : memref<64x129xf32, #tpu.memory_space<vmem>> -> memref<8x128xf32, #tpu.memory_space<vmem>>
      %dma_start3A_458 = arith.constant 0 : i32
      %dma_start3A_459 = arith.constant 0 : i32
      %dma_start3A_460 = tpu.memref_slice %arg7[%select_n3A_417, %dma_start3A_454, %add3A_423, %dma_start3A_458, %dma_start3A_459] : memref<50x8x128x8x128xf32, #tpu.memory_space<hbm>> -> memref<1x1x1x8x128xf32, #tpu.memory_space<hbm>>
      %dma_start3A_461 = tpu.memref_squeeze %dma_start3A_460 : memref<1x1x1x8x128xf32, #tpu.memory_space<hbm>> -> memref<8x128xf32, #tpu.memory_space<hbm>>
      %dma_start3A_462 = arith.constant 0 : i32
      %dma_start3A_463 = arith.constant 0 : i32
      %dma_start3A_464 = tpu.memref_slice %arg7[%select_n3A_417, %dma_start3A_454, %add3A_423, %dma_start3A_462, %dma_start3A_463] : memref<50x8x128x8x128xf32, #tpu.memory_space<hbm>> -> memref<1x1x1x8x128xf32, #tpu.memory_space<hbm>>
      %dma_start3A_465 = tpu.memref_squeeze %dma_start3A_464 : memref<1x1x1x8x128xf32, #tpu.memory_space<hbm>> -> memref<8x128xf32, #tpu.memory_space<hbm>>
      %dma_start3A_466 = arith.constant 16 : i32
      %dma_start3A_467 = arith.constant 0 : i32
      %dma_start3A_468 = tpu.memref_slice %arg13[%dma_start3A_466, %dma_start3A_467] : memref<64x129xf32, #tpu.memory_space<vmem>> -> memref<8x128xf32, #tpu.memory_space<vmem>>
      tpu.enqueue_dma source(%dma_start3A_468 : memref<8x128xf32, #tpu.memory_space<vmem>>) target(%dma_start3A_465 : memref<8x128xf32, #tpu.memory_space<hbm>>) target_semaphore(%arg19 : memref<!tpu.dma_semaphore, #tpu.memory_space<semaphore_mem>>)
      %dma_start3A_469 = arith.constant 3 : i32
      %dma_start3A_470 = arith.constant 24 : i32
      %dma_start3A_471 = arith.constant 0 : i32
      %dma_start3A_472 = tpu.memref_slice %arg13[%dma_start3A_470, %dma_start3A_471] : memref<64x129xf32, #tpu.memory_space<vmem>> -> memref<8x128xf32, #tpu.memory_space<vmem>>
      %dma_start3A_473 = arith.constant 0 : i32
      %dma_start3A_474 = arith.constant 0 : i32
      %dma_start3A_475 = tpu.memref_slice %arg7[%select_n3A_417, %dma_start3A_469, %add3A_423, %dma_start3A_473, %dma_start3A_474] : memref<50x8x128x8x128xf32, #tpu.memory_space<hbm>> -> memref<1x1x1x8x128xf32, #tpu.memory_space<hbm>>
      %dma_start3A_476 = tpu.memref_squeeze %dma_start3A_475 : memref<1x1x1x8x128xf32, #tpu.memory_space<hbm>> -> memref<8x128xf32, #tpu.memory_space<hbm>>
      %dma_start3A_477 = arith.constant 0 : i32
      %dma_start3A_478 = arith.constant 0 : i32
      %dma_start3A_479 = tpu.memref_slice %arg7[%select_n3A_417, %dma_start3A_469, %add3A_423, %dma_start3A_477, %dma_start3A_478] : memref<50x8x128x8x128xf32, #tpu.memory_space<hbm>> -> memref<1x1x1x8x128xf32, #tpu.memory_space<hbm>>
      %dma_start3A_480 = tpu.memref_squeeze %dma_start3A_479 : memref<1x1x1x8x128xf32, #tpu.memory_space<hbm>> -> memref<8x128xf32, #tpu.memory_space<hbm>>
      %dma_start3A_481 = arith.constant 24 : i32
      %dma_start3A_482 = arith.constant 0 : i32
      %dma_start3A_483 = tpu.memref_slice %arg13[%dma_start3A_481, %dma_start3A_482] : memref<64x129xf32, #tpu.memory_space<vmem>> -> memref<8x128xf32, #tpu.memory_space<vmem>>
      tpu.enqueue_dma source(%dma_start3A_483 : memref<8x128xf32, #tpu.memory_space<vmem>>) target(%dma_start3A_480 : memref<8x128xf32, #tpu.memory_space<hbm>>) target_semaphore(%arg19 : memref<!tpu.dma_semaphore, #tpu.memory_space<semaphore_mem>>)
      %dma_start3A_484 = arith.constant 4 : i32
      %dma_start3A_485 = arith.constant 32 : i32
      %dma_start3A_486 = arith.constant 0 : i32
      %dma_start3A_487 = tpu.memref_slice %arg13[%dma_start3A_485, %dma_start3A_486] : memref<64x129xf32, #tpu.memory_space<vmem>> -> memref<8x128xf32, #tpu.memory_space<vmem>>
      %dma_start3A_488 = arith.constant 0 : i32
      %dma_start3A_489 = arith.constant 0 : i32
      %dma_start3A_490 = tpu.memref_slice %arg7[%select_n3A_417, %dma_start3A_484, %add3A_423, %dma_start3A_488, %dma_start3A_489] : memref<50x8x128x8x128xf32, #tpu.memory_space<hbm>> -> memref<1x1x1x8x128xf32, #tpu.memory_space<hbm>>
      %dma_start3A_491 = tpu.memref_squeeze %dma_start3A_490 : memref<1x1x1x8x128xf32, #tpu.memory_space<hbm>> -> memref<8x128xf32, #tpu.memory_space<hbm>>
      %dma_start3A_492 = arith.constant 0 : i32
      %dma_start3A_493 = arith.constant 0 : i32
      %dma_start3A_494 = tpu.memref_slice %arg7[%select_n3A_417, %dma_start3A_484, %add3A_423, %dma_start3A_492, %dma_start3A_493] : memref<50x8x128x8x128xf32, #tpu.memory_space<hbm>> -> memref<1x1x1x8x128xf32, #tpu.memory_space<hbm>>
      %dma_start3A_495 = tpu.memref_squeeze %dma_start3A_494 : memref<1x1x1x8x128xf32, #tpu.memory_space<hbm>> -> memref<8x128xf32, #tpu.memory_space<hbm>>
      %dma_start3A_496 = arith.constant 32 : i32
      %dma_start3A_497 = arith.constant 0 : i32
      %dma_start3A_498 = tpu.memref_slice %arg13[%dma_start3A_496, %dma_start3A_497] : memref<64x129xf32, #tpu.memory_space<vmem>> -> memref<8x128xf32, #tpu.memory_space<vmem>>
      tpu.enqueue_dma source(%dma_start3A_498 : memref<8x128xf32, #tpu.memory_space<vmem>>) target(%dma_start3A_495 : memref<8x128xf32, #tpu.memory_space<hbm>>) target_semaphore(%arg19 : memref<!tpu.dma_semaphore, #tpu.memory_space<semaphore_mem>>)
      %dma_start3A_499 = arith.constant 5 : i32
      %dma_start3A_500 = arith.constant 40 : i32
      %dma_start3A_501 = arith.constant 0 : i32
      %dma_start3A_502 = tpu.memref_slice %arg13[%dma_start3A_500, %dma_start3A_501] : memref<64x129xf32, #tpu.memory_space<vmem>> -> memref<8x128xf32, #tpu.memory_space<vmem>>
      %dma_start3A_503 = arith.constant 0 : i32
      %dma_start3A_504 = arith.constant 0 : i32
      %dma_start3A_505 = tpu.memref_slice %arg7[%select_n3A_417, %dma_start3A_499, %add3A_423, %dma_start3A_503, %dma_start3A_504] : memref<50x8x128x8x128xf32, #tpu.memory_space<hbm>> -> memref<1x1x1x8x128xf32, #tpu.memory_space<hbm>>
      %dma_start3A_506 = tpu.memref_squeeze %dma_start3A_505 : memref<1x1x1x8x128xf32, #tpu.memory_space<hbm>> -> memref<8x128xf32, #tpu.memory_space<hbm>>
      %dma_start3A_507 = arith.constant 0 : i32
      %dma_start3A_508 = arith.constant 0 : i32
      %dma_start3A_509 = tpu.memref_slice %arg7[%select_n3A_417, %dma_start3A_499, %add3A_423, %dma_start3A_507, %dma_start3A_508] : memref<50x8x128x8x128xf32, #tpu.memory_space<hbm>> -> memref<1x1x1x8x128xf32, #tpu.memory_space<hbm>>
      %dma_start3A_510 = tpu.memref_squeeze %dma_start3A_509 : memref<1x1x1x8x128xf32, #tpu.memory_space<hbm>> -> memref<8x128xf32, #tpu.memory_space<hbm>>
      %dma_start3A_511 = arith.constant 40 : i32
      %dma_start3A_512 = arith.constant 0 : i32
      %dma_start3A_513 = tpu.memref_slice %arg13[%dma_start3A_511, %dma_start3A_512] : memref<64x129xf32, #tpu.memory_space<vmem>> -> memref<8x128xf32, #tpu.memory_space<vmem>>
      tpu.enqueue_dma source(%dma_start3A_513 : memref<8x128xf32, #tpu.memory_space<vmem>>) target(%dma_start3A_510 : memref<8x128xf32, #tpu.memory_space<hbm>>) target_semaphore(%arg19 : memref<!tpu.dma_semaphore, #tpu.memory_space<semaphore_mem>>)
      %dma_start3A_514 = arith.constant 6 : i32
      %dma_start3A_515 = arith.constant 48 : i32
      %dma_start3A_516 = arith.constant 0 : i32
      %dma_start3A_517 = tpu.memref_slice %arg13[%dma_start3A_515, %dma_start3A_516] : memref<64x129xf32, #tpu.memory_space<vmem>> -> memref<8x128xf32, #tpu.memory_space<vmem>>
      %dma_start3A_518 = arith.constant 0 : i32
      %dma_start3A_519 = arith.constant 0 : i32
      %dma_start3A_520 = tpu.memref_slice %arg7[%select_n3A_417, %dma_start3A_514, %add3A_423, %dma_start3A_518, %dma_start3A_519] : memref<50x8x128x8x128xf32, #tpu.memory_space<hbm>> -> memref<1x1x1x8x128xf32, #tpu.memory_space<hbm>>
      %dma_start3A_521 = tpu.memref_squeeze %dma_start3A_520 : memref<1x1x1x8x128xf32, #tpu.memory_space<hbm>> -> memref<8x128xf32, #tpu.memory_space<hbm>>
      %dma_start3A_522 = arith.constant 0 : i32
      %dma_start3A_523 = arith.constant 0 : i32
      %dma_start3A_524 = tpu.memref_slice %arg7[%select_n3A_417, %dma_start3A_514, %add3A_423, %dma_start3A_522, %dma_start3A_523] : memref<50x8x128x8x128xf32, #tpu.memory_space<hbm>> -> memref<1x1x1x8x128xf32, #tpu.memory_space<hbm>>
      %dma_start3A_525 = tpu.memref_squeeze %dma_start3A_524 : memref<1x1x1x8x128xf32, #tpu.memory_space<hbm>> -> memref<8x128xf32, #tpu.memory_space<hbm>>
      %dma_start3A_526 = arith.constant 48 : i32
      %dma_start3A_527 = arith.constant 0 : i32
      %dma_start3A_528 = tpu.memref_slice %arg13[%dma_start3A_526, %dma_start3A_527] : memref<64x129xf32, #tpu.memory_space<vmem>> -> memref<8x128xf32, #tpu.memory_space<vmem>>
      tpu.enqueue_dma source(%dma_start3A_528 : memref<8x128xf32, #tpu.memory_space<vmem>>) target(%dma_start3A_525 : memref<8x128xf32, #tpu.memory_space<hbm>>) target_semaphore(%arg19 : memref<!tpu.dma_semaphore, #tpu.memory_space<semaphore_mem>>)
      %dma_start3A_529 = arith.constant 7 : i32
      %dma_start3A_530 = arith.constant 56 : i32
      %dma_start3A_531 = arith.constant 0 : i32
      %dma_start3A_532 = tpu.memref_slice %arg13[%dma_start3A_530, %dma_start3A_531] : memref<64x129xf32, #tpu.memory_space<vmem>> -> memref<8x128xf32, #tpu.memory_space<vmem>>
      %dma_start3A_533 = arith.constant 0 : i32
      %dma_start3A_534 = arith.constant 0 : i32
      %dma_start3A_535 = tpu.memref_slice %arg7[%select_n3A_417, %dma_start3A_529, %add3A_423, %dma_start3A_533, %dma_start3A_534] : memref<50x8x128x8x128xf32, #tpu.memory_space<hbm>> -> memref<1x1x1x8x128xf32, #tpu.memory_space<hbm>>
      %dma_start3A_536 = tpu.memref_squeeze %dma_start3A_535 : memref<1x1x1x8x128xf32, #tpu.memory_space<hbm>> -> memref<8x128xf32, #tpu.memory_space<hbm>>
      %dma_start3A_537 = arith.constant 0 : i32
      %dma_start3A_538 = arith.constant 0 : i32
      %dma_start3A_539 = tpu.memref_slice %arg7[%select_n3A_417, %dma_start3A_529, %add3A_423, %dma_start3A_537, %dma_start3A_538] : memref<50x8x128x8x128xf32, #tpu.memory_space<hbm>> -> memref<1x1x1x8x128xf32, #tpu.memory_space<hbm>>
      %dma_start3A_540 = tpu.memref_squeeze %dma_start3A_539 : memref<1x1x1x8x128xf32, #tpu.memory_space<hbm>> -> memref<8x128xf32, #tpu.memory_space<hbm>>
      %dma_start3A_541 = arith.constant 56 : i32
      %dma_start3A_542 = arith.constant 0 : i32
      %dma_start3A_543 = tpu.memref_slice %arg13[%dma_start3A_541, %dma_start3A_542] : memref<64x129xf32, #tpu.memory_space<vmem>> -> memref<8x128xf32, #tpu.memory_space<vmem>>
      tpu.enqueue_dma source(%dma_start3A_543 : memref<8x128xf32, #tpu.memory_space<vmem>>) target(%dma_start3A_540 : memref<8x128xf32, #tpu.memory_space<hbm>>) target_semaphore(%arg19 : memref<!tpu.dma_semaphore, #tpu.memory_space<semaphore_mem>>)
      %lt3A = arith.constant 99 : i32
      %lt3A_544 = arith.cmpi slt, %scan3A_295, %lt3A : i32
      %convert_element_type3A_545 = arith.extui %lt3A_544 : i1 to i32
      %cond3A_546 = arith.constant 0 : i32
      %cond3A_547 = arith.cmpi ne, %convert_element_type3A_545, %cond3A_546 : i32
      scf.if %cond3A_547 {
        %add3A_776 = arith.constant 2 : i32
        %add3A_777 = arith.addi %mul3A_297, %add3A_776 : i32
        %jit3A_778 = arith.constant 4 : i32
        %div3A_779 = arith.divsi %add3A_777, %jit3A_778 : i32
        %sign3A_780 = arith.constant 0 : i32
        %sign3A_781 = arith.cmpi sgt, %add3A_777, %sign3A_780 : i32
        %sign3A_782 = arith.extui %sign3A_781 : i1 to i32
        %sign3A_783 = arith.constant 0 : i32
        %sign3A_784 = arith.cmpi slt, %add3A_777, %sign3A_783 : i32
        %sign3A_785 = arith.extui %sign3A_784 : i1 to i32
        %sign3A_786 = arith.subi %sign3A_782, %sign3A_785 : i32
        %sign3A_787 = arith.constant 0 : i32
        %sign3A_788 = arith.cmpi sgt, %jit3A_778, %sign3A_787 : i32
        %sign3A_789 = arith.extui %sign3A_788 : i1 to i32
        %sign3A_790 = arith.constant 0 : i32
        %sign3A_791 = arith.cmpi slt, %jit3A_778, %sign3A_790 : i32
        %sign3A_792 = arith.extui %sign3A_791 : i1 to i32
        %sign3A_793 = arith.subi %sign3A_789, %sign3A_792 : i32
        %ne3A_794 = arith.cmpi ne, %sign3A_786, %sign3A_793 : i32
        %rem3A_795 = arith.remsi %add3A_777, %jit3A_778 : i32
        %ne3A_796 = arith.constant 0 : i32
        %ne3A_797 = arith.cmpi ne, %rem3A_795, %ne3A_796 : i32
        %and3A_798 = arith.andi %ne3A_794, %ne3A_797 : i1
        %sub3A_799 = arith.constant 1 : i32
        %sub3A_800 = arith.subi %div3A_779, %sub3A_799 : i32
        %select_n3A_801 = arith.select %and3A_798, %sub3A_800, %div3A_779 : i32
        %mul3A_802 = arith.constant 4 : i32
        %mul3A_803 = arith.muli %select_n3A_801, %mul3A_802 : i32
        %sub3A_804 = arith.subi %add3A_777, %mul3A_803 : i32
        %mul3A_805 = arith.constant 128 : i32
        %mul3A_806 = arith.muli %sub3A_804, %mul3A_805 : i32
        %dma_start3A_807 = tpu.memref_slice %arg8[%select_n3A_801, %mul3A_806] : memref<50x512xi32, #tpu.memory_space<vmem>> -> memref<1x128xi32, #tpu.memory_space<vmem>>
        %dma_start3A_808 = tpu.memref_squeeze %dma_start3A_807 : memref<1x128xi32, #tpu.memory_space<vmem>> -> memref<128xi32, #tpu.memory_space<vmem>>
        %dma_start3A_809 = arith.constant 0 : i32
        %dma_start3A_810 = arith.constant 0 : i32
        %dma_start3A_811 = tpu.memref_slice %arg2[%dma_start3A_809, %dma_start3A_810] : memref<100000x64xf32, #tpu.memory_space<hbm>> -> memref<100000x64xf32, #tpu.memory_space<hbm>>
        tpu.enqueue_indirect_dma source(%dma_start3A_811 : memref<100000x64xf32, #tpu.memory_space<hbm>>) target(%arg11 : memref<128x64xf32, #tpu.memory_space<vmem>>) offsets(%dma_start3A_808 : memref<128xi32, #tpu.memory_space<vmem>>) semaphore(%arg17 : memref<!tpu.dma_semaphore, #tpu.memory_space<semaphore_mem>>)
      } else {
      }
      %add3A_548 = arith.constant 1 : i32
      %add3A_549 = arith.addi %mul3A_297, %add3A_548 : i32
      %jit3A_550 = arith.constant 4 : i32
      %div3A_551 = arith.divsi %add3A_549, %jit3A_550 : i32
      %sign3A_552 = arith.constant 0 : i32
      %sign3A_553 = arith.cmpi sgt, %add3A_549, %sign3A_552 : i32
      %sign3A_554 = arith.extui %sign3A_553 : i1 to i32
      %sign3A_555 = arith.constant 0 : i32
      %sign3A_556 = arith.cmpi slt, %add3A_549, %sign3A_555 : i32
      %sign3A_557 = arith.extui %sign3A_556 : i1 to i32
      %sign3A_558 = arith.subi %sign3A_554, %sign3A_557 : i32
      %sign3A_559 = arith.constant 0 : i32
      %sign3A_560 = arith.cmpi sgt, %jit3A_550, %sign3A_559 : i32
      %sign3A_561 = arith.extui %sign3A_560 : i1 to i32
      %sign3A_562 = arith.constant 0 : i32
      %sign3A_563 = arith.cmpi slt, %jit3A_550, %sign3A_562 : i32
      %sign3A_564 = arith.extui %sign3A_563 : i1 to i32
      %sign3A_565 = arith.subi %sign3A_561, %sign3A_564 : i32
      %ne3A_566 = arith.cmpi ne, %sign3A_558, %sign3A_565 : i32
      %rem3A_567 = arith.remsi %add3A_549, %jit3A_550 : i32
      %ne3A_568 = arith.constant 0 : i32
      %ne3A_569 = arith.cmpi ne, %rem3A_567, %ne3A_568 : i32
      %and3A_570 = arith.andi %ne3A_566, %ne3A_569 : i1
      %sub3A_571 = arith.constant 1 : i32
      %sub3A_572 = arith.subi %div3A_551, %sub3A_571 : i32
      %select_n3A_573 = arith.select %and3A_570, %sub3A_572, %div3A_551 : i32
      %mul3A_574 = arith.constant 4 : i32
      %mul3A_575 = arith.muli %select_n3A_573, %mul3A_574 : i32
      %sub3A_576 = arith.subi %add3A_549, %mul3A_575 : i32
      %mul3A_577 = arith.constant 128 : i32
      %mul3A_578 = arith.muli %sub3A_576, %mul3A_577 : i32
      %dma_wait3A_579 = tpu.memref_slice %arg8[%select_n3A_573, %mul3A_578] : memref<50x512xi32, #tpu.memory_space<vmem>> -> memref<1x128xi32, #tpu.memory_space<vmem>>
      %dma_wait3A_580 = tpu.memref_squeeze %dma_wait3A_579 : memref<1x128xi32, #tpu.memory_space<vmem>> -> memref<128xi32, #tpu.memory_space<vmem>>
      %dma_wait3A_581 = arith.constant 0 : i32
      %dma_wait3A_582 = arith.constant 0 : i32
      %dma_wait3A_583 = tpu.memref_slice %arg2[%dma_wait3A_581, %dma_wait3A_582] : memref<100000x64xf32, #tpu.memory_space<hbm>> -> memref<100000x64xf32, #tpu.memory_space<hbm>>
      tpu.wait_indirect_dma semaphore(%arg18 : memref<!tpu.dma_semaphore, #tpu.memory_space<semaphore_mem>>) src(%dma_wait3A_583 : memref<100000x64xf32, #tpu.memory_space<hbm>>) dst(%arg12 : memref<128x64xf32, #tpu.memory_space<vmem>>)
      %gt3A_584 = arith.constant 0 : i32
      %gt3A_585 = arith.cmpi sgt, %scan3A_295, %gt3A_584 : i32
      %convert_element_type3A_586 = arith.extui %gt3A_585 : i1 to i32
      %cond3A_587 = arith.constant 0 : i32
      %cond3A_588 = arith.cmpi ne, %convert_element_type3A_586, %cond3A_587 : i32
      scf.if %cond3A_588 {
        %sub3A_776 = arith.constant 1 : i32
        %sub3A_777 = arith.subi %mul3A_297, %sub3A_776 : i32
        %jit3A_778 = arith.constant 4 : i32
        %div3A_779 = arith.divsi %sub3A_777, %jit3A_778 : i32
        %sign3A_780 = arith.constant 0 : i32
        %sign3A_781 = arith.cmpi sgt, %sub3A_777, %sign3A_780 : i32
        %sign3A_782 = arith.extui %sign3A_781 : i1 to i32
        %sign3A_783 = arith.constant 0 : i32
        %sign3A_784 = arith.cmpi slt, %sub3A_777, %sign3A_783 : i32
        %sign3A_785 = arith.extui %sign3A_784 : i1 to i32
        %sign3A_786 = arith.subi %sign3A_782, %sign3A_785 : i32
        %sign3A_787 = arith.constant 0 : i32
        %sign3A_788 = arith.cmpi sgt, %jit3A_778, %sign3A_787 : i32
        %sign3A_789 = arith.extui %sign3A_788 : i1 to i32
        %sign3A_790 = arith.constant 0 : i32
        %sign3A_791 = arith.cmpi slt, %jit3A_778, %sign3A_790 : i32
        %sign3A_792 = arith.extui %sign3A_791 : i1 to i32
        %sign3A_793 = arith.subi %sign3A_789, %sign3A_792 : i32
        %ne3A_794 = arith.cmpi ne, %sign3A_786, %sign3A_793 : i32
        %rem3A_795 = arith.remsi %sub3A_777, %jit3A_778 : i32
        %ne3A_796 = arith.constant 0 : i32
        %ne3A_797 = arith.cmpi ne, %rem3A_795, %ne3A_796 : i32
        %and3A_798 = arith.andi %ne3A_794, %ne3A_797 : i1
        %sub3A_799 = arith.constant 1 : i32
        %sub3A_800 = arith.subi %div3A_779, %sub3A_799 : i32
        %select_n3A_801 = arith.select %and3A_798, %sub3A_800, %div3A_779 : i32
        %mul3A_802 = arith.constant 4 : i32
        %mul3A_803 = arith.muli %select_n3A_801, %mul3A_802 : i32
        %sub3A_804 = arith.subi %sub3A_777, %mul3A_803 : i32
        %mul3A_805 = arith.constant 4 : i32
        %mul3A_806 = arith.muli %add3A, %mul3A_805 : i32
        %add3A_807 = arith.addi %mul3A_806, %sub3A_804 : i32
        %dma_wait3A_808 = arith.constant 0 : i32
        %dma_wait3A_809 = arith.constant 0 : i32
        %dma_wait3A_810 = arith.constant 0 : i32
        %dma_wait3A_811 = tpu.memref_slice %arg14[%dma_wait3A_809, %dma_wait3A_810] : memref<64x129xf32, #tpu.memory_space<vmem>> -> memref<8x128xf32, #tpu.memory_space<vmem>>
        %dma_wait3A_812 = arith.constant 0 : i32
        %dma_wait3A_813 = arith.constant 0 : i32
        %dma_wait3A_814 = tpu.memref_slice %arg7[%select_n3A_801, %dma_wait3A_808, %add3A_807, %dma_wait3A_812, %dma_wait3A_813] : memref<50x8x128x8x128xf32, #tpu.memory_space<hbm>> -> memref<1x1x1x8x128xf32, #tpu.memory_space<hbm>>
        %dma_wait3A_815 = tpu.memref_squeeze %dma_wait3A_814 : memref<1x1x1x8x128xf32, #tpu.memory_space<hbm>> -> memref<8x128xf32, #tpu.memory_space<hbm>>
        %dma_wait3A_816 = arith.constant 0 : i32
        %dma_wait3A_817 = arith.constant 0 : i32
        %dma_wait3A_818 = tpu.memref_slice %arg7[%select_n3A_801, %dma_wait3A_808, %add3A_807, %dma_wait3A_816, %dma_wait3A_817] : memref<50x8x128x8x128xf32, #tpu.memory_space<hbm>> -> memref<1x1x1x8x128xf32, #tpu.memory_space<hbm>>
        %dma_wait3A_819 = tpu.memref_squeeze %dma_wait3A_818 : memref<1x1x1x8x128xf32, #tpu.memory_space<hbm>> -> memref<8x128xf32, #tpu.memory_space<hbm>>
        %dma_wait3A_820 = arith.constant 0 : i32
        %dma_wait3A_821 = arith.constant 0 : i32
        %dma_wait3A_822 = tpu.memref_slice %arg14[%dma_wait3A_820, %dma_wait3A_821] : memref<64x129xf32, #tpu.memory_space<vmem>> -> memref<8x128xf32, #tpu.memory_space<vmem>>
        tpu.wait_dma2 semaphore(%arg20 : memref<!tpu.dma_semaphore, #tpu.memory_space<semaphore_mem>>) src(%dma_wait3A_822 : memref<8x128xf32, #tpu.memory_space<vmem>>) dst(%dma_wait3A_819 : memref<8x128xf32, #tpu.memory_space<hbm>>)
        %dma_wait3A_823 = arith.constant 1 : i32
        %dma_wait3A_824 = arith.constant 8 : i32
        %dma_wait3A_825 = arith.constant 0 : i32
        %dma_wait3A_826 = tpu.memref_slice %arg14[%dma_wait3A_824, %dma_wait3A_825] : memref<64x129xf32, #tpu.memory_space<vmem>> -> memref<8x128xf32, #tpu.memory_space<vmem>>
        %dma_wait3A_827 = arith.constant 0 : i32
        %dma_wait3A_828 = arith.constant 0 : i32
        %dma_wait3A_829 = tpu.memref_slice %arg7[%select_n3A_801, %dma_wait3A_823, %add3A_807, %dma_wait3A_827, %dma_wait3A_828] : memref<50x8x128x8x128xf32, #tpu.memory_space<hbm>> -> memref<1x1x1x8x128xf32, #tpu.memory_space<hbm>>
        %dma_wait3A_830 = tpu.memref_squeeze %dma_wait3A_829 : memref<1x1x1x8x128xf32, #tpu.memory_space<hbm>> -> memref<8x128xf32, #tpu.memory_space<hbm>>
        %dma_wait3A_831 = arith.constant 0 : i32
        %dma_wait3A_832 = arith.constant 0 : i32
        %dma_wait3A_833 = tpu.memref_slice %arg7[%select_n3A_801, %dma_wait3A_823, %add3A_807, %dma_wait3A_831, %dma_wait3A_832] : memref<50x8x128x8x128xf32, #tpu.memory_space<hbm>> -> memref<1x1x1x8x128xf32, #tpu.memory_space<hbm>>
        %dma_wait3A_834 = tpu.memref_squeeze %dma_wait3A_833 : memref<1x1x1x8x128xf32, #tpu.memory_space<hbm>> -> memref<8x128xf32, #tpu.memory_space<hbm>>
        %dma_wait3A_835 = arith.constant 8 : i32
        %dma_wait3A_836 = arith.constant 0 : i32
        %dma_wait3A_837 = tpu.memref_slice %arg14[%dma_wait3A_835, %dma_wait3A_836] : memref<64x129xf32, #tpu.memory_space<vmem>> -> memref<8x128xf32, #tpu.memory_space<vmem>>
        tpu.wait_dma2 semaphore(%arg20 : memref<!tpu.dma_semaphore, #tpu.memory_space<semaphore_mem>>) src(%dma_wait3A_837 : memref<8x128xf32, #tpu.memory_space<vmem>>) dst(%dma_wait3A_834 : memref<8x128xf32, #tpu.memory_space<hbm>>)
        %dma_wait3A_838 = arith.constant 2 : i32
        %dma_wait3A_839 = arith.constant 16 : i32
        %dma_wait3A_840 = arith.constant 0 : i32
        %dma_wait3A_841 = tpu.memref_slice %arg14[%dma_wait3A_839, %dma_wait3A_840] : memref<64x129xf32, #tpu.memory_space<vmem>> -> memref<8x128xf32, #tpu.memory_space<vmem>>
        %dma_wait3A_842 = arith.constant 0 : i32
        %dma_wait3A_843 = arith.constant 0 : i32
        %dma_wait3A_844 = tpu.memref_slice %arg7[%select_n3A_801, %dma_wait3A_838, %add3A_807, %dma_wait3A_842, %dma_wait3A_843] : memref<50x8x128x8x128xf32, #tpu.memory_space<hbm>> -> memref<1x1x1x8x128xf32, #tpu.memory_space<hbm>>
        %dma_wait3A_845 = tpu.memref_squeeze %dma_wait3A_844 : memref<1x1x1x8x128xf32, #tpu.memory_space<hbm>> -> memref<8x128xf32, #tpu.memory_space<hbm>>
        %dma_wait3A_846 = arith.constant 0 : i32
        %dma_wait3A_847 = arith.constant 0 : i32
        %dma_wait3A_848 = tpu.memref_slice %arg7[%select_n3A_801, %dma_wait3A_838, %add3A_807, %dma_wait3A_846, %dma_wait3A_847] : memref<50x8x128x8x128xf32, #tpu.memory_space<hbm>> -> memref<1x1x1x8x128xf32, #tpu.memory_space<hbm>>
        %dma_wait3A_849 = tpu.memref_squeeze %dma_wait3A_848 : memref<1x1x1x8x128xf32, #tpu.memory_space<hbm>> -> memref<8x128xf32, #tpu.memory_space<hbm>>
        %dma_wait3A_850 = arith.constant 16 : i32
        %dma_wait3A_851 = arith.constant 0 : i32
        %dma_wait3A_852 = tpu.memref_slice %arg14[%dma_wait3A_850, %dma_wait3A_851] : memref<64x129xf32, #tpu.memory_space<vmem>> -> memref<8x128xf32, #tpu.memory_space<vmem>>
        tpu.wait_dma2 semaphore(%arg20 : memref<!tpu.dma_semaphore, #tpu.memory_space<semaphore_mem>>) src(%dma_wait3A_852 : memref<8x128xf32, #tpu.memory_space<vmem>>) dst(%dma_wait3A_849 : memref<8x128xf32, #tpu.memory_space<hbm>>)
        %dma_wait3A_853 = arith.constant 3 : i32
        %dma_wait3A_854 = arith.constant 24 : i32
        %dma_wait3A_855 = arith.constant 0 : i32
        %dma_wait3A_856 = tpu.memref_slice %arg14[%dma_wait3A_854, %dma_wait3A_855] : memref<64x129xf32, #tpu.memory_space<vmem>> -> memref<8x128xf32, #tpu.memory_space<vmem>>
        %dma_wait3A_857 = arith.constant 0 : i32
        %dma_wait3A_858 = arith.constant 0 : i32
        %dma_wait3A_859 = tpu.memref_slice %arg7[%select_n3A_801, %dma_wait3A_853, %add3A_807, %dma_wait3A_857, %dma_wait3A_858] : memref<50x8x128x8x128xf32, #tpu.memory_space<hbm>> -> memref<1x1x1x8x128xf32, #tpu.memory_space<hbm>>
        %dma_wait3A_860 = tpu.memref_squeeze %dma_wait3A_859 : memref<1x1x1x8x128xf32, #tpu.memory_space<hbm>> -> memref<8x128xf32, #tpu.memory_space<hbm>>
        %dma_wait3A_861 = arith.constant 0 : i32
        %dma_wait3A_862 = arith.constant 0 : i32
        %dma_wait3A_863 = tpu.memref_slice %arg7[%select_n3A_801, %dma_wait3A_853, %add3A_807, %dma_wait3A_861, %dma_wait3A_862] : memref<50x8x128x8x128xf32, #tpu.memory_space<hbm>> -> memref<1x1x1x8x128xf32, #tpu.memory_space<hbm>>
        %dma_wait3A_864 = tpu.memref_squeeze %dma_wait3A_863 : memref<1x1x1x8x128xf32, #tpu.memory_space<hbm>> -> memref<8x128xf32, #tpu.memory_space<hbm>>
        %dma_wait3A_865 = arith.constant 24 : i32
        %dma_wait3A_866 = arith.constant 0 : i32
        %dma_wait3A_867 = tpu.memref_slice %arg14[%dma_wait3A_865, %dma_wait3A_866] : memref<64x129xf32, #tpu.memory_space<vmem>> -> memref<8x128xf32, #tpu.memory_space<vmem>>
        tpu.wait_dma2 semaphore(%arg20 : memref<!tpu.dma_semaphore, #tpu.memory_space<semaphore_mem>>) src(%dma_wait3A_867 : memref<8x128xf32, #tpu.memory_space<vmem>>) dst(%dma_wait3A_864 : memref<8x128xf32, #tpu.memory_space<hbm>>)
        %dma_wait3A_868 = arith.constant 4 : i32
        %dma_wait3A_869 = arith.constant 32 : i32
        %dma_wait3A_870 = arith.constant 0 : i32
        %dma_wait3A_871 = tpu.memref_slice %arg14[%dma_wait3A_869, %dma_wait3A_870] : memref<64x129xf32, #tpu.memory_space<vmem>> -> memref<8x128xf32, #tpu.memory_space<vmem>>
        %dma_wait3A_872 = arith.constant 0 : i32
        %dma_wait3A_873 = arith.constant 0 : i32
        %dma_wait3A_874 = tpu.memref_slice %arg7[%select_n3A_801, %dma_wait3A_868, %add3A_807, %dma_wait3A_872, %dma_wait3A_873] : memref<50x8x128x8x128xf32, #tpu.memory_space<hbm>> -> memref<1x1x1x8x128xf32, #tpu.memory_space<hbm>>
        %dma_wait3A_875 = tpu.memref_squeeze %dma_wait3A_874 : memref<1x1x1x8x128xf32, #tpu.memory_space<hbm>> -> memref<8x128xf32, #tpu.memory_space<hbm>>
        %dma_wait3A_876 = arith.constant 0 : i32
        %dma_wait3A_877 = arith.constant 0 : i32
        %dma_wait3A_878 = tpu.memref_slice %arg7[%select_n3A_801, %dma_wait3A_868, %add3A_807, %dma_wait3A_876, %dma_wait3A_877] : memref<50x8x128x8x128xf32, #tpu.memory_space<hbm>> -> memref<1x1x1x8x128xf32, #tpu.memory_space<hbm>>
        %dma_wait3A_879 = tpu.memref_squeeze %dma_wait3A_878 : memref<1x1x1x8x128xf32, #tpu.memory_space<hbm>> -> memref<8x128xf32, #tpu.memory_space<hbm>>
        %dma_wait3A_880 = arith.constant 32 : i32
        %dma_wait3A_881 = arith.constant 0 : i32
        %dma_wait3A_882 = tpu.memref_slice %arg14[%dma_wait3A_880, %dma_wait3A_881] : memref<64x129xf32, #tpu.memory_space<vmem>> -> memref<8x128xf32, #tpu.memory_space<vmem>>
        tpu.wait_dma2 semaphore(%arg20 : memref<!tpu.dma_semaphore, #tpu.memory_space<semaphore_mem>>) src(%dma_wait3A_882 : memref<8x128xf32, #tpu.memory_space<vmem>>) dst(%dma_wait3A_879 : memref<8x128xf32, #tpu.memory_space<hbm>>)
        %dma_wait3A_883 = arith.constant 5 : i32
        %dma_wait3A_884 = arith.constant 40 : i32
        %dma_wait3A_885 = arith.constant 0 : i32
        %dma_wait3A_886 = tpu.memref_slice %arg14[%dma_wait3A_884, %dma_wait3A_885] : memref<64x129xf32, #tpu.memory_space<vmem>> -> memref<8x128xf32, #tpu.memory_space<vmem>>
        %dma_wait3A_887 = arith.constant 0 : i32
        %dma_wait3A_888 = arith.constant 0 : i32
        %dma_wait3A_889 = tpu.memref_slice %arg7[%select_n3A_801, %dma_wait3A_883, %add3A_807, %dma_wait3A_887, %dma_wait3A_888] : memref<50x8x128x8x128xf32, #tpu.memory_space<hbm>> -> memref<1x1x1x8x128xf32, #tpu.memory_space<hbm>>
        %dma_wait3A_890 = tpu.memref_squeeze %dma_wait3A_889 : memref<1x1x1x8x128xf32, #tpu.memory_space<hbm>> -> memref<8x128xf32, #tpu.memory_space<hbm>>
        %dma_wait3A_891 = arith.constant 0 : i32
        %dma_wait3A_892 = arith.constant 0 : i32
        %dma_wait3A_893 = tpu.memref_slice %arg7[%select_n3A_801, %dma_wait3A_883, %add3A_807, %dma_wait3A_891, %dma_wait3A_892] : memref<50x8x128x8x128xf32, #tpu.memory_space<hbm>> -> memref<1x1x1x8x128xf32, #tpu.memory_space<hbm>>
        %dma_wait3A_894 = tpu.memref_squeeze %dma_wait3A_893 : memref<1x1x1x8x128xf32, #tpu.memory_space<hbm>> -> memref<8x128xf32, #tpu.memory_space<hbm>>
        %dma_wait3A_895 = arith.constant 40 : i32
        %dma_wait3A_896 = arith.constant 0 : i32
        %dma_wait3A_897 = tpu.memref_slice %arg14[%dma_wait3A_895, %dma_wait3A_896] : memref<64x129xf32, #tpu.memory_space<vmem>> -> memref<8x128xf32, #tpu.memory_space<vmem>>
        tpu.wait_dma2 semaphore(%arg20 : memref<!tpu.dma_semaphore, #tpu.memory_space<semaphore_mem>>) src(%dma_wait3A_897 : memref<8x128xf32, #tpu.memory_space<vmem>>) dst(%dma_wait3A_894 : memref<8x128xf32, #tpu.memory_space<hbm>>)
        %dma_wait3A_898 = arith.constant 6 : i32
        %dma_wait3A_899 = arith.constant 48 : i32
        %dma_wait3A_900 = arith.constant 0 : i32
        %dma_wait3A_901 = tpu.memref_slice %arg14[%dma_wait3A_899, %dma_wait3A_900] : memref<64x129xf32, #tpu.memory_space<vmem>> -> memref<8x128xf32, #tpu.memory_space<vmem>>
        %dma_wait3A_902 = arith.constant 0 : i32
        %dma_wait3A_903 = arith.constant 0 : i32
        %dma_wait3A_904 = tpu.memref_slice %arg7[%select_n3A_801, %dma_wait3A_898, %add3A_807, %dma_wait3A_902, %dma_wait3A_903] : memref<50x8x128x8x128xf32, #tpu.memory_space<hbm>> -> memref<1x1x1x8x128xf32, #tpu.memory_space<hbm>>
        %dma_wait3A_905 = tpu.memref_squeeze %dma_wait3A_904 : memref<1x1x1x8x128xf32, #tpu.memory_space<hbm>> -> memref<8x128xf32, #tpu.memory_space<hbm>>
        %dma_wait3A_906 = arith.constant 0 : i32
        %dma_wait3A_907 = arith.constant 0 : i32
        %dma_wait3A_908 = tpu.memref_slice %arg7[%select_n3A_801, %dma_wait3A_898, %add3A_807, %dma_wait3A_906, %dma_wait3A_907] : memref<50x8x128x8x128xf32, #tpu.memory_space<hbm>> -> memref<1x1x1x8x128xf32, #tpu.memory_space<hbm>>
        %dma_wait3A_909 = tpu.memref_squeeze %dma_wait3A_908 : memref<1x1x1x8x128xf32, #tpu.memory_space<hbm>> -> memref<8x128xf32, #tpu.memory_space<hbm>>
        %dma_wait3A_910 = arith.constant 48 : i32
        %dma_wait3A_911 = arith.constant 0 : i32
        %dma_wait3A_912 = tpu.memref_slice %arg14[%dma_wait3A_910, %dma_wait3A_911] : memref<64x129xf32, #tpu.memory_space<vmem>> -> memref<8x128xf32, #tpu.memory_space<vmem>>
        tpu.wait_dma2 semaphore(%arg20 : memref<!tpu.dma_semaphore, #tpu.memory_space<semaphore_mem>>) src(%dma_wait3A_912 : memref<8x128xf32, #tpu.memory_space<vmem>>) dst(%dma_wait3A_909 : memref<8x128xf32, #tpu.memory_space<hbm>>)
        %dma_wait3A_913 = arith.constant 7 : i32
        %dma_wait3A_914 = arith.constant 56 : i32
        %dma_wait3A_915 = arith.constant 0 : i32
        %dma_wait3A_916 = tpu.memref_slice %arg14[%dma_wait3A_914, %dma_wait3A_915] : memref<64x129xf32, #tpu.memory_space<vmem>> -> memref<8x128xf32, #tpu.memory_space<vmem>>
        %dma_wait3A_917 = arith.constant 0 : i32
        %dma_wait3A_918 = arith.constant 0 : i32
        %dma_wait3A_919 = tpu.memref_slice %arg7[%select_n3A_801, %dma_wait3A_913, %add3A_807, %dma_wait3A_917, %dma_wait3A_918] : memref<50x8x128x8x128xf32, #tpu.memory_space<hbm>> -> memref<1x1x1x8x128xf32, #tpu.memory_space<hbm>>
        %dma_wait3A_920 = tpu.memref_squeeze %dma_wait3A_919 : memref<1x1x1x8x128xf32, #tpu.memory_space<hbm>> -> memref<8x128xf32, #tpu.memory_space<hbm>>
        %dma_wait3A_921 = arith.constant 0 : i32
        %dma_wait3A_922 = arith.constant 0 : i32
        %dma_wait3A_923 = tpu.memref_slice %arg7[%select_n3A_801, %dma_wait3A_913, %add3A_807, %dma_wait3A_921, %dma_wait3A_922] : memref<50x8x128x8x128xf32, #tpu.memory_space<hbm>> -> memref<1x1x1x8x128xf32, #tpu.memory_space<hbm>>
        %dma_wait3A_924 = tpu.memref_squeeze %dma_wait3A_923 : memref<1x1x1x8x128xf32, #tpu.memory_space<hbm>> -> memref<8x128xf32, #tpu.memory_space<hbm>>
        %dma_wait3A_925 = arith.constant 56 : i32
        %dma_wait3A_926 = arith.constant 0 : i32
        %dma_wait3A_927 = tpu.memref_slice %arg14[%dma_wait3A_925, %dma_wait3A_926] : memref<64x129xf32, #tpu.memory_space<vmem>> -> memref<8x128xf32, #tpu.memory_space<vmem>>
        tpu.wait_dma2 semaphore(%arg20 : memref<!tpu.dma_semaphore, #tpu.memory_space<semaphore_mem>>) src(%dma_wait3A_927 : memref<8x128xf32, #tpu.memory_space<vmem>>) dst(%dma_wait3A_924 : memref<8x128xf32, #tpu.memory_space<hbm>>)
      } else {
      }
      %add3A_589 = arith.constant 1 : i32
      %add3A_590 = arith.addi %mul3A_297, %add3A_589 : i32
      %jit3A_591 = arith.constant 4 : i32
      %div3A_592 = arith.divsi %add3A_590, %jit3A_591 : i32
      %sign3A_593 = arith.constant 0 : i32
      %sign3A_594 = arith.cmpi sgt, %add3A_590, %sign3A_593 : i32
      %sign3A_595 = arith.extui %sign3A_594 : i1 to i32
      %sign3A_596 = arith.constant 0 : i32
      %sign3A_597 = arith.cmpi slt, %add3A_590, %sign3A_596 : i32
      %sign3A_598 = arith.extui %sign3A_597 : i1 to i32
      %sign3A_599 = arith.subi %sign3A_595, %sign3A_598 : i32
      %sign3A_600 = arith.constant 0 : i32
      %sign3A_601 = arith.cmpi sgt, %jit3A_591, %sign3A_600 : i32
      %sign3A_602 = arith.extui %sign3A_601 : i1 to i32
      %sign3A_603 = arith.constant 0 : i32
      %sign3A_604 = arith.cmpi slt, %jit3A_591, %sign3A_603 : i32
      %sign3A_605 = arith.extui %sign3A_604 : i1 to i32
      %sign3A_606 = arith.subi %sign3A_602, %sign3A_605 : i32
      %ne3A_607 = arith.cmpi ne, %sign3A_599, %sign3A_606 : i32
      %rem3A_608 = arith.remsi %add3A_590, %jit3A_591 : i32
      %ne3A_609 = arith.constant 0 : i32
      %ne3A_610 = arith.cmpi ne, %rem3A_608, %ne3A_609 : i32
      %and3A_611 = arith.andi %ne3A_607, %ne3A_610 : i1
      %sub3A_612 = arith.constant 1 : i32
      %sub3A_613 = arith.subi %div3A_592, %sub3A_612 : i32
      %select_n3A_614 = arith.select %and3A_611, %sub3A_613, %div3A_592 : i32
      %mul3A_615 = arith.constant 4 : i32
      %mul3A_616 = arith.muli %select_n3A_614, %mul3A_615 : i32
      %sub3A_617 = arith.subi %add3A_590, %mul3A_616 : i32
      %parallel_loop3A_618 = arith.constant 0 : i32
      %parallel_loop3A_619 = arith.constant 8 : i32
      %parallel_loop3A_620 = arith.constant 1 : i32
      scf.for %parallel_loop3A_776 = %parallel_loop3A_618 to %parallel_loop3A_619 step %parallel_loop3A_620  : i32 {
        %parallel_loop3A_777 = arith.constant 128 : i32
        %parallel_loop3A_778 = arith.muli %sub3A_617, %parallel_loop3A_777 : i32
        %parallel_loop3A_779 = arith.constant 16 : i32
        %parallel_loop3A_780 = arith.muli %parallel_loop3A_776, %parallel_loop3A_779 : i32
        %parallel_loop3A_781 = arith.addi %parallel_loop3A_778, %parallel_loop3A_780 : i32
        %parallel_loop3A_782 = arith.index_cast %select_n3A_614 : i32 to index
        %parallel_loop3A_783 = arith.index_cast %parallel_loop3A_781 : i32 to index
        %parallel_loop3A_784 = tpu.vector_load %arg9[%parallel_loop3A_782, %parallel_loop3A_783] {strides = array<i32>} : memref<50x512xf32, #tpu.memory_space<vmem>>, vector<16xf32>,
        %parallel_loop3A_785 = arith.constant 256 : i32
        %parallel_loop3A_786 = arith.muli %parallel_loop3A_776, %parallel_loop3A_785 : i32
        %parallel_loop3A_787 = vector.broadcast %parallel_loop3A_786 : i32 to vector<16xi32>
        %parallel_loop3A_788 = arith.addi %mul3A_20, %parallel_loop3A_787 : vector<16xi32>
        tpu.vector_store_idx %arg10[%parallel_loop3A_788], %parallel_loop3A_784 : memref<2048xf32, #tpu.memory_space<vmem>>[vector<16xi32>], vector<16xf32>,
      } {sc.loop_unroll_factor = 1 : i64, sc.parallel_access}
      %parallel_loop3A_621 = arith.constant 0 : i32
      %parallel_loop3A_622 = arith.constant 128 : i32
      %parallel_loop3A_623 = arith.constant 1 : i32
      scf.for %parallel_loop3A_776 = %parallel_loop3A_621 to %parallel_loop3A_622 step %parallel_loop3A_623  : i32 {
        %parallel_loop3A_777 = arith.constant 16 : i32
        %parallel_loop3A_778 = arith.muli %parallel_loop3A_776, %parallel_loop3A_777 : i32
        %parallel_loop3A_779 = arith.index_cast %parallel_loop3A_778 : i32 to index
        %parallel_loop3A_780 = tpu.vector_load %arg10[%parallel_loop3A_779] {strides = array<i32>} : memref<2048xf32, #tpu.memory_space<vmem>>, vector<16xf32>,
        %parallel_loop3A_781 = vector.extract_strided_slice %parallel_loop3A_780 {offsets = [0], sizes = [1], strides = [1]} : vector<16xf32> to vector<1xf32>
        %parallel_loop3A_782 = vector.extract %parallel_loop3A_781[0] : f32 from vector<1xf32>
        %parallel_loop3A_783 = arith.index_cast %parallel_loop3A_776 : i32 to index
        %parallel_loop3A_784 = arith.constant 0 : index
        %parallel_loop3A_785 = tpu.vector_load %arg12[%parallel_loop3A_783, %parallel_loop3A_784] {strides = array<i32>} : memref<128x64xf32, #tpu.memory_space<vmem>>, vector<16xf32>,
        %parallel_loop3A_786 = arith.index_cast %parallel_loop3A_776 : i32 to index
        %parallel_loop3A_787 = arith.constant 16 : index
        %parallel_loop3A_788 = tpu.vector_load %arg12[%parallel_loop3A_786, %parallel_loop3A_787] {strides = array<i32>} : memref<128x64xf32, #tpu.memory_space<vmem>>, vector<16xf32>,
        %parallel_loop3A_789 = arith.index_cast %parallel_loop3A_776 : i32 to index
        %parallel_loop3A_790 = arith.constant 32 : index
        %parallel_loop3A_791 = tpu.vector_load %arg12[%parallel_loop3A_789, %parallel_loop3A_790] {strides = array<i32>} : memref<128x64xf32, #tpu.memory_space<vmem>>, vector<16xf32>,
        %parallel_loop3A_792 = arith.index_cast %parallel_loop3A_776 : i32 to index
        %parallel_loop3A_793 = arith.constant 48 : index
        %parallel_loop3A_794 = tpu.vector_load %arg12[%parallel_loop3A_792, %parallel_loop3A_793] {strides = array<i32>} : memref<128x64xf32, #tpu.memory_space<vmem>>, vector<16xf32>,
        %parallel_loop3A_795 = arith.addf %parallel_loop3A_785, %parallel_loop3A_788 : vector<16xf32>
        %parallel_loop3A_796 = arith.addf %parallel_loop3A_791, %parallel_loop3A_794 : vector<16xf32>
        %parallel_loop3A_797 = arith.addf %parallel_loop3A_795, %parallel_loop3A_796 : vector<16xf32>
        %parallel_loop3A_798 = arith.mulf %parallel_loop3A_785, %parallel_loop3A_785 : vector<16xf32>
        %parallel_loop3A_799 = arith.mulf %parallel_loop3A_788, %parallel_loop3A_788 : vector<16xf32>
        %parallel_loop3A_800 = arith.addf %parallel_loop3A_798, %parallel_loop3A_799 : vector<16xf32>
        %parallel_loop3A_801 = arith.mulf %parallel_loop3A_791, %parallel_loop3A_791 : vector<16xf32>
        %parallel_loop3A_802 = arith.mulf %parallel_loop3A_794, %parallel_loop3A_794 : vector<16xf32>
        %parallel_loop3A_803 = arith.addf %parallel_loop3A_801, %parallel_loop3A_802 : vector<16xf32>
        %parallel_loop3A_804 = arith.addf %parallel_loop3A_800, %parallel_loop3A_803 : vector<16xf32>
        %parallel_loop3A_805 = arith.constant true
        %parallel_loop3A_806 = vector.broadcast %parallel_loop3A_805 : i1 to vector<16xi1>
        %parallel_loop3A_807 = tpu.scan <sum>, %parallel_loop3A_797 masked %parallel_loop3A_806 : vector<16xf32>, vector<16xi1> -> vector<16xf32>
        %parallel_loop3A_808 = vector.extract %parallel_loop3A_807[15] : f32 from vector<16xf32>
        %parallel_loop3A_809 = arith.constant 1.562500e-02 : f32
        %parallel_loop3A_810 = arith.mulf %parallel_loop3A_808, %parallel_loop3A_809 : f32
        %parallel_loop3A_811 = arith.constant true
        %parallel_loop3A_812 = vector.broadcast %parallel_loop3A_811 : i1 to vector<16xi1>
        %parallel_loop3A_813 = tpu.scan <sum>, %parallel_loop3A_804 masked %parallel_loop3A_812 : vector<16xf32>, vector<16xi1> -> vector<16xf32>
        %parallel_loop3A_814 = vector.extract %parallel_loop3A_813[15] : f32 from vector<16xf32>
        %parallel_loop3A_815 = arith.constant 1.562500e-02 : f32
        %parallel_loop3A_816 = arith.mulf %parallel_loop3A_814, %parallel_loop3A_815 : f32
        %parallel_loop3A_817 = arith.mulf %parallel_loop3A_810, %parallel_loop3A_810 : f32
        %parallel_loop3A_818 = arith.subf %parallel_loop3A_816, %parallel_loop3A_817 : f32
        %parallel_loop3A_819 = arith.mulf %parallel_loop3A_782, %parallel_loop3A_782 : f32
        %parallel_loop3A_820 = arith.mulf %parallel_loop3A_818, %parallel_loop3A_819 : f32
        %parallel_loop3A_821 = arith.constant 9.99999974E-6 : f32
        %parallel_loop3A_822 = arith.addf %parallel_loop3A_820, %parallel_loop3A_821 : f32
        %parallel_loop3A_823 = arith.bitcast %parallel_loop3A_822 : f32 to i32
        %parallel_loop3A_824 = arith.constant 1 : i32
        %parallel_loop3A_825 = arith.shrsi %parallel_loop3A_823, %parallel_loop3A_824 : i32
        %parallel_loop3A_826 = arith.constant 1597463007 : i32
        %parallel_loop3A_827 = arith.subi %parallel_loop3A_826, %parallel_loop3A_825 : i32
        %parallel_loop3A_828 = arith.bitcast %parallel_loop3A_827 : i32 to f32
        %parallel_loop3A_829 = arith.constant 5.000000e-01 : f32
        %parallel_loop3A_830 = arith.mulf %parallel_loop3A_829, %parallel_loop3A_822 : f32
        %parallel_loop3A_831 = arith.mulf %parallel_loop3A_830, %parallel_loop3A_828 : f32
        %parallel_loop3A_832 = arith.mulf %parallel_loop3A_831, %parallel_loop3A_828 : f32
        %parallel_loop3A_833 = arith.constant 1.500000e+00 : f32
        %parallel_loop3A_834 = arith.subf %parallel_loop3A_833, %parallel_loop3A_832 : f32
        %parallel_loop3A_835 = arith.mulf %parallel_loop3A_828, %parallel_loop3A_834 : f32
        %parallel_loop3A_836 = arith.mulf %parallel_loop3A_830, %parallel_loop3A_835 : f32
        %parallel_loop3A_837 = arith.mulf %parallel_loop3A_836, %parallel_loop3A_835 : f32
        %parallel_loop3A_838 = arith.constant 1.500000e+00 : f32
        %parallel_loop3A_839 = arith.subf %parallel_loop3A_838, %parallel_loop3A_837 : f32
        %parallel_loop3A_840 = arith.mulf %parallel_loop3A_835, %parallel_loop3A_839 : f32
        %parallel_loop3A_841 = arith.mulf %parallel_loop3A_830, %parallel_loop3A_840 : f32
        %parallel_loop3A_842 = arith.mulf %parallel_loop3A_841, %parallel_loop3A_840 : f32
        %parallel_loop3A_843 = arith.constant 1.500000e+00 : f32
        %parallel_loop3A_844 = arith.subf %parallel_loop3A_843, %parallel_loop3A_842 : f32
        %parallel_loop3A_845 = arith.mulf %parallel_loop3A_840, %parallel_loop3A_844 : f32
        %parallel_loop3A_846 = arith.mulf %parallel_loop3A_782, %parallel_loop3A_845 : f32
        %parallel_loop3A_847 = arith.mulf %parallel_loop3A_810, %parallel_loop3A_846 : f32
        %parallel_loop3A_848 = vector.broadcast %parallel_loop3A_776 : i32 to vector<16xi32>
        %parallel_loop3A_849 = vector.broadcast %parallel_loop3A_846 : f32 to vector<16xf32>
        %parallel_loop3A_850 = arith.mulf %parallel_loop3A_785, %parallel_loop3A_849 : vector<16xf32>
        %parallel_loop3A_851 = vector.broadcast %parallel_loop3A_847 : f32 to vector<16xf32>
        %parallel_loop3A_852 = arith.subf %parallel_loop3A_850, %parallel_loop3A_851 : vector<16xf32>
        %parallel_loop3A_853 = arith.mulf %parallel_loop3A_852, %get3A_3 : vector<16xf32>
        %parallel_loop3A_854 = arith.addf %parallel_loop3A_853, %get3A_11 : vector<16xf32>
        %parallel_loop3A_855 = arith.constant 0 : i32
        %parallel_loop3A_856 = vector.broadcast %parallel_loop3A_855 : i32 to vector<16xi32>
        %parallel_loop3A_857 = arith.addi %iota3A, %parallel_loop3A_856 : vector<16xi32>
        tpu.vector_store_idx %arg14[%parallel_loop3A_857, %parallel_loop3A_848], %parallel_loop3A_854 : memref<64x129xf32, #tpu.memory_space<vmem>>[vector<16xi32>, vector<16xi32>], vector<16xf32>,
        %parallel_loop3A_858 = vector.broadcast %parallel_loop3A_846 : f32 to vector<16xf32>
        %parallel_loop3A_859 = arith.mulf %parallel_loop3A_788, %parallel_loop3A_858 : vector<16xf32>
        %parallel_loop3A_860 = vector.broadcast %parallel_loop3A_847 : f32 to vector<16xf32>
        %parallel_loop3A_861 = arith.subf %parallel_loop3A_859, %parallel_loop3A_860 : vector<16xf32>
        %parallel_loop3A_862 = arith.mulf %parallel_loop3A_861, %get3A_5 : vector<16xf32>
        %parallel_loop3A_863 = arith.addf %parallel_loop3A_862, %get3A_13 : vector<16xf32>
        %parallel_loop3A_864 = arith.constant 16 : i32
        %parallel_loop3A_865 = vector.broadcast %parallel_loop3A_864 : i32 to vector<16xi32>
        %parallel_loop3A_866 = arith.addi %iota3A, %parallel_loop3A_865 : vector<16xi32>
        tpu.vector_store_idx %arg14[%parallel_loop3A_866, %parallel_loop3A_848], %parallel_loop3A_863 : memref<64x129xf32, #tpu.memory_space<vmem>>[vector<16xi32>, vector<16xi32>], vector<16xf32>,
        %parallel_loop3A_867 = vector.broadcast %parallel_loop3A_846 : f32 to vector<16xf32>
        %parallel_loop3A_868 = arith.mulf %parallel_loop3A_791, %parallel_loop3A_867 : vector<16xf32>
        %parallel_loop3A_869 = vector.broadcast %parallel_loop3A_847 : f32 to vector<16xf32>
        %parallel_loop3A_870 = arith.subf %parallel_loop3A_868, %parallel_loop3A_869 : vector<16xf32>
        %parallel_loop3A_871 = arith.mulf %parallel_loop3A_870, %get3A_7 : vector<16xf32>
        %parallel_loop3A_872 = arith.addf %parallel_loop3A_871, %get3A_15 : vector<16xf32>
        %parallel_loop3A_873 = arith.constant 32 : i32
        %parallel_loop3A_874 = vector.broadcast %parallel_loop3A_873 : i32 to vector<16xi32>
        %parallel_loop3A_875 = arith.addi %iota3A, %parallel_loop3A_874 : vector<16xi32>
        tpu.vector_store_idx %arg14[%parallel_loop3A_875, %parallel_loop3A_848], %parallel_loop3A_872 : memref<64x129xf32, #tpu.memory_space<vmem>>[vector<16xi32>, vector<16xi32>], vector<16xf32>,
        %parallel_loop3A_876 = vector.broadcast %parallel_loop3A_846 : f32 to vector<16xf32>
        %parallel_loop3A_877 = arith.mulf %parallel_loop3A_794, %parallel_loop3A_876 : vector<16xf32>
        %parallel_loop3A_878 = vector.broadcast %parallel_loop3A_847 : f32 to vector<16xf32>
        %parallel_loop3A_879 = arith.subf %parallel_loop3A_877, %parallel_loop3A_878 : vector<16xf32>
        %parallel_loop3A_880 = arith.mulf %parallel_loop3A_879, %get3A_9 : vector<16xf32>
        %parallel_loop3A_881 = arith.addf %parallel_loop3A_880, %get3A_17 : vector<16xf32>
        %parallel_loop3A_882 = arith.constant 48 : i32
        %parallel_loop3A_883 = vector.broadcast %parallel_loop3A_882 : i32 to vector<16xi32>
        %parallel_loop3A_884 = arith.addi %iota3A, %parallel_loop3A_883 : vector<16xi32>
        tpu.vector_store_idx %arg14[%parallel_loop3A_884, %parallel_loop3A_848], %parallel_loop3A_881 : memref<64x129xf32, #tpu.memory_space<vmem>>[vector<16xi32>, vector<16xi32>], vector<16xf32>,
      } {sc.loop_unroll_factor = 4 : i64, sc.parallel_access}
      %add3A_624 = arith.constant 1 : i32
      %add3A_625 = arith.addi %mul3A_297, %add3A_624 : i32
      %jit3A_626 = arith.constant 4 : i32
      %div3A_627 = arith.divsi %add3A_625, %jit3A_626 : i32
      %sign3A_628 = arith.constant 0 : i32
      %sign3A_629 = arith.cmpi sgt, %add3A_625, %sign3A_628 : i32
      %sign3A_630 = arith.extui %sign3A_629 : i1 to i32
      %sign3A_631 = arith.constant 0 : i32
      %sign3A_632 = arith.cmpi slt, %add3A_625, %sign3A_631 : i32
      %sign3A_633 = arith.extui %sign3A_632 : i1 to i32
      %sign3A_634 = arith.subi %sign3A_630, %sign3A_633 : i32
      %sign3A_635 = arith.constant 0 : i32
      %sign3A_636 = arith.cmpi sgt, %jit3A_626, %sign3A_635 : i32
      %sign3A_637 = arith.extui %sign3A_636 : i1 to i32
      %sign3A_638 = arith.constant 0 : i32
      %sign3A_639 = arith.cmpi slt, %jit3A_626, %sign3A_638 : i32
      %sign3A_640 = arith.extui %sign3A_639 : i1 to i32
      %sign3A_641 = arith.subi %sign3A_637, %sign3A_640 : i32
      %ne3A_642 = arith.cmpi ne, %sign3A_634, %sign3A_641 : i32
      %rem3A_643 = arith.remsi %add3A_625, %jit3A_626 : i32
      %ne3A_644 = arith.constant 0 : i32
      %ne3A_645 = arith.cmpi ne, %rem3A_643, %ne3A_644 : i32
      %and3A_646 = arith.andi %ne3A_642, %ne3A_645 : i1
      %sub3A_647 = arith.constant 1 : i32
      %sub3A_648 = arith.subi %div3A_627, %sub3A_647 : i32
      %select_n3A_649 = arith.select %and3A_646, %sub3A_648, %div3A_627 : i32
      %mul3A_650 = arith.constant 4 : i32
      %mul3A_651 = arith.muli %select_n3A_649, %mul3A_650 : i32
      %sub3A_652 = arith.subi %add3A_625, %mul3A_651 : i32
      %mul3A_653 = arith.constant 4 : i32
      %mul3A_654 = arith.muli %add3A, %mul3A_653 : i32
      %add3A_655 = arith.addi %mul3A_654, %sub3A_652 : i32
      %dma_start3A_656 = arith.constant 0 : i32
      %dma_start3A_657 = arith.constant 0 : i32
      %dma_start3A_658 = arith.constant 0 : i32
      %dma_start3A_659 = tpu.memref_slice %arg14[%dma_start3A_657, %dma_start3A_658] : memref<64x129xf32, #tpu.memory_space<vmem>> -> memref<8x128xf32, #tpu.memory_space<vmem>>
      %dma_start3A_660 = arith.constant 0 : i32
      %dma_start3A_661 = arith.constant 0 : i32
      %dma_start3A_662 = tpu.memref_slice %arg7[%select_n3A_649, %dma_start3A_656, %add3A_655, %dma_start3A_660, %dma_start3A_661] : memref<50x8x128x8x128xf32, #tpu.memory_space<hbm>> -> memref<1x1x1x8x128xf32, #tpu.memory_space<hbm>>
      %dma_start3A_663 = tpu.memref_squeeze %dma_start3A_662 : memref<1x1x1x8x128xf32, #tpu.memory_space<hbm>> -> memref<8x128xf32, #tpu.memory_space<hbm>>
      %dma_start3A_664 = arith.constant 0 : i32
      %dma_start3A_665 = arith.constant 0 : i32
      %dma_start3A_666 = tpu.memref_slice %arg7[%select_n3A_649, %dma_start3A_656, %add3A_655, %dma_start3A_664, %dma_start3A_665] : memref<50x8x128x8x128xf32, #tpu.memory_space<hbm>> -> memref<1x1x1x8x128xf32, #tpu.memory_space<hbm>>
      %dma_start3A_667 = tpu.memref_squeeze %dma_start3A_666 : memref<1x1x1x8x128xf32, #tpu.memory_space<hbm>> -> memref<8x128xf32, #tpu.memory_space<hbm>>
      %dma_start3A_668 = arith.constant 0 : i32
      %dma_start3A_669 = arith.constant 0 : i32
      %dma_start3A_670 = tpu.memref_slice %arg14[%dma_start3A_668, %dma_start3A_669] : memref<64x129xf32, #tpu.memory_space<vmem>> -> memref<8x128xf32, #tpu.memory_space<vmem>>
      tpu.enqueue_dma source(%dma_start3A_670 : memref<8x128xf32, #tpu.memory_space<vmem>>) target(%dma_start3A_667 : memref<8x128xf32, #tpu.memory_space<hbm>>) target_semaphore(%arg20 : memref<!tpu.dma_semaphore, #tpu.memory_space<semaphore_mem>>)
      %dma_start3A_671 = arith.constant 1 : i32
      %dma_start3A_672 = arith.constant 8 : i32
      %dma_start3A_673 = arith.constant 0 : i32
      %dma_start3A_674 = tpu.memref_slice %arg14[%dma_start3A_672, %dma_start3A_673] : memref<64x129xf32, #tpu.memory_space<vmem>> -> memref<8x128xf32, #tpu.memory_space<vmem>>
      %dma_start3A_675 = arith.constant 0 : i32
      %dma_start3A_676 = arith.constant 0 : i32
      %dma_start3A_677 = tpu.memref_slice %arg7[%select_n3A_649, %dma_start3A_671, %add3A_655, %dma_start3A_675, %dma_start3A_676] : memref<50x8x128x8x128xf32, #tpu.memory_space<hbm>> -> memref<1x1x1x8x128xf32, #tpu.memory_space<hbm>>
      %dma_start3A_678 = tpu.memref_squeeze %dma_start3A_677 : memref<1x1x1x8x128xf32, #tpu.memory_space<hbm>> -> memref<8x128xf32, #tpu.memory_space<hbm>>
      %dma_start3A_679 = arith.constant 0 : i32
      %dma_start3A_680 = arith.constant 0 : i32
      %dma_start3A_681 = tpu.memref_slice %arg7[%select_n3A_649, %dma_start3A_671, %add3A_655, %dma_start3A_679, %dma_start3A_680] : memref<50x8x128x8x128xf32, #tpu.memory_space<hbm>> -> memref<1x1x1x8x128xf32, #tpu.memory_space<hbm>>
      %dma_start3A_682 = tpu.memref_squeeze %dma_start3A_681 : memref<1x1x1x8x128xf32, #tpu.memory_space<hbm>> -> memref<8x128xf32, #tpu.memory_space<hbm>>
      %dma_start3A_683 = arith.constant 8 : i32
      %dma_start3A_684 = arith.constant 0 : i32
      %dma_start3A_685 = tpu.memref_slice %arg14[%dma_start3A_683, %dma_start3A_684] : memref<64x129xf32, #tpu.memory_space<vmem>> -> memref<8x128xf32, #tpu.memory_space<vmem>>
      tpu.enqueue_dma source(%dma_start3A_685 : memref<8x128xf32, #tpu.memory_space<vmem>>) target(%dma_start3A_682 : memref<8x128xf32, #tpu.memory_space<hbm>>) target_semaphore(%arg20 : memref<!tpu.dma_semaphore, #tpu.memory_space<semaphore_mem>>)
      %dma_start3A_686 = arith.constant 2 : i32
      %dma_start3A_687 = arith.constant 16 : i32
      %dma_start3A_688 = arith.constant 0 : i32
      %dma_start3A_689 = tpu.memref_slice %arg14[%dma_start3A_687, %dma_start3A_688] : memref<64x129xf32, #tpu.memory_space<vmem>> -> memref<8x128xf32, #tpu.memory_space<vmem>>
      %dma_start3A_690 = arith.constant 0 : i32
      %dma_start3A_691 = arith.constant 0 : i32
      %dma_start3A_692 = tpu.memref_slice %arg7[%select_n3A_649, %dma_start3A_686, %add3A_655, %dma_start3A_690, %dma_start3A_691] : memref<50x8x128x8x128xf32, #tpu.memory_space<hbm>> -> memref<1x1x1x8x128xf32, #tpu.memory_space<hbm>>
      %dma_start3A_693 = tpu.memref_squeeze %dma_start3A_692 : memref<1x1x1x8x128xf32, #tpu.memory_space<hbm>> -> memref<8x128xf32, #tpu.memory_space<hbm>>
      %dma_start3A_694 = arith.constant 0 : i32
      %dma_start3A_695 = arith.constant 0 : i32
      %dma_start3A_696 = tpu.memref_slice %arg7[%select_n3A_649, %dma_start3A_686, %add3A_655, %dma_start3A_694, %dma_start3A_695] : memref<50x8x128x8x128xf32, #tpu.memory_space<hbm>> -> memref<1x1x1x8x128xf32, #tpu.memory_space<hbm>>
      %dma_start3A_697 = tpu.memref_squeeze %dma_start3A_696 : memref<1x1x1x8x128xf32, #tpu.memory_space<hbm>> -> memref<8x128xf32, #tpu.memory_space<hbm>>
      %dma_start3A_698 = arith.constant 16 : i32
      %dma_start3A_699 = arith.constant 0 : i32
      %dma_start3A_700 = tpu.memref_slice %arg14[%dma_start3A_698, %dma_start3A_699] : memref<64x129xf32, #tpu.memory_space<vmem>> -> memref<8x128xf32, #tpu.memory_space<vmem>>
      tpu.enqueue_dma source(%dma_start3A_700 : memref<8x128xf32, #tpu.memory_space<vmem>>) target(%dma_start3A_697 : memref<8x128xf32, #tpu.memory_space<hbm>>) target_semaphore(%arg20 : memref<!tpu.dma_semaphore, #tpu.memory_space<semaphore_mem>>)
      %dma_start3A_701 = arith.constant 3 : i32
      %dma_start3A_702 = arith.constant 24 : i32
      %dma_start3A_703 = arith.constant 0 : i32
      %dma_start3A_704 = tpu.memref_slice %arg14[%dma_start3A_702, %dma_start3A_703] : memref<64x129xf32, #tpu.memory_space<vmem>> -> memref<8x128xf32, #tpu.memory_space<vmem>>
      %dma_start3A_705 = arith.constant 0 : i32
      %dma_start3A_706 = arith.constant 0 : i32
      %dma_start3A_707 = tpu.memref_slice %arg7[%select_n3A_649, %dma_start3A_701, %add3A_655, %dma_start3A_705, %dma_start3A_706] : memref<50x8x128x8x128xf32, #tpu.memory_space<hbm>> -> memref<1x1x1x8x128xf32, #tpu.memory_space<hbm>>
      %dma_start3A_708 = tpu.memref_squeeze %dma_start3A_707 : memref<1x1x1x8x128xf32, #tpu.memory_space<hbm>> -> memref<8x128xf32, #tpu.memory_space<hbm>>
      %dma_start3A_709 = arith.constant 0 : i32
      %dma_start3A_710 = arith.constant 0 : i32
      %dma_start3A_711 = tpu.memref_slice %arg7[%select_n3A_649, %dma_start3A_701, %add3A_655, %dma_start3A_709, %dma_start3A_710] : memref<50x8x128x8x128xf32, #tpu.memory_space<hbm>> -> memref<1x1x1x8x128xf32, #tpu.memory_space<hbm>>
      %dma_start3A_712 = tpu.memref_squeeze %dma_start3A_711 : memref<1x1x1x8x128xf32, #tpu.memory_space<hbm>> -> memref<8x128xf32, #tpu.memory_space<hbm>>
      %dma_start3A_713 = arith.constant 24 : i32
      %dma_start3A_714 = arith.constant 0 : i32
      %dma_start3A_715 = tpu.memref_slice %arg14[%dma_start3A_713, %dma_start3A_714] : memref<64x129xf32, #tpu.memory_space<vmem>> -> memref<8x128xf32, #tpu.memory_space<vmem>>
      tpu.enqueue_dma source(%dma_start3A_715 : memref<8x128xf32, #tpu.memory_space<vmem>>) target(%dma_start3A_712 : memref<8x128xf32, #tpu.memory_space<hbm>>) target_semaphore(%arg20 : memref<!tpu.dma_semaphore, #tpu.memory_space<semaphore_mem>>)
      %dma_start3A_716 = arith.constant 4 : i32
      %dma_start3A_717 = arith.constant 32 : i32
      %dma_start3A_718 = arith.constant 0 : i32
      %dma_start3A_719 = tpu.memref_slice %arg14[%dma_start3A_717, %dma_start3A_718] : memref<64x129xf32, #tpu.memory_space<vmem>> -> memref<8x128xf32, #tpu.memory_space<vmem>>
      %dma_start3A_720 = arith.constant 0 : i32
      %dma_start3A_721 = arith.constant 0 : i32
      %dma_start3A_722 = tpu.memref_slice %arg7[%select_n3A_649, %dma_start3A_716, %add3A_655, %dma_start3A_720, %dma_start3A_721] : memref<50x8x128x8x128xf32, #tpu.memory_space<hbm>> -> memref<1x1x1x8x128xf32, #tpu.memory_space<hbm>>
      %dma_start3A_723 = tpu.memref_squeeze %dma_start3A_722 : memref<1x1x1x8x128xf32, #tpu.memory_space<hbm>> -> memref<8x128xf32, #tpu.memory_space<hbm>>
      %dma_start3A_724 = arith.constant 0 : i32
      %dma_start3A_725 = arith.constant 0 : i32
      %dma_start3A_726 = tpu.memref_slice %arg7[%select_n3A_649, %dma_start3A_716, %add3A_655, %dma_start3A_724, %dma_start3A_725] : memref<50x8x128x8x128xf32, #tpu.memory_space<hbm>> -> memref<1x1x1x8x128xf32, #tpu.memory_space<hbm>>
      %dma_start3A_727 = tpu.memref_squeeze %dma_start3A_726 : memref<1x1x1x8x128xf32, #tpu.memory_space<hbm>> -> memref<8x128xf32, #tpu.memory_space<hbm>>
      %dma_start3A_728 = arith.constant 32 : i32
      %dma_start3A_729 = arith.constant 0 : i32
      %dma_start3A_730 = tpu.memref_slice %arg14[%dma_start3A_728, %dma_start3A_729] : memref<64x129xf32, #tpu.memory_space<vmem>> -> memref<8x128xf32, #tpu.memory_space<vmem>>
      tpu.enqueue_dma source(%dma_start3A_730 : memref<8x128xf32, #tpu.memory_space<vmem>>) target(%dma_start3A_727 : memref<8x128xf32, #tpu.memory_space<hbm>>) target_semaphore(%arg20 : memref<!tpu.dma_semaphore, #tpu.memory_space<semaphore_mem>>)
      %dma_start3A_731 = arith.constant 5 : i32
      %dma_start3A_732 = arith.constant 40 : i32
      %dma_start3A_733 = arith.constant 0 : i32
      %dma_start3A_734 = tpu.memref_slice %arg14[%dma_start3A_732, %dma_start3A_733] : memref<64x129xf32, #tpu.memory_space<vmem>> -> memref<8x128xf32, #tpu.memory_space<vmem>>
      %dma_start3A_735 = arith.constant 0 : i32
      %dma_start3A_736 = arith.constant 0 : i32
      %dma_start3A_737 = tpu.memref_slice %arg7[%select_n3A_649, %dma_start3A_731, %add3A_655, %dma_start3A_735, %dma_start3A_736] : memref<50x8x128x8x128xf32, #tpu.memory_space<hbm>> -> memref<1x1x1x8x128xf32, #tpu.memory_space<hbm>>
      %dma_start3A_738 = tpu.memref_squeeze %dma_start3A_737 : memref<1x1x1x8x128xf32, #tpu.memory_space<hbm>> -> memref<8x128xf32, #tpu.memory_space<hbm>>
      %dma_start3A_739 = arith.constant 0 : i32
      %dma_start3A_740 = arith.constant 0 : i32
      %dma_start3A_741 = tpu.memref_slice %arg7[%select_n3A_649, %dma_start3A_731, %add3A_655, %dma_start3A_739, %dma_start3A_740] : memref<50x8x128x8x128xf32, #tpu.memory_space<hbm>> -> memref<1x1x1x8x128xf32, #tpu.memory_space<hbm>>
      %dma_start3A_742 = tpu.memref_squeeze %dma_start3A_741 : memref<1x1x1x8x128xf32, #tpu.memory_space<hbm>> -> memref<8x128xf32, #tpu.memory_space<hbm>>
      %dma_start3A_743 = arith.constant 40 : i32
      %dma_start3A_744 = arith.constant 0 : i32
      %dma_start3A_745 = tpu.memref_slice %arg14[%dma_start3A_743, %dma_start3A_744] : memref<64x129xf32, #tpu.memory_space<vmem>> -> memref<8x128xf32, #tpu.memory_space<vmem>>
      tpu.enqueue_dma source(%dma_start3A_745 : memref<8x128xf32, #tpu.memory_space<vmem>>) target(%dma_start3A_742 : memref<8x128xf32, #tpu.memory_space<hbm>>) target_semaphore(%arg20 : memref<!tpu.dma_semaphore, #tpu.memory_space<semaphore_mem>>)
      %dma_start3A_746 = arith.constant 6 : i32
      %dma_start3A_747 = arith.constant 48 : i32
      %dma_start3A_748 = arith.constant 0 : i32
      %dma_start3A_749 = tpu.memref_slice %arg14[%dma_start3A_747, %dma_start3A_748] : memref<64x129xf32, #tpu.memory_space<vmem>> -> memref<8x128xf32, #tpu.memory_space<vmem>>
      %dma_start3A_750 = arith.constant 0 : i32
      %dma_start3A_751 = arith.constant 0 : i32
      %dma_start3A_752 = tpu.memref_slice %arg7[%select_n3A_649, %dma_start3A_746, %add3A_655, %dma_start3A_750, %dma_start3A_751] : memref<50x8x128x8x128xf32, #tpu.memory_space<hbm>> -> memref<1x1x1x8x128xf32, #tpu.memory_space<hbm>>
      %dma_start3A_753 = tpu.memref_squeeze %dma_start3A_752 : memref<1x1x1x8x128xf32, #tpu.memory_space<hbm>> -> memref<8x128xf32, #tpu.memory_space<hbm>>
      %dma_start3A_754 = arith.constant 0 : i32
      %dma_start3A_755 = arith.constant 0 : i32
      %dma_start3A_756 = tpu.memref_slice %arg7[%select_n3A_649, %dma_start3A_746, %add3A_655, %dma_start3A_754, %dma_start3A_755] : memref<50x8x128x8x128xf32, #tpu.memory_space<hbm>> -> memref<1x1x1x8x128xf32, #tpu.memory_space<hbm>>
      %dma_start3A_757 = tpu.memref_squeeze %dma_start3A_756 : memref<1x1x1x8x128xf32, #tpu.memory_space<hbm>> -> memref<8x128xf32, #tpu.memory_space<hbm>>
      %dma_start3A_758 = arith.constant 48 : i32
      %dma_start3A_759 = arith.constant 0 : i32
      %dma_start3A_760 = tpu.memref_slice %arg14[%dma_start3A_758, %dma_start3A_759] : memref<64x129xf32, #tpu.memory_space<vmem>> -> memref<8x128xf32, #tpu.memory_space<vmem>>
      tpu.enqueue_dma source(%dma_start3A_760 : memref<8x128xf32, #tpu.memory_space<vmem>>) target(%dma_start3A_757 : memref<8x128xf32, #tpu.memory_space<hbm>>) target_semaphore(%arg20 : memref<!tpu.dma_semaphore, #tpu.memory_space<semaphore_mem>>)
      %dma_start3A_761 = arith.constant 7 : i32
      %dma_start3A_762 = arith.constant 56 : i32
      %dma_start3A_763 = arith.constant 0 : i32
      %dma_start3A_764 = tpu.memref_slice %arg14[%dma_start3A_762, %dma_start3A_763] : memref<64x129xf32, #tpu.memory_space<vmem>> -> memref<8x128xf32, #tpu.memory_space<vmem>>
      %dma_start3A_765 = arith.constant 0 : i32
      %dma_start3A_766 = arith.constant 0 : i32
      %dma_start3A_767 = tpu.memref_slice %arg7[%select_n3A_649, %dma_start3A_761, %add3A_655, %dma_start3A_765, %dma_start3A_766] : memref<50x8x128x8x128xf32, #tpu.memory_space<hbm>> -> memref<1x1x1x8x128xf32, #tpu.memory_space<hbm>>
      %dma_start3A_768 = tpu.memref_squeeze %dma_start3A_767 : memref<1x1x1x8x128xf32, #tpu.memory_space<hbm>> -> memref<8x128xf32, #tpu.memory_space<hbm>>
      %dma_start3A_769 = arith.constant 0 : i32
      %dma_start3A_770 = arith.constant 0 : i32
      %dma_start3A_771 = tpu.memref_slice %arg7[%select_n3A_649, %dma_start3A_761, %add3A_655, %dma_start3A_769, %dma_start3A_770] : memref<50x8x128x8x128xf32, #tpu.memory_space<hbm>> -> memref<1x1x1x8x128xf32, #tpu.memory_space<hbm>>
      %dma_start3A_772 = tpu.memref_squeeze %dma_start3A_771 : memref<1x1x1x8x128xf32, #tpu.memory_space<hbm>> -> memref<8x128xf32, #tpu.memory_space<hbm>>
      %dma_start3A_773 = arith.constant 56 : i32
      %dma_start3A_774 = arith.constant 0 : i32
      %dma_start3A_775 = tpu.memref_slice %arg14[%dma_start3A_773, %dma_start3A_774] : memref<64x129xf32, #tpu.memory_space<vmem>> -> memref<8x128xf32, #tpu.memory_space<vmem>>
      tpu.enqueue_dma source(%dma_start3A_775 : memref<8x128xf32, #tpu.memory_space<vmem>>) target(%dma_start3A_772 : memref<8x128xf32, #tpu.memory_space<hbm>>) target_semaphore(%arg20 : memref<!tpu.dma_semaphore, #tpu.memory_space<semaphore_mem>>)
    }
    %scan3A_31 = arith.constant 100 : i32
    %mul3A_32 = arith.constant 4 : i32
    %mul3A_33 = arith.muli %add3A, %mul3A_32 : i32
    %add3A_34 = arith.constant 2 : i32
    %add3A_35 = arith.addi %mul3A_33, %add3A_34 : i32
    %dma_wait3A = arith.constant 49 : i32
    %dma_wait3A_36 = arith.constant 0 : i32
    %dma_wait3A_37 = arith.constant 0 : i32
    %dma_wait3A_38 = arith.constant 0 : i32
    %dma_wait3A_39 = tpu.memref_slice %arg13[%dma_wait3A_37, %dma_wait3A_38] : memref<64x129xf32, #tpu.memory_space<vmem>> -> memref<8x128xf32, #tpu.memory_space<vmem>>
    %dma_wait3A_40 = arith.constant 0 : i32
    %dma_wait3A_41 = arith.constant 0 : i32
    %dma_wait3A_42 = tpu.memref_slice %arg7[%dma_wait3A, %dma_wait3A_36, %add3A_35, %dma_wait3A_40, %dma_wait3A_41] : memref<50x8x128x8x128xf32, #tpu.memory_space<hbm>> -> memref<1x1x1x8x128xf32, #tpu.memory_space<hbm>>
    %dma_wait3A_43 = tpu.memref_squeeze %dma_wait3A_42 : memref<1x1x1x8x128xf32, #tpu.memory_space<hbm>> -> memref<8x128xf32, #tpu.memory_space<hbm>>
    %dma_wait3A_44 = arith.constant 0 : i32
    %dma_wait3A_45 = arith.constant 0 : i32
    %dma_wait3A_46 = tpu.memref_slice %arg7[%dma_wait3A, %dma_wait3A_36, %add3A_35, %dma_wait3A_44, %dma_wait3A_45] : memref<50x8x128x8x128xf32, #tpu.memory_space<hbm>> -> memref<1x1x1x8x128xf32, #tpu.memory_space<hbm>>
    %dma_wait3A_47 = tpu.memref_squeeze %dma_wait3A_46 : memref<1x1x1x8x128xf32, #tpu.memory_space<hbm>> -> memref<8x128xf32, #tpu.memory_space<hbm>>
    %dma_wait3A_48 = arith.constant 0 : i32
    %dma_wait3A_49 = arith.constant 0 : i32
    %dma_wait3A_50 = tpu.memref_slice %arg13[%dma_wait3A_48, %dma_wait3A_49] : memref<64x129xf32, #tpu.memory_space<vmem>> -> memref<8x128xf32, #tpu.memory_space<vmem>>
    tpu.wait_dma2 semaphore(%arg19 : memref<!tpu.dma_semaphore, #tpu.memory_space<semaphore_mem>>) src(%dma_wait3A_50 : memref<8x128xf32, #tpu.memory_space<vmem>>) dst(%dma_wait3A_47 : memref<8x128xf32, #tpu.memory_space<hbm>>)
    %dma_wait3A_51 = arith.constant 49 : i32
    %dma_wait3A_52 = arith.constant 1 : i32
    %dma_wait3A_53 = arith.constant 8 : i32
    %dma_wait3A_54 = arith.constant 0 : i32
    %dma_wait3A_55 = tpu.memref_slice %arg13[%dma_wait3A_53, %dma_wait3A_54] : memref<64x129xf32, #tpu.memory_space<vmem>> -> memref<8x128xf32, #tpu.memory_space<vmem>>
    %dma_wait3A_56 = arith.constant 0 : i32
    %dma_wait3A_57 = arith.constant 0 : i32
    %dma_wait3A_58 = tpu.memref_slice %arg7[%dma_wait3A_51, %dma_wait3A_52, %add3A_35, %dma_wait3A_56, %dma_wait3A_57] : memref<50x8x128x8x128xf32, #tpu.memory_space<hbm>> -> memref<1x1x1x8x128xf32, #tpu.memory_space<hbm>>
    %dma_wait3A_59 = tpu.memref_squeeze %dma_wait3A_58 : memref<1x1x1x8x128xf32, #tpu.memory_space<hbm>> -> memref<8x128xf32, #tpu.memory_space<hbm>>
    %dma_wait3A_60 = arith.constant 0 : i32
    %dma_wait3A_61 = arith.constant 0 : i32
    %dma_wait3A_62 = tpu.memref_slice %arg7[%dma_wait3A_51, %dma_wait3A_52, %add3A_35, %dma_wait3A_60, %dma_wait3A_61] : memref<50x8x128x8x128xf32, #tpu.memory_space<hbm>> -> memref<1x1x1x8x128xf32, #tpu.memory_space<hbm>>
    %dma_wait3A_63 = tpu.memref_squeeze %dma_wait3A_62 : memref<1x1x1x8x128xf32, #tpu.memory_space<hbm>> -> memref<8x128xf32, #tpu.memory_space<hbm>>
    %dma_wait3A_64 = arith.constant 8 : i32
    %dma_wait3A_65 = arith.constant 0 : i32
    %dma_wait3A_66 = tpu.memref_slice %arg13[%dma_wait3A_64, %dma_wait3A_65] : memref<64x129xf32, #tpu.memory_space<vmem>> -> memref<8x128xf32, #tpu.memory_space<vmem>>
    tpu.wait_dma2 semaphore(%arg19 : memref<!tpu.dma_semaphore, #tpu.memory_space<semaphore_mem>>) src(%dma_wait3A_66 : memref<8x128xf32, #tpu.memory_space<vmem>>) dst(%dma_wait3A_63 : memref<8x128xf32, #tpu.memory_space<hbm>>)
    %dma_wait3A_67 = arith.constant 49 : i32
    %dma_wait3A_68 = arith.constant 2 : i32
    %dma_wait3A_69 = arith.constant 16 : i32
    %dma_wait3A_70 = arith.constant 0 : i32
    %dma_wait3A_71 = tpu.memref_slice %arg13[%dma_wait3A_69, %dma_wait3A_70] : memref<64x129xf32, #tpu.memory_space<vmem>> -> memref<8x128xf32, #tpu.memory_space<vmem>>
    %dma_wait3A_72 = arith.constant 0 : i32
    %dma_wait3A_73 = arith.constant 0 : i32
    %dma_wait3A_74 = tpu.memref_slice %arg7[%dma_wait3A_67, %dma_wait3A_68, %add3A_35, %dma_wait3A_72, %dma_wait3A_73] : memref<50x8x128x8x128xf32, #tpu.memory_space<hbm>> -> memref<1x1x1x8x128xf32, #tpu.memory_space<hbm>>
    %dma_wait3A_75 = tpu.memref_squeeze %dma_wait3A_74 : memref<1x1x1x8x128xf32, #tpu.memory_space<hbm>> -> memref<8x128xf32, #tpu.memory_space<hbm>>
    %dma_wait3A_76 = arith.constant 0 : i32
    %dma_wait3A_77 = arith.constant 0 : i32
    %dma_wait3A_78 = tpu.memref_slice %arg7[%dma_wait3A_67, %dma_wait3A_68, %add3A_35, %dma_wait3A_76, %dma_wait3A_77] : memref<50x8x128x8x128xf32, #tpu.memory_space<hbm>> -> memref<1x1x1x8x128xf32, #tpu.memory_space<hbm>>
    %dma_wait3A_79 = tpu.memref_squeeze %dma_wait3A_78 : memref<1x1x1x8x128xf32, #tpu.memory_space<hbm>> -> memref<8x128xf32, #tpu.memory_space<hbm>>
    %dma_wait3A_80 = arith.constant 16 : i32
    %dma_wait3A_81 = arith.constant 0 : i32
    %dma_wait3A_82 = tpu.memref_slice %arg13[%dma_wait3A_80, %dma_wait3A_81] : memref<64x129xf32, #tpu.memory_space<vmem>> -> memref<8x128xf32, #tpu.memory_space<vmem>>
    tpu.wait_dma2 semaphore(%arg19 : memref<!tpu.dma_semaphore, #tpu.memory_space<semaphore_mem>>) src(%dma_wait3A_82 : memref<8x128xf32, #tpu.memory_space<vmem>>) dst(%dma_wait3A_79 : memref<8x128xf32, #tpu.memory_space<hbm>>)
    %dma_wait3A_83 = arith.constant 49 : i32
    %dma_wait3A_84 = arith.constant 3 : i32
    %dma_wait3A_85 = arith.constant 24 : i32
    %dma_wait3A_86 = arith.constant 0 : i32
    %dma_wait3A_87 = tpu.memref_slice %arg13[%dma_wait3A_85, %dma_wait3A_86] : memref<64x129xf32, #tpu.memory_space<vmem>> -> memref<8x128xf32, #tpu.memory_space<vmem>>
    %dma_wait3A_88 = arith.constant 0 : i32
    %dma_wait3A_89 = arith.constant 0 : i32
    %dma_wait3A_90 = tpu.memref_slice %arg7[%dma_wait3A_83, %dma_wait3A_84, %add3A_35, %dma_wait3A_88, %dma_wait3A_89] : memref<50x8x128x8x128xf32, #tpu.memory_space<hbm>> -> memref<1x1x1x8x128xf32, #tpu.memory_space<hbm>>
    %dma_wait3A_91 = tpu.memref_squeeze %dma_wait3A_90 : memref<1x1x1x8x128xf32, #tpu.memory_space<hbm>> -> memref<8x128xf32, #tpu.memory_space<hbm>>
    %dma_wait3A_92 = arith.constant 0 : i32
    %dma_wait3A_93 = arith.constant 0 : i32
    %dma_wait3A_94 = tpu.memref_slice %arg7[%dma_wait3A_83, %dma_wait3A_84, %add3A_35, %dma_wait3A_92, %dma_wait3A_93] : memref<50x8x128x8x128xf32, #tpu.memory_space<hbm>> -> memref<1x1x1x8x128xf32, #tpu.memory_space<hbm>>
    %dma_wait3A_95 = tpu.memref_squeeze %dma_wait3A_94 : memref<1x1x1x8x128xf32, #tpu.memory_space<hbm>> -> memref<8x128xf32, #tpu.memory_space<hbm>>
    %dma_wait3A_96 = arith.constant 24 : i32
    %dma_wait3A_97 = arith.constant 0 : i32
    %dma_wait3A_98 = tpu.memref_slice %arg13[%dma_wait3A_96, %dma_wait3A_97] : memref<64x129xf32, #tpu.memory_space<vmem>> -> memref<8x128xf32, #tpu.memory_space<vmem>>
    tpu.wait_dma2 semaphore(%arg19 : memref<!tpu.dma_semaphore, #tpu.memory_space<semaphore_mem>>) src(%dma_wait3A_98 : memref<8x128xf32, #tpu.memory_space<vmem>>) dst(%dma_wait3A_95 : memref<8x128xf32, #tpu.memory_space<hbm>>)
    %dma_wait3A_99 = arith.constant 49 : i32
    %dma_wait3A_100 = arith.constant 4 : i32
    %dma_wait3A_101 = arith.constant 32 : i32
    %dma_wait3A_102 = arith.constant 0 : i32
    %dma_wait3A_103 = tpu.memref_slice %arg13[%dma_wait3A_101, %dma_wait3A_102] : memref<64x129xf32, #tpu.memory_space<vmem>> -> memref<8x128xf32, #tpu.memory_space<vmem>>
    %dma_wait3A_104 = arith.constant 0 : i32
    %dma_wait3A_105 = arith.constant 0 : i32
    %dma_wait3A_106 = tpu.memref_slice %arg7[%dma_wait3A_99, %dma_wait3A_100, %add3A_35, %dma_wait3A_104, %dma_wait3A_105] : memref<50x8x128x8x128xf32, #tpu.memory_space<hbm>> -> memref<1x1x1x8x128xf32, #tpu.memory_space<hbm>>
    %dma_wait3A_107 = tpu.memref_squeeze %dma_wait3A_106 : memref<1x1x1x8x128xf32, #tpu.memory_space<hbm>> -> memref<8x128xf32, #tpu.memory_space<hbm>>
    %dma_wait3A_108 = arith.constant 0 : i32
    %dma_wait3A_109 = arith.constant 0 : i32
    %dma_wait3A_110 = tpu.memref_slice %arg7[%dma_wait3A_99, %dma_wait3A_100, %add3A_35, %dma_wait3A_108, %dma_wait3A_109] : memref<50x8x128x8x128xf32, #tpu.memory_space<hbm>> -> memref<1x1x1x8x128xf32, #tpu.memory_space<hbm>>
    %dma_wait3A_111 = tpu.memref_squeeze %dma_wait3A_110 : memref<1x1x1x8x128xf32, #tpu.memory_space<hbm>> -> memref<8x128xf32, #tpu.memory_space<hbm>>
    %dma_wait3A_112 = arith.constant 32 : i32
    %dma_wait3A_113 = arith.constant 0 : i32
    %dma_wait3A_114 = tpu.memref_slice %arg13[%dma_wait3A_112, %dma_wait3A_113] : memref<64x129xf32, #tpu.memory_space<vmem>> -> memref<8x128xf32, #tpu.memory_space<vmem>>
    tpu.wait_dma2 semaphore(%arg19 : memref<!tpu.dma_semaphore, #tpu.memory_space<semaphore_mem>>) src(%dma_wait3A_114 : memref<8x128xf32, #tpu.memory_space<vmem>>) dst(%dma_wait3A_111 : memref<8x128xf32, #tpu.memory_space<hbm>>)
    %dma_wait3A_115 = arith.constant 49 : i32
    %dma_wait3A_116 = arith.constant 5 : i32
    %dma_wait3A_117 = arith.constant 40 : i32
    %dma_wait3A_118 = arith.constant 0 : i32
    %dma_wait3A_119 = tpu.memref_slice %arg13[%dma_wait3A_117, %dma_wait3A_118] : memref<64x129xf32, #tpu.memory_space<vmem>> -> memref<8x128xf32, #tpu.memory_space<vmem>>
    %dma_wait3A_120 = arith.constant 0 : i32
    %dma_wait3A_121 = arith.constant 0 : i32
    %dma_wait3A_122 = tpu.memref_slice %arg7[%dma_wait3A_115, %dma_wait3A_116, %add3A_35, %dma_wait3A_120, %dma_wait3A_121] : memref<50x8x128x8x128xf32, #tpu.memory_space<hbm>> -> memref<1x1x1x8x128xf32, #tpu.memory_space<hbm>>
    %dma_wait3A_123 = tpu.memref_squeeze %dma_wait3A_122 : memref<1x1x1x8x128xf32, #tpu.memory_space<hbm>> -> memref<8x128xf32, #tpu.memory_space<hbm>>
    %dma_wait3A_124 = arith.constant 0 : i32
    %dma_wait3A_125 = arith.constant 0 : i32
    %dma_wait3A_126 = tpu.memref_slice %arg7[%dma_wait3A_115, %dma_wait3A_116, %add3A_35, %dma_wait3A_124, %dma_wait3A_125] : memref<50x8x128x8x128xf32, #tpu.memory_space<hbm>> -> memref<1x1x1x8x128xf32, #tpu.memory_space<hbm>>
    %dma_wait3A_127 = tpu.memref_squeeze %dma_wait3A_126 : memref<1x1x1x8x128xf32, #tpu.memory_space<hbm>> -> memref<8x128xf32, #tpu.memory_space<hbm>>
    %dma_wait3A_128 = arith.constant 40 : i32
    %dma_wait3A_129 = arith.constant 0 : i32
    %dma_wait3A_130 = tpu.memref_slice %arg13[%dma_wait3A_128, %dma_wait3A_129] : memref<64x129xf32, #tpu.memory_space<vmem>> -> memref<8x128xf32, #tpu.memory_space<vmem>>
    tpu.wait_dma2 semaphore(%arg19 : memref<!tpu.dma_semaphore, #tpu.memory_space<semaphore_mem>>) src(%dma_wait3A_130 : memref<8x128xf32, #tpu.memory_space<vmem>>) dst(%dma_wait3A_127 : memref<8x128xf32, #tpu.memory_space<hbm>>)
    %dma_wait3A_131 = arith.constant 49 : i32
    %dma_wait3A_132 = arith.constant 6 : i32
    %dma_wait3A_133 = arith.constant 48 : i32
    %dma_wait3A_134 = arith.constant 0 : i32
    %dma_wait3A_135 = tpu.memref_slice %arg13[%dma_wait3A_133, %dma_wait3A_134] : memref<64x129xf32, #tpu.memory_space<vmem>> -> memref<8x128xf32, #tpu.memory_space<vmem>>
    %dma_wait3A_136 = arith.constant 0 : i32
    %dma_wait3A_137 = arith.constant 0 : i32
    %dma_wait3A_138 = tpu.memref_slice %arg7[%dma_wait3A_131, %dma_wait3A_132, %add3A_35, %dma_wait3A_136, %dma_wait3A_137] : memref<50x8x128x8x128xf32, #tpu.memory_space<hbm>> -> memref<1x1x1x8x128xf32, #tpu.memory_space<hbm>>
    %dma_wait3A_139 = tpu.memref_squeeze %dma_wait3A_138 : memref<1x1x1x8x128xf32, #tpu.memory_space<hbm>> -> memref<8x128xf32, #tpu.memory_space<hbm>>
    %dma_wait3A_140 = arith.constant 0 : i32
    %dma_wait3A_141 = arith.constant 0 : i32
    %dma_wait3A_142 = tpu.memref_slice %arg7[%dma_wait3A_131, %dma_wait3A_132, %add3A_35, %dma_wait3A_140, %dma_wait3A_141] : memref<50x8x128x8x128xf32, #tpu.memory_space<hbm>> -> memref<1x1x1x8x128xf32, #tpu.memory_space<hbm>>
    %dma_wait3A_143 = tpu.memref_squeeze %dma_wait3A_142 : memref<1x1x1x8x128xf32, #tpu.memory_space<hbm>> -> memref<8x128xf32, #tpu.memory_space<hbm>>
    %dma_wait3A_144 = arith.constant 48 : i32
    %dma_wait3A_145 = arith.constant 0 : i32
    %dma_wait3A_146 = tpu.memref_slice %arg13[%dma_wait3A_144, %dma_wait3A_145] : memref<64x129xf32, #tpu.memory_space<vmem>> -> memref<8x128xf32, #tpu.memory_space<vmem>>
    tpu.wait_dma2 semaphore(%arg19 : memref<!tpu.dma_semaphore, #tpu.memory_space<semaphore_mem>>) src(%dma_wait3A_146 : memref<8x128xf32, #tpu.memory_space<vmem>>) dst(%dma_wait3A_143 : memref<8x128xf32, #tpu.memory_space<hbm>>)
    %dma_wait3A_147 = arith.constant 49 : i32
    %dma_wait3A_148 = arith.constant 7 : i32
    %dma_wait3A_149 = arith.constant 56 : i32
    %dma_wait3A_150 = arith.constant 0 : i32
    %dma_wait3A_151 = tpu.memref_slice %arg13[%dma_wait3A_149, %dma_wait3A_150] : memref<64x129xf32, #tpu.memory_space<vmem>> -> memref<8x128xf32, #tpu.memory_space<vmem>>
    %dma_wait3A_152 = arith.constant 0 : i32
    %dma_wait3A_153 = arith.constant 0 : i32
    %dma_wait3A_154 = tpu.memref_slice %arg7[%dma_wait3A_147, %dma_wait3A_148, %add3A_35, %dma_wait3A_152, %dma_wait3A_153] : memref<50x8x128x8x128xf32, #tpu.memory_space<hbm>> -> memref<1x1x1x8x128xf32, #tpu.memory_space<hbm>>
    %dma_wait3A_155 = tpu.memref_squeeze %dma_wait3A_154 : memref<1x1x1x8x128xf32, #tpu.memory_space<hbm>> -> memref<8x128xf32, #tpu.memory_space<hbm>>
    %dma_wait3A_156 = arith.constant 0 : i32
    %dma_wait3A_157 = arith.constant 0 : i32
    %dma_wait3A_158 = tpu.memref_slice %arg7[%dma_wait3A_147, %dma_wait3A_148, %add3A_35, %dma_wait3A_156, %dma_wait3A_157] : memref<50x8x128x8x128xf32, #tpu.memory_space<hbm>> -> memref<1x1x1x8x128xf32, #tpu.memory_space<hbm>>
    %dma_wait3A_159 = tpu.memref_squeeze %dma_wait3A_158 : memref<1x1x1x8x128xf32, #tpu.memory_space<hbm>> -> memref<8x128xf32, #tpu.memory_space<hbm>>
    %dma_wait3A_160 = arith.constant 56 : i32
    %dma_wait3A_161 = arith.constant 0 : i32
    %dma_wait3A_162 = tpu.memref_slice %arg13[%dma_wait3A_160, %dma_wait3A_161] : memref<64x129xf32, #tpu.memory_space<vmem>> -> memref<8x128xf32, #tpu.memory_space<vmem>>
    tpu.wait_dma2 semaphore(%arg19 : memref<!tpu.dma_semaphore, #tpu.memory_space<semaphore_mem>>) src(%dma_wait3A_162 : memref<8x128xf32, #tpu.memory_space<vmem>>) dst(%dma_wait3A_159 : memref<8x128xf32, #tpu.memory_space<hbm>>)
    %mul3A_163 = arith.constant 4 : i32
    %mul3A_164 = arith.muli %add3A, %mul3A_163 : i32
    %add3A_165 = arith.constant 3 : i32
    %add3A_166 = arith.addi %mul3A_164, %add3A_165 : i32
    %dma_wait3A_167 = arith.constant 49 : i32
    %dma_wait3A_168 = arith.constant 0 : i32
    %dma_wait3A_169 = arith.constant 0 : i32
    %dma_wait3A_170 = arith.constant 0 : i32
    %dma_wait3A_171 = tpu.memref_slice %arg14[%dma_wait3A_169, %dma_wait3A_170] : memref<64x129xf32, #tpu.memory_space<vmem>> -> memref<8x128xf32, #tpu.memory_space<vmem>>
    %dma_wait3A_172 = arith.constant 0 : i32
    %dma_wait3A_173 = arith.constant 0 : i32
    %dma_wait3A_174 = tpu.memref_slice %arg7[%dma_wait3A_167, %dma_wait3A_168, %add3A_166, %dma_wait3A_172, %dma_wait3A_173] : memref<50x8x128x8x128xf32, #tpu.memory_space<hbm>> -> memref<1x1x1x8x128xf32, #tpu.memory_space<hbm>>
    %dma_wait3A_175 = tpu.memref_squeeze %dma_wait3A_174 : memref<1x1x1x8x128xf32, #tpu.memory_space<hbm>> -> memref<8x128xf32, #tpu.memory_space<hbm>>
    %dma_wait3A_176 = arith.constant 0 : i32
    %dma_wait3A_177 = arith.constant 0 : i32
    %dma_wait3A_178 = tpu.memref_slice %arg7[%dma_wait3A_167, %dma_wait3A_168, %add3A_166, %dma_wait3A_176, %dma_wait3A_177] : memref<50x8x128x8x128xf32, #tpu.memory_space<hbm>> -> memref<1x1x1x8x128xf32, #tpu.memory_space<hbm>>
    %dma_wait3A_179 = tpu.memref_squeeze %dma_wait3A_178 : memref<1x1x1x8x128xf32, #tpu.memory_space<hbm>> -> memref<8x128xf32, #tpu.memory_space<hbm>>
    %dma_wait3A_180 = arith.constant 0 : i32
    %dma_wait3A_181 = arith.constant 0 : i32
    %dma_wait3A_182 = tpu.memref_slice %arg14[%dma_wait3A_180, %dma_wait3A_181] : memref<64x129xf32, #tpu.memory_space<vmem>> -> memref<8x128xf32, #tpu.memory_space<vmem>>
    tpu.wait_dma2 semaphore(%arg20 : memref<!tpu.dma_semaphore, #tpu.memory_space<semaphore_mem>>) src(%dma_wait3A_182 : memref<8x128xf32, #tpu.memory_space<vmem>>) dst(%dma_wait3A_179 : memref<8x128xf32, #tpu.memory_space<hbm>>)
    %dma_wait3A_183 = arith.constant 49 : i32
    %dma_wait3A_184 = arith.constant 1 : i32
    %dma_wait3A_185 = arith.constant 8 : i32
    %dma_wait3A_186 = arith.constant 0 : i32
    %dma_wait3A_187 = tpu.memref_slice %arg14[%dma_wait3A_185, %dma_wait3A_186] : memref<64x129xf32, #tpu.memory_space<vmem>> -> memref<8x128xf32, #tpu.memory_space<vmem>>
    %dma_wait3A_188 = arith.constant 0 : i32
    %dma_wait3A_189 = arith.constant 0 : i32
    %dma_wait3A_190 = tpu.memref_slice %arg7[%dma_wait3A_183, %dma_wait3A_184, %add3A_166, %dma_wait3A_188, %dma_wait3A_189] : memref<50x8x128x8x128xf32, #tpu.memory_space<hbm>> -> memref<1x1x1x8x128xf32, #tpu.memory_space<hbm>>
    %dma_wait3A_191 = tpu.memref_squeeze %dma_wait3A_190 : memref<1x1x1x8x128xf32, #tpu.memory_space<hbm>> -> memref<8x128xf32, #tpu.memory_space<hbm>>
    %dma_wait3A_192 = arith.constant 0 : i32
    %dma_wait3A_193 = arith.constant 0 : i32
    %dma_wait3A_194 = tpu.memref_slice %arg7[%dma_wait3A_183, %dma_wait3A_184, %add3A_166, %dma_wait3A_192, %dma_wait3A_193] : memref<50x8x128x8x128xf32, #tpu.memory_space<hbm>> -> memref<1x1x1x8x128xf32, #tpu.memory_space<hbm>>
    %dma_wait3A_195 = tpu.memref_squeeze %dma_wait3A_194 : memref<1x1x1x8x128xf32, #tpu.memory_space<hbm>> -> memref<8x128xf32, #tpu.memory_space<hbm>>
    %dma_wait3A_196 = arith.constant 8 : i32
    %dma_wait3A_197 = arith.constant 0 : i32
    %dma_wait3A_198 = tpu.memref_slice %arg14[%dma_wait3A_196, %dma_wait3A_197] : memref<64x129xf32, #tpu.memory_space<vmem>> -> memref<8x128xf32, #tpu.memory_space<vmem>>
    tpu.wait_dma2 semaphore(%arg20 : memref<!tpu.dma_semaphore, #tpu.memory_space<semaphore_mem>>) src(%dma_wait3A_198 : memref<8x128xf32, #tpu.memory_space<vmem>>) dst(%dma_wait3A_195 : memref<8x128xf32, #tpu.memory_space<hbm>>)
    %dma_wait3A_199 = arith.constant 49 : i32
    %dma_wait3A_200 = arith.constant 2 : i32
    %dma_wait3A_201 = arith.constant 16 : i32
    %dma_wait3A_202 = arith.constant 0 : i32
    %dma_wait3A_203 = tpu.memref_slice %arg14[%dma_wait3A_201, %dma_wait3A_202] : memref<64x129xf32, #tpu.memory_space<vmem>> -> memref<8x128xf32, #tpu.memory_space<vmem>>
    %dma_wait3A_204 = arith.constant 0 : i32
    %dma_wait3A_205 = arith.constant 0 : i32
    %dma_wait3A_206 = tpu.memref_slice %arg7[%dma_wait3A_199, %dma_wait3A_200, %add3A_166, %dma_wait3A_204, %dma_wait3A_205] : memref<50x8x128x8x128xf32, #tpu.memory_space<hbm>> -> memref<1x1x1x8x128xf32, #tpu.memory_space<hbm>>
    %dma_wait3A_207 = tpu.memref_squeeze %dma_wait3A_206 : memref<1x1x1x8x128xf32, #tpu.memory_space<hbm>> -> memref<8x128xf32, #tpu.memory_space<hbm>>
    %dma_wait3A_208 = arith.constant 0 : i32
    %dma_wait3A_209 = arith.constant 0 : i32
    %dma_wait3A_210 = tpu.memref_slice %arg7[%dma_wait3A_199, %dma_wait3A_200, %add3A_166, %dma_wait3A_208, %dma_wait3A_209] : memref<50x8x128x8x128xf32, #tpu.memory_space<hbm>> -> memref<1x1x1x8x128xf32, #tpu.memory_space<hbm>>
    %dma_wait3A_211 = tpu.memref_squeeze %dma_wait3A_210 : memref<1x1x1x8x128xf32, #tpu.memory_space<hbm>> -> memref<8x128xf32, #tpu.memory_space<hbm>>
    %dma_wait3A_212 = arith.constant 16 : i32
    %dma_wait3A_213 = arith.constant 0 : i32
    %dma_wait3A_214 = tpu.memref_slice %arg14[%dma_wait3A_212, %dma_wait3A_213] : memref<64x129xf32, #tpu.memory_space<vmem>> -> memref<8x128xf32, #tpu.memory_space<vmem>>
    tpu.wait_dma2 semaphore(%arg20 : memref<!tpu.dma_semaphore, #tpu.memory_space<semaphore_mem>>) src(%dma_wait3A_214 : memref<8x128xf32, #tpu.memory_space<vmem>>) dst(%dma_wait3A_211 : memref<8x128xf32, #tpu.memory_space<hbm>>)
    %dma_wait3A_215 = arith.constant 49 : i32
    %dma_wait3A_216 = arith.constant 3 : i32
    %dma_wait3A_217 = arith.constant 24 : i32
    %dma_wait3A_218 = arith.constant 0 : i32
    %dma_wait3A_219 = tpu.memref_slice %arg14[%dma_wait3A_217, %dma_wait3A_218] : memref<64x129xf32, #tpu.memory_space<vmem>> -> memref<8x128xf32, #tpu.memory_space<vmem>>
    %dma_wait3A_220 = arith.constant 0 : i32
    %dma_wait3A_221 = arith.constant 0 : i32
    %dma_wait3A_222 = tpu.memref_slice %arg7[%dma_wait3A_215, %dma_wait3A_216, %add3A_166, %dma_wait3A_220, %dma_wait3A_221] : memref<50x8x128x8x128xf32, #tpu.memory_space<hbm>> -> memref<1x1x1x8x128xf32, #tpu.memory_space<hbm>>
    %dma_wait3A_223 = tpu.memref_squeeze %dma_wait3A_222 : memref<1x1x1x8x128xf32, #tpu.memory_space<hbm>> -> memref<8x128xf32, #tpu.memory_space<hbm>>
    %dma_wait3A_224 = arith.constant 0 : i32
    %dma_wait3A_225 = arith.constant 0 : i32
    %dma_wait3A_226 = tpu.memref_slice %arg7[%dma_wait3A_215, %dma_wait3A_216, %add3A_166, %dma_wait3A_224, %dma_wait3A_225] : memref<50x8x128x8x128xf32, #tpu.memory_space<hbm>> -> memref<1x1x1x8x128xf32, #tpu.memory_space<hbm>>
    %dma_wait3A_227 = tpu.memref_squeeze %dma_wait3A_226 : memref<1x1x1x8x128xf32, #tpu.memory_space<hbm>> -> memref<8x128xf32, #tpu.memory_space<hbm>>
    %dma_wait3A_228 = arith.constant 24 : i32
    %dma_wait3A_229 = arith.constant 0 : i32
    %dma_wait3A_230 = tpu.memref_slice %arg14[%dma_wait3A_228, %dma_wait3A_229] : memref<64x129xf32, #tpu.memory_space<vmem>> -> memref<8x128xf32, #tpu.memory_space<vmem>>
    tpu.wait_dma2 semaphore(%arg20 : memref<!tpu.dma_semaphore, #tpu.memory_space<semaphore_mem>>) src(%dma_wait3A_230 : memref<8x128xf32, #tpu.memory_space<vmem>>) dst(%dma_wait3A_227 : memref<8x128xf32, #tpu.memory_space<hbm>>)
    %dma_wait3A_231 = arith.constant 49 : i32
    %dma_wait3A_232 = arith.constant 4 : i32
    %dma_wait3A_233 = arith.constant 32 : i32
    %dma_wait3A_234 = arith.constant 0 : i32
    %dma_wait3A_235 = tpu.memref_slice %arg14[%dma_wait3A_233, %dma_wait3A_234] : memref<64x129xf32, #tpu.memory_space<vmem>> -> memref<8x128xf32, #tpu.memory_space<vmem>>
    %dma_wait3A_236 = arith.constant 0 : i32
    %dma_wait3A_237 = arith.constant 0 : i32
    %dma_wait3A_238 = tpu.memref_slice %arg7[%dma_wait3A_231, %dma_wait3A_232, %add3A_166, %dma_wait3A_236, %dma_wait3A_237] : memref<50x8x128x8x128xf32, #tpu.memory_space<hbm>> -> memref<1x1x1x8x128xf32, #tpu.memory_space<hbm>>
    %dma_wait3A_239 = tpu.memref_squeeze %dma_wait3A_238 : memref<1x1x1x8x128xf32, #tpu.memory_space<hbm>> -> memref<8x128xf32, #tpu.memory_space<hbm>>
    %dma_wait3A_240 = arith.constant 0 : i32
    %dma_wait3A_241 = arith.constant 0 : i32
    %dma_wait3A_242 = tpu.memref_slice %arg7[%dma_wait3A_231, %dma_wait3A_232, %add3A_166, %dma_wait3A_240, %dma_wait3A_241] : memref<50x8x128x8x128xf32, #tpu.memory_space<hbm>> -> memref<1x1x1x8x128xf32, #tpu.memory_space<hbm>>
    %dma_wait3A_243 = tpu.memref_squeeze %dma_wait3A_242 : memref<1x1x1x8x128xf32, #tpu.memory_space<hbm>> -> memref<8x128xf32, #tpu.memory_space<hbm>>
    %dma_wait3A_244 = arith.constant 32 : i32
    %dma_wait3A_245 = arith.constant 0 : i32
    %dma_wait3A_246 = tpu.memref_slice %arg14[%dma_wait3A_244, %dma_wait3A_245] : memref<64x129xf32, #tpu.memory_space<vmem>> -> memref<8x128xf32, #tpu.memory_space<vmem>>
    tpu.wait_dma2 semaphore(%arg20 : memref<!tpu.dma_semaphore, #tpu.memory_space<semaphore_mem>>) src(%dma_wait3A_246 : memref<8x128xf32, #tpu.memory_space<vmem>>) dst(%dma_wait3A_243 : memref<8x128xf32, #tpu.memory_space<hbm>>)
    %dma_wait3A_247 = arith.constant 49 : i32
    %dma_wait3A_248 = arith.constant 5 : i32
    %dma_wait3A_249 = arith.constant 40 : i32
    %dma_wait3A_250 = arith.constant 0 : i32
    %dma_wait3A_251 = tpu.memref_slice %arg14[%dma_wait3A_249, %dma_wait3A_250] : memref<64x129xf32, #tpu.memory_space<vmem>> -> memref<8x128xf32, #tpu.memory_space<vmem>>
    %dma_wait3A_252 = arith.constant 0 : i32
    %dma_wait3A_253 = arith.constant 0 : i32
    %dma_wait3A_254 = tpu.memref_slice %arg7[%dma_wait3A_247, %dma_wait3A_248, %add3A_166, %dma_wait3A_252, %dma_wait3A_253] : memref<50x8x128x8x128xf32, #tpu.memory_space<hbm>> -> memref<1x1x1x8x128xf32, #tpu.memory_space<hbm>>
    %dma_wait3A_255 = tpu.memref_squeeze %dma_wait3A_254 : memref<1x1x1x8x128xf32, #tpu.memory_space<hbm>> -> memref<8x128xf32, #tpu.memory_space<hbm>>
    %dma_wait3A_256 = arith.constant 0 : i32
    %dma_wait3A_257 = arith.constant 0 : i32
    %dma_wait3A_258 = tpu.memref_slice %arg7[%dma_wait3A_247, %dma_wait3A_248, %add3A_166, %dma_wait3A_256, %dma_wait3A_257] : memref<50x8x128x8x128xf32, #tpu.memory_space<hbm>> -> memref<1x1x1x8x128xf32, #tpu.memory_space<hbm>>
    %dma_wait3A_259 = tpu.memref_squeeze %dma_wait3A_258 : memref<1x1x1x8x128xf32, #tpu.memory_space<hbm>> -> memref<8x128xf32, #tpu.memory_space<hbm>>
    %dma_wait3A_260 = arith.constant 40 : i32
    %dma_wait3A_261 = arith.constant 0 : i32
    %dma_wait3A_262 = tpu.memref_slice %arg14[%dma_wait3A_260, %dma_wait3A_261] : memref<64x129xf32, #tpu.memory_space<vmem>> -> memref<8x128xf32, #tpu.memory_space<vmem>>
    tpu.wait_dma2 semaphore(%arg20 : memref<!tpu.dma_semaphore, #tpu.memory_space<semaphore_mem>>) src(%dma_wait3A_262 : memref<8x128xf32, #tpu.memory_space<vmem>>) dst(%dma_wait3A_259 : memref<8x128xf32, #tpu.memory_space<hbm>>)
    %dma_wait3A_263 = arith.constant 49 : i32
    %dma_wait3A_264 = arith.constant 6 : i32
    %dma_wait3A_265 = arith.constant 48 : i32
    %dma_wait3A_266 = arith.constant 0 : i32
    %dma_wait3A_267 = tpu.memref_slice %arg14[%dma_wait3A_265, %dma_wait3A_266] : memref<64x129xf32, #tpu.memory_space<vmem>> -> memref<8x128xf32, #tpu.memory_space<vmem>>
    %dma_wait3A_268 = arith.constant 0 : i32
    %dma_wait3A_269 = arith.constant 0 : i32
    %dma_wait3A_270 = tpu.memref_slice %arg7[%dma_wait3A_263, %dma_wait3A_264, %add3A_166, %dma_wait3A_268, %dma_wait3A_269] : memref<50x8x128x8x128xf32, #tpu.memory_space<hbm>> -> memref<1x1x1x8x128xf32, #tpu.memory_space<hbm>>
    %dma_wait3A_271 = tpu.memref_squeeze %dma_wait3A_270 : memref<1x1x1x8x128xf32, #tpu.memory_space<hbm>> -> memref<8x128xf32, #tpu.memory_space<hbm>>
    %dma_wait3A_272 = arith.constant 0 : i32
    %dma_wait3A_273 = arith.constant 0 : i32
    %dma_wait3A_274 = tpu.memref_slice %arg7[%dma_wait3A_263, %dma_wait3A_264, %add3A_166, %dma_wait3A_272, %dma_wait3A_273] : memref<50x8x128x8x128xf32, #tpu.memory_space<hbm>> -> memref<1x1x1x8x128xf32, #tpu.memory_space<hbm>>
    %dma_wait3A_275 = tpu.memref_squeeze %dma_wait3A_274 : memref<1x1x1x8x128xf32, #tpu.memory_space<hbm>> -> memref<8x128xf32, #tpu.memory_space<hbm>>
    %dma_wait3A_276 = arith.constant 48 : i32
    %dma_wait3A_277 = arith.constant 0 : i32
    %dma_wait3A_278 = tpu.memref_slice %arg14[%dma_wait3A_276, %dma_wait3A_277] : memref<64x129xf32, #tpu.memory_space<vmem>> -> memref<8x128xf32, #tpu.memory_space<vmem>>
    tpu.wait_dma2 semaphore(%arg20 : memref<!tpu.dma_semaphore, #tpu.memory_space<semaphore_mem>>) src(%dma_wait3A_278 : memref<8x128xf32, #tpu.memory_space<vmem>>) dst(%dma_wait3A_275 : memref<8x128xf32, #tpu.memory_space<hbm>>)
    %dma_wait3A_279 = arith.constant 49 : i32
    %dma_wait3A_280 = arith.constant 7 : i32
    %dma_wait3A_281 = arith.constant 56 : i32
    %dma_wait3A_282 = arith.constant 0 : i32
    %dma_wait3A_283 = tpu.memref_slice %arg14[%dma_wait3A_281, %dma_wait3A_282] : memref<64x129xf32, #tpu.memory_space<vmem>> -> memref<8x128xf32, #tpu.memory_space<vmem>>
    %dma_wait3A_284 = arith.constant 0 : i32
    %dma_wait3A_285 = arith.constant 0 : i32
    %dma_wait3A_286 = tpu.memref_slice %arg7[%dma_wait3A_279, %dma_wait3A_280, %add3A_166, %dma_wait3A_284, %dma_wait3A_285] : memref<50x8x128x8x128xf32, #tpu.memory_space<hbm>> -> memref<1x1x1x8x128xf32, #tpu.memory_space<hbm>>
    %dma_wait3A_287 = tpu.memref_squeeze %dma_wait3A_286 : memref<1x1x1x8x128xf32, #tpu.memory_space<hbm>> -> memref<8x128xf32, #tpu.memory_space<hbm>>
    %dma_wait3A_288 = arith.constant 0 : i32
    %dma_wait3A_289 = arith.constant 0 : i32
    %dma_wait3A_290 = tpu.memref_slice %arg7[%dma_wait3A_279, %dma_wait3A_280, %add3A_166, %dma_wait3A_288, %dma_wait3A_289] : memref<50x8x128x8x128xf32, #tpu.memory_space<hbm>> -> memref<1x1x1x8x128xf32, #tpu.memory_space<hbm>>
    %dma_wait3A_291 = tpu.memref_squeeze %dma_wait3A_290 : memref<1x1x1x8x128xf32, #tpu.memory_space<hbm>> -> memref<8x128xf32, #tpu.memory_space<hbm>>
    %dma_wait3A_292 = arith.constant 56 : i32
    %dma_wait3A_293 = arith.constant 0 : i32
    %dma_wait3A_294 = tpu.memref_slice %arg14[%dma_wait3A_292, %dma_wait3A_293] : memref<64x129xf32, #tpu.memory_space<vmem>> -> memref<8x128xf32, #tpu.memory_space<vmem>>
    tpu.wait_dma2 semaphore(%arg20 : memref<!tpu.dma_semaphore, #tpu.memory_space<semaphore_mem>>) src(%dma_wait3A_294 : memref<8x128xf32, #tpu.memory_space<vmem>>) dst(%dma_wait3A_291 : memref<8x128xf32, #tpu.memory_space<hbm>>)
    return
  }
}

</mosaic_0001>

<sc_bundles>
// kernel: kernel.3.cloned.1.call-start
scs
__scs_entry_jumppad:
0x0: {  	(pc) =	sbr.rel $0x88, $3  }
0x1: {  	(tag) =	ssettag $0x0;
	lr =	simm.s32 $0x1  }
0x2: {  	[smem:$0x3F9C] =	sst lr;
	_ =	strace $0xD0000000  }
0x3: {  	_ = 	snop  }
0x4: {  	_ = 	snop  }
0x5: {  	_ = 	snop  }
0x6: {  	_ = 	snop  }
0x7: {  	_ = 	snop  }
__scs_overlays_trampoline_lowered:
0x8: {  	[smem:$0x3FAB] =	sst s0  }
0x9: {  	[smem:$0x3FAC] =	sst s1  }
0xa: {  	[smem:$0x3FAD] =	sst s2  }
0xb: {  	[smem:$0x3FAE] =	sst s3  }
0xc: {  	[smem:$0x3FAF] =	sst s4  }
0xd: {  	[smem:$0x3FB0] =	sst s5  }
0xe: {  	[smem:$0x3FB1] =	sst s6  }
0xf: {  	[smem:$0x3FB2] =	sst s7  }
0x10: {  	[smem:$0x3FB3] =	sst s8  }
0x11: {  	[smem:$0x3FB4] =	sst s9;
	s0 =	simm.s32 @!p0 $0x0  }
0x12: {  	s1 =	sld [smem:$0x3F9A];
	s0 =	simm.s32 @p0 $0x1  }
0x13: {  	[smem:$0x3FB5] =	sst s0;
	s0 =	simm.s32 @!p1 $0x0  }
0x14: {  	s2 =	sld [smem:$0x3F99];
	s0 =	simm.s32 @p1 $0x1  }
0x15: {  	[smem:$0x3FB6] =	sst s0;
	s0 =	simm.s32 @!p2 $0x0  }
0x16: {  	s3 =	sld [smem:$0x3FDB];
	s0 =	simm.s32 @p2 $0x1  }
0x17: {  	s4 =	simm.s32 $0x1BF5;
	[smem:$0x3FB8] =	sst s0  }
0x18: {  	s0 =	sld [smem:$0x3F9B];
	_ =	swait.ge [sflag:s4], $0x0  }
0x19: {  	s7 =	sld [smem:$0x3F9C]  }
0x1a: {  	s8 =	sadd.s32 $0xFFFFE003, lr  }
0x1b: {  	s9 =	sadd.s32 $0xFFFFFEF7, lr;
	s5 =	simm.s32 $0xFFFFFFFF;
	p2 =	slt.u32 s8, $0xFFFFF086  }
0x1c: {  	p1 =	slt.u32 s9, $0xF7A;
	s5 =	simm.s32 @!p2 $0x0  }
0x1d: {  	s5 =	simm.s32 @p1 $0x1;
	p0 =	seq.s32 s7, s2  }
0x1e: {  	s7 =	smul.u32 @!p0 $0xF7A, s2;
	p2 =	seq.s32 @!p0 s5, $0x0  }
0x1f: {  	s9 =	smul.u32 $0xF7A, s1;
	s8 =	simm.s32 @!p0 $0x1BF5;
	p2 =	por !p2, p0  }
0x20: {  	[sflag:s8] =	ssyncset.s32 @!p0 $0xFFFFF086;
	s6 =	sadd.s32 @!p0 s3, s7;
	s7 =	simm.s32 @!p0 $0x108  }
0x21: {  	s3 =	sadd.s32 s3, s9;
	s6 =	sadd.s32 @!p0 $0x88, s6;
	s7 =	simm.s32 @p2 $0x1082  }
0x22: {  	[simem:s7], [sflag:s8] =	dma.local @!p0 [hbm:s6], $0xF7A  }
0x23: {  	s9 =	sor.u32 $0xD0000000, s2;
	s6 =	simm.s32 $0x108;
	_ =	swait.ge @!p0 [sflag:s8], $0x0  }
0x24: {  	s3 =	sadd.s32 $0x88, s3;
	s6 =	simm.s32 @!p1 $0x1082;
	[sflag:s4] =	ssyncset.s32 $0xFFFFF086  }
0x25: {  	[simem:s6], [sflag:s4] =	dma.local [hbm:s3], $0xF7A  }
0x26: {  	[smem:$0x3F9C] =	sst s1;
	(tag) =	ssettag s2;
	_ =	strace s9  }
0x27: {  	s1 =	sld [smem:$0x3FAC]  }
0x28: {  	s2 =	sld [smem:$0x3FAD]  }
0x29: {  	s4 =	sld [smem:$0x3FAF]  }
0x2a: {  	p0 =	seq.s32 s5, $0x0;
	s5 =	sld [smem:$0x3FB0]  }
0x2b: {  	s6 =	sld [smem:$0x3FB1]  }
0x2c: {  	s7 =	sld [smem:$0x3FB2]  }
0x2d: {  	s3 =	simm.s32 $0x108;
	s8 =	sld [smem:$0x3FB3]  }
0x2e: {  	s3 =	simm.s32 @!p0 $0x1082;
	s9 =	sld [smem:$0x3FB4]  }
0x2f: {  	lr =	sadd.s32 s0, s3;
	s0 =	sld [smem:$0x3FAB]  }
0x30: {  	s3 =	sld [smem:$0x3FAE]  }
0x31: {  	[smem:$0x3FB7] =	sst s10  }
0x32: {  	s10 =	sld [smem:$0x3FB5];
	_ =	sdelay $0x3  }
0x33: {  	p0 =	seq.s32 s10, $0x1;
	s10 =	sld [smem:$0x3FB7];
	_ =	sdelay $0x3  }
0x34: {  	[smem:$0x3FB7] =	sst s10  }
0x35: {  	s10 =	sld [smem:$0x3FB6];
	_ =	sdelay $0x3  }
0x36: {  	p1 =	seq.s32 s10, $0x1;
	s10 =	sld [smem:$0x3FB7];
	_ =	sdelay $0x3  }
0x37: {  	[smem:$0x3FB7] =	sst s10  }
0x38: {  	s10 =	sld [smem:$0x3FB8]  }
0x39: {  	_ = 	snop;
	(pc) =	sbr.ind lr, $3  }
0x3a: {  	_ = 	snop  }
0x3b: {  	_ = 	snop  }
0x3c: {  	p2 =	seq.s32 s10, $0x1;
	s10 =	sld [smem:$0x3FB7]  }
0x3d: {  	_ =	shalt  }
0x3e: {  	_ =	shalt  }
0x3f: {  	_ =	shalt  }
0x40: {  	_ =	shalt  }
0x41: {  	_ =	shalt  }
0x42: {  	_ =	shalt  }
0x43: {  	_ =	shalt  }
0x44: {  	_ =	shalt  }
0x45: {  	_ =	shalt  }
0x46: {  	_ =	shalt  }
0x47: {  	_ =	shalt  }
0x48: {  	_ =	shalt  }
0x49: {  	_ =	shalt  }
0x4a: {  	_ =	shalt  }
0x4b: {  	_ =	shalt  }
0x4c: {  	_ =	shalt  }
0x4d: {  	_ =	shalt  }
0x4e: {  	_ =	shalt  }
0x4f: {  	_ =	shalt  }
0x50: {  	_ =	shalt  }
0x51: {  	_ =	shalt  }
0x52: {  	_ =	shalt  }
0x53: {  	_ =	shalt  }
0x54: {  	_ =	shalt  }
0x55: {  	_ =	shalt  }
0x56: {  	_ =	shalt  }
0x57: {  	_ =	shalt  }
0x58: {  	_ =	shalt  }
0x59: {  	_ =	shalt  }
0x5a: {  	_ =	shalt  }
0x5b: {  	_ =	shalt  }
0x5c: {  	_ =	shalt  }
0x5d: {  	_ =	shalt  }
0x5e: {  	_ =	shalt  }
0x5f: {  	_ =	shalt  }
0x60: {  	_ =	shalt  }
0x61: {  	_ =	shalt  }
0x62: {  	_ =	shalt  }
0x63: {  	_ =	shalt  }
0x64: {  	_ =	shalt  }
0x65: {  	_ =	shalt  }
0x66: {  	_ =	shalt  }
0x67: {  	_ =	shalt  }
0x68: {  	_ =	shalt  }
0x69: {  	_ =	shalt  }
0x6a: {  	_ =	shalt  }
0x6b: {  	_ =	shalt  }
0x6c: {  	_ =	shalt  }
0x6d: {  	_ =	shalt  }
0x6e: {  	_ =	shalt  }
0x6f: {  	_ =	shalt  }
0x70: {  	_ =	shalt  }
0x71: {  	_ =	shalt  }
0x72: {  	_ =	shalt  }
0x73: {  	_ =	shalt  }
0x74: {  	_ =	shalt  }
0x75: {  	_ =	shalt  }
0x76: {  	_ =	shalt  }
0x77: {  	_ =	shalt  }
0x78: {  	_ =	shalt  }
0x79: {  	_ =	shalt  }
0x7a: {  	_ =	shalt  }
0x7b: {  	_ =	shalt  }
0x7c: {  	_ =	shalt  }
0x7d: {  	_ =	shalt  }
0x7e: {  	_ =	shalt  }
0x7f: {  	_ =	shalt  }
0x80: {  	_ =	shalt  }
0x81: {  	_ =	shalt  }
0x82: {  	_ =	shalt  }
0x83: {  	_ =	shalt  }
0x84: {  	_ =	shalt  }
0x85: {  	_ =	shalt  }
0x86: {  	_ =	shalt  }
0x87: {  	_ =	shalt  }
.Lfunc_end0:
.L_simem_size_0:
called_computation_lowered:
.L_overlay_start_0:
0x88: {  	s2 =	sld [smem:$0x3FD9]  }
0x89: {  	s3 =	sld [smem:$0x3FFE];
	_ =	sdelay $0x1  }
0x8a: {  	s1 =	srdreg.scid  }
0x8b: {  	s0 =	sand.u32 $0x1, s1  }
0x8c: {  	s17 =	sshll.u32 s0, $0xA;
	s2 =	sadd.s32 s3, s2  }
0x8d: {  	s2 =	sadd.s32 s2, s17  }
0x8e: {  	[smem:$0x3FC3] =	sst s2  }
0x8f: {  	_ = 	snop  }
0x90: {  	s2 =	sld [smem:$0x3FC6]  }
0x91: {  	s18 =	sld [smem:$0x3FC5]  }
0x92: {  	s4 =	sld [smem:$0x3FD0];
	(tm) =	ssettm $0x1  }
0x93: {  	s5 =	sld [smem:$0x3FFB];
	_ =	sdelay $0x3  }
0x94: {  	_ =	strace s5  }
0x95: {  	s5 =	sld [smem:$0x3FFC];
	_ =	sdelay $0x3  }
0x96: {  	_ =	strace s5  }
0x97: {  	s5 =	sld [smem:$0x3FFD];
	_ =	sdelay $0x3  }
0x98: {  	_ =	strace s5  }
0x99: {  	_ =	strace $0x8FFFFFFF  }
0x9a: {  	s19 =	sld [smem:$0x3FDB];
	_ =	sdelay $0x1  }
0x9b: {  	s6 =	simm.s32 $_scs_section_size  }
0x9c: {  	s7 =	simm.s32 $_size__tile_overlayer_lowered;
	s8 =	simm.s32 $_tile_overlayer_lowered  }
0x9d: {  	s22 =	simm.s32 $0x1BFF;
	s21 =	sshll.u32 s8, $0x1;
	s5 =	sadd.s32 s6, s19  }
0x9e: {  	s9 =	simm.s32 $0x0;
	s20 =	sshll.u32 s7, $0x1;
	s7 =	sadd.s32 s21, s5  }
0x9f: {  	[timem:s9], [sflag:s22] =	dma.local [hbm:s7], s20  }
0xa0: {  	_ =	swait.ge [sflag:s22], s20  }
0xa1: {  	s6 =	ssub.s32 $0x0, s20;
	[sflag:s22] =	ssyncset.done $0x0  }
0xa2: {  	[sflag:s22] =	ssyncadd.s32 s6;
	_ =	sdelay $0x1  }
0xa3: {  	s23 =	simm.s32 $0x1B8B  }
0xa4: {  	_ =	swait.ge [sflag:s23], $0x1  }
0xa5: {  	[sflag:s23] =	ssyncset.done $0x0  }
0xa6: {  	s25 =	simm.s32 $0x1B8E;
	s24 =	sld [smem:$0x3FFE];
	[sflag:s23] =	ssyncadd.s32 $0xFFFFFFFF  }
0xa7: {  	s26 =	simm.s32 $execute0_lowered;
	[smem:$0x3FD2] =	sst s25  }
0xa8: {  	s7 =	sshll.u32 s26, $0x1;
	_ =	strace $0x80000046;
	[dreg:$0x1] =	wrdreg $0xFFFFFFFF  }
0xa9: {  	s28 =	simm.s32 $_size_execute0_lowered;
	s5 =	sadd.s32 s5, s7;
	[dreg:$0x0] =	wrdreg $0x0  }
0xaa: {  	s7 =	sshll.u32 s28, $0x1;
	[dreg:$0x2] =	wrdreg s5  }
0xab: {  	[dreg:$0x3] =	wrdreg s7  }
0xac: {  	[dreg:$0x4] =	wrdreg $0xC0  }
0xad: {  	_ =	task [dreg:s9], $0x5FFFF  }
0xae: {  	[dreg:$0x1] =	wrdreg $0xFFFFFFFF  }
0xaf: {  	[dreg:$0x0] =	wrdreg $0x60  }
0xb0: {  	[dreg:$0x2] =	wrdreg s24  }
0xb1: {  	[dreg:$0x3] =	wrdreg s2  }
0xb2: {  	[dreg:$0x4] =	wrdreg s18  }
0xb3: {  	[dreg:$0x5] =	wrdreg s4  }
0xb4: {  	[dreg:$0x6] =	wrdreg $0x9  }
0xb5: {  	_ =	task.clear_ibuf [dreg:s9], $0x7FFFF;
	_ =	strace $0x90000046  }
0xb6: {  	s29 =	simm.s32 $0x9;
	_ =	strace $0x80000048  }
0xb7: {  	_ =	swait.ge [sflag:s29], $0x1  }
0xb8: {  	[sflag:s29] =	ssyncadd.s32 $0xFFFFFFFF  }
0xb9: {  	_ =	strace $0x90000048  }
0xba: {  	_ =	sfence  }
0xbb: {  	s30 =	sld [smem:$0x0];
	_ =	sdelay $0x2  }
0xbc: {  	s31 =	sshll.u32 s1, $0xD;
	s1 =	sshrl.u32 s1, $0x2  }
0xbd: {  	s3 =	sand.u32 $0x4000, s31;
	s1 =	sadd.s32 s1, s30  }
0xbe: {  	s0 =	sor.u32 s3, s0;
	s1 =	sshll.u32 s1, $0x11  }
0xbf: {  	s0 =	sor.u32 s1, s0  }
0xc0: {  	s0 =	sadd.s32 $0x8F2B, s0  }
0xc1: {  	[sflag:s0] =	ssyncadd.remote.s32 $0x1  }
0xc2: {  	_ =	sfence.sel $0xFFFF  }
0xc3: {  	[dreg:$0x0] =	wrdreg $0xFFFFFFFF;
	(pc) =	sbr.abs _section_cstart, $3  }
0xc4: {  	[dreg:$0x1] =	wrdreg $0xFFFFFFFF  }
0xc5: {  	_ =	task.clear_ibuf [dreg:s9], $0x2FFFF;
	_ =	strace $0x9FFFFFFF  }
0xc6: {  	(tm) =	ssettm $0x7FFFFFFF  }
0xc7: {  	_ =	shalt  }
tec
execute0_lowered:
.L_overlay_start_1:
0x0: {  	(tag) =	ssettag $0x1  }
0x1: {  	s0 =	rddreg [dreg:$0x0]  }
0x2: {  	s1 =	srdreg.scid;
	s2 =	stileid.u32;
	s5 =	simm.s32 $0x0  }
0x3: {  	s20 =	simm.s32 $0xC800;
	s1 =	sand.u32 $0x1, s1;
	s2 =	sshll.u32 s2, $0x1  }
0x4: {  	[smem:$0x7FF] =	sst s5;
	s4 =	sadd.s32 $0x32400, s0;
	s2 =	sor.u32 s1, s2  }
0x5: {  	_ =	strace $0x80000047;
	s1 =	ssub.s32 $0x2, s1;
	s3 =	sshll.u32 s2, $0x6  }
0x6: {  	[dreg:$0x5] =	wrdreg s4;
	s30 =	sshll.u32 s2, $0x2;
	s0 =	sadd.s32 s3, s0  }
0x7: {  	v1 =	vlaneseq.u32;
	s28 =	sshrl.u32 s1, $0x1;
	[dreg:$0x8] =	wrdreg s30;
	s29 =	sadd.s32 $0x400, s0  }
0x8: {  	v0 =	vmul.u32 $0x88, v1;
	s1 =	ssub.s32 s1, s28;
	s0 =	sadd.s32 $0x19400, s0;
	[dreg:$0x6] =	wrdreg s29  }
0x9: {  	s21 =	simm.s32 $0x11000;
	v1 =	vmul.u32 $0x10, v1;
	s31 =	smax.u32 s1, $0x1;
	[dreg:$0x7] =	wrdreg s0  }
0xa: {  	s10 =	simm.s32 $0x13200;
	v2 =	vadd.s32 $0x880, v0;
	v3 =	vadd.s32 $0x1100, v0;
	v4 =	vadd.s32 $0x1980, v0;
	s2 =	simm.s32 $0x0;
	[dreg:$0x9] =	wrdreg s31  }
.LBB2_1:
0xb: {  	[dreg:$0xa] =	wrdreg s2  }
0xc: {  	s0 =	rddreg [dreg:$0x6]  }
0xd: {  	s1 =	simm.s32 $0x200;
	s19 =	simm.s32 $0x4000;
	s3 =	simm.s32 $0x5  }
0xe: {  	[tilespmem:s5], [sflag:$0x5] =	stream.strided.gather [hbm4b:s0+s1], $0x6400, s19, s1, $0x38;
	[tilespmem:$0x15480] =	vst v63  }
0xf: {  	_ =	swait.ge [sflag:s3], $0x6400  }
0x10: {  	[sflag:s3] =	ssyncset.done $0x0  }
0x11: {  	s6 =	simm.s32 $0x6400;
	s22 =	rddreg [dreg:$0x7];
	[sflag:s3] =	ssyncadd.s32 $0xFFFF9C00  }
0x12: {  	[tilespmem:s6], [sflag:$0x5] =	stream.strided.gather [hbm4b:s22+s1], $0x6400, s19, s1, $0x38;
	[tilespmem:$0x15480] =	vst v63  }
0x13: {  	_ =	swait.ge [sflag:s3], $0x6400  }
0x14: {  	[sflag:s3] =	ssyncset.done $0x0  }
0x15: {  	[sflag:s3] =	ssyncadd.s32 $0xFFFF9C00  }
0x16: {  	s24 =	simm.s32 $0x15400;
	s23 =	rddreg [dreg:$0x1]  }
0x17: {  	[tilespmem:s24], [sflag:$0x5] =	stream.linear.gather [hbm4b:s23+s5], $0x40, $0x38;
	[tilespmem:$0x15480] =	vst v63  }
0x18: {  	_ =	swait.ge [sflag:s3], $0x40  }
0x19: {  	[sflag:s3] =	ssyncset.done $0x0  }
0x1a: {  	[sflag:s3] =	ssyncadd.s32 $0xFFFFFFC0  }
0x1b: {  	s26 =	simm.s32 $0x15440;
	s25 =	rddreg [dreg:$0x2]  }
0x1c: {  	[tilespmem:s26], [sflag:$0x5] =	stream.linear.gather [hbm4b:s25+s5], $0x40, $0x38;
	[tilespmem:$0x15480] =	vst v63  }
0x1d: {  	_ =	swait.ge [sflag:s3], $0x40  }
0x1e: {  	[sflag:s3] =	ssyncset.done $0x0  }
0x1f: {  	[sflag:s3] =	ssyncadd.s32 $0xFFFFFFC0  }
0x20: {  	v5 =	vld [tilespmem:$0x15400]  }
0x21: {  	v6 =	vld [tilespmem:$0x15410]  }
0x22: {  	v7 =	vld [tilespmem:$0x15420]  }
0x23: {  	v8 =	vld [tilespmem:$0x15430]  }
0x24: {  	s31 =	simm.s32 $0x6480;
	v9 =	vld [tilespmem:$0x15440]  }
0x25: {  	s29 =	simm.s32 $0x80;
	[dreg:$0xc] =	wrdreg s31;
	v10 =	vld [tilespmem:$0x15450]  }
0x26: {  	s30 =	simm.s32 $0xD000;
	s24 =	simm.s32 $0x0;
	s28 =	rddreg [dreg:$0x5];
	v11 =	vld [tilespmem:$0x15460]  }
0x27: {  	v12 =	vld [tilespmem:$0x15470];
	[tilespmem:s30], [sflag:$0x1] =	stream.indirect.gather [hbm4b:s28+s29], $0x40, s5, s29, $0xb8  }
.LBB2_2:
0x28: {  	s2 =	sshrl.u32 s24, $0x1  }
0x29: {  	s0 =	sshllo.u32 s24, $0x1;
	s29 =	rddreg [dreg:$0x5];
	s1 =	sshll.u32 s2, $0x2  }
0x2a: {  	s3 =	simm.s32 $0x80;
	[dreg:$0x10] =	wrdreg s2;
	s0 =	ssub.s32 s0, s1  }
0x2b: {  	s2 =	sshll.u32 s2, $0x9;
	[dreg:$0xd] =	wrdreg s0;
	s0 =	sshll.u32 s0, $0x7  }
0x2c: {  	s4 =	simm.s32 $0xF000;
	s30 =	simm.s32 $0x1;
	s0 =	sadd.s32 s0, s2  }
0x2d: {  	[tilespmem:s4], [sflag:$0x2] =	stream.indirect.gather [hbm4b:s29+s3], $0x40, s0, s3, $0xb8;
	[tilespmem:$0x15480] =	vst v63  }
0x2e: {  	_ =	swait.ge [sflag:s30], $0x2000  }
0x2f: {  	p0 =	seq.s32 s24, $0x0;
	[sflag:s30] =	ssyncset.done $0x0  }
0x30: {  	s0 =	simm.s32 @!p0 $0x3;
	[sflag:s30] =	ssyncadd.s32 $0xFFFFE000  }
0x31: {  	_ =	swait.ge @!p0 [sflag:s0], $0x400  }
0x32: {  	[sflag:s0] =	ssyncset.done @!p0 $0x0  }
0x33: {  	[sflag:s0] =	ssyncadd.s32 @!p0 $0xFFFFFC00  }
0x34: {  	_ =	swait.ge @!p0 [sflag:s0], $0x400  }
0x35: {  	[sflag:s0] =	ssyncset.done @!p0 $0x0  }
0x36: {  	[sflag:s0] =	ssyncadd.s32 @!p0 $0xFFFFFC00  }
0x37: {  	_ =	swait.ge @!p0 [sflag:s0], $0x400  }
0x38: {  	[sflag:s0] =	ssyncset.done @!p0 $0x0  }
0x39: {  	[sflag:s0] =	ssyncadd.s32 @!p0 $0xFFFFFC00  }
0x3a: {  	_ =	swait.ge @!p0 [sflag:s0], $0x400  }
0x3b: {  	[sflag:s0] =	ssyncset.done @!p0 $0x0  }
0x3c: {  	[sflag:s0] =	ssyncadd.s32 @!p0 $0xFFFFFC00  }
0x3d: {  	_ =	swait.ge @!p0 [sflag:s0], $0x400  }
0x3e: {  	[sflag:s0] =	ssyncset.done @!p0 $0x0  }
0x3f: {  	[sflag:s0] =	ssyncadd.s32 @!p0 $0xFFFFFC00  }
0x40: {  	_ =	swait.ge @!p0 [sflag:s0], $0x400  }
0x41: {  	[sflag:s0] =	ssyncset.done @!p0 $0x0  }
0x42: {  	[sflag:s0] =	ssyncadd.s32 @!p0 $0xFFFFFC00  }
0x43: {  	_ =	swait.ge @!p0 [sflag:s0], $0x400  }
0x44: {  	[sflag:s0] =	ssyncset.done @!p0 $0x0  }
0x45: {  	[sflag:s0] =	ssyncadd.s32 @!p0 $0xFFFFFC00  }
0x46: {  	s31 =	sshll.u32 s24, $0x1;
	_ =	swait.ge @!p0 [sflag:s0], $0x400  }
0x47: {  	s1 =	ssub.s32 s31, s1;
	[dreg:$0xf] =	wrdreg s31;
	[sflag:s0] =	ssyncset.done @!p0 $0x0  }
0x48: {  	[dreg:$0x11] =	wrdreg s1;
	[sflag:s0] =	ssyncadd.s32 @!p0 $0xFFFFFC00;
	s0 =	simm.s32 $0x0  }
0x49: {  	s2 =	smov.u32 s6;
	s1 =	simm.s32 $0x100;
	v13 =	vld [tilespmem:s6+$0x0];
	v14 =	vor.u32 s0, v1;
	[dreg:$0xb] =	wrdreg s6  }
.LBB2_3:
0x4a: {  	p1 =	sne.s32 s1, $0x700  }
.Ltmp0:
0x4b: {  	_ = 	snop;
	(pc) =	sbr.rel @p1 .LBB2_3-.Ltmp0, $3  }
0x4c: {  	_ =	sdelay $0x1  }
0x4d: {  	s2 =	sadd.s32 $0x10, s2;
	s3 =	smov.u32 s1;
	s1 =	sadd.s32 $0x100, s1;
	[tilespmem:v14+s20+$0x0] =	vst.idx.msk $0xffff, v13  }
0x4e: {  	v14 =	vor.u32 s3, v1;
	v13 =	vld [tilespmem:s2+$0x0]  }
0x4f: {  	_ =	sdelay $0x3  }
0x50: {  	s1 =	simm.s32 $0xD080;
	[tilespmem:v14+s20+$0x0] =	vst.idx.msk $0xffff, v13  }
0x51: {  	v44 =	vld [tilespmem:s1+$0x40]  }
0x52: {  	v43 =	vld [tilespmem:s1+$0x50]  }
0x53: {  	v41 =	vld [tilespmem:s1+$0x60]  }
0x54: {  	v42 =	vld [tilespmem:s1+$0x70];
	_ =	sdelay $0x3  }
0x55: {  	v13 =	vmul.f32 v44, v44;
	v14 =	vmul.f32 v43, v43  }
0x56: {  	v15 =	vmul.f32 v41, v41;
	v16 =	vmul.f32 v42, v42  }
0x57: {  	v17 =	vadd.f32 v43, v44;
	v18 =	vadd.f32 v42, v41  }
0x58: {  	v39 =	vld [tilespmem:s1+$0xFFFFFF80];
	v13 =	vadd.f32 v14, v13;
	v14 =	vadd.f32 v16, v15  }
0x59: {  	v40 =	vld [tilespmem:s1+$0xFFFFFF90];
	v15 =	vadd.f32 v18, v17  }
0x5a: {  	v35 =	vld [tilespmem:s1+$0xFFFFFFA0];
	v13 =	vadd.f32 v14, v13  }
0x5b: {  	v38 =	vld [tilespmem:s1+$0xFFFFFFB0];
	(xrf2) =	vadd.scan.msk.f32 $0xffff, v15  }
0x5c: {  	v36 =	vld [tilespmem:s1+$0xFFFFFFC0];
	(xrf2) =	vadd.scan.msk.f32 $0xffff, v13  }
0x5d: {  	v37 =	vld [tilespmem:s1+$0xFFFFFFD0]  }
0x5e: {  	v33 =	vld [tilespmem:s1+$0xFFFFFFE0]  }
0x5f: {  	v34 =	vld [tilespmem:s1+$0xFFFFFFF0]  }
0x60: {  	v32 =	vld [tilespmem:s1+$0x0]  }
0x61: {  	v31 =	vld [tilespmem:s1+$0x10]  }
0x62: {  	v30 =	vld [tilespmem:s1+$0x20];
	v14 =	vadd.f32 v38, v35  }
0x63: {  	v29 =	vld [tilespmem:s1+$0x30]  }
0x64: {  	s2 =	simm.s32 $0xC820;
	v13 =	vadd.f32 v40, v39  }
0x65: {  	v16 =	vadd.f32 v34, v33;
	v18 =	vld [tilespmem:s2+$0x10];
	v15 =	vadd.f32 v37, v36;
	v17, _, _ =	vpop (xrf2)  }
0x66: {  	v13 =	vadd.f32 v14, v13;
	(v2sf) =	vpush v17, $0xF;
	v14, _, _ =	vpop (xrf2)  }
0x67: {  	v19 =	vadd.f32 v31, v32;
	v21 =	vmul.f32 v38, v38;
	v17 =	vld [tilespmem:s2+$0xFFFFFFF0];
	(v2sf) =	vpush v14, $0xF  }
0x68: {  	v20 =	vld [tilespmem:s2+$0xFFFFFFE0];
	v22 =	vadd.f32 v29, v30;
	(xrf2) =	vadd.scan.msk.f32 $0xffff, v13;
	v13 =	vadd.f32 v16, v15;
	v15 =	vmul.f32 v40, v40  }
0x69: {  	v16 =	vmul.f32 v35, v35;
	v14 =	vmul.f32 v39, v39  }
0x6a: {  	v19 =	vadd.f32 v22, v19;
	v22 =	vmul.f32 v34, v34;
	(xrf2) =	vadd.scan.msk.f32 $0xffff, v13;
	(v2sf) =	vpush v18, $0x0  }
0x6b: {  	v13 =	vmul.f32 v36, v36;
	v16 =	vadd.f32 v21, v16;
	v14 =	vadd.f32 v15, v14  }
0x6c: {  	v21 =	vmul.f32 v33, v33;
	v18 =	vld [tilespmem:s2+$0x0];
	v15 =	vmul.f32 v37, v37;
	(v2sf) =	vpush v17, $0x0  }
0x6d: {  	v17 =	vmul.f32 v32, v32;
	v14 =	vadd.f32 v16, v14;
	(v2sf) =	vpush v20, $0x0  }
0x6e: {  	(xrf2) =	vadd.scan.msk.f32 $0xffff, v19;
	v16 =	vmul.f32 v31, v31;
	v13 =	vadd.f32 v15, v13;
	v15 =	vadd.f32 v22, v21  }
0x6f: {  	v19 =	vmul.f32 v30, v30;
	v20 =	vmul.f32 v29, v29;
	(xrf2) =	vadd.scan.msk.f32 $0xffff, v14  }
0x70: {  	v14 =	vadd.f32 v16, v17;
	v13 =	vadd.f32 v15, v13  }
0x71: {  	(v2sf) =	vpush v18, $0x0;
	v16 =	vadd.f32 v20, v19  }
0x72: {  	v15, _, _ =	vpop (xrf2);
	(xrf2) =	vadd.scan.msk.f32 $0xffff, v13  }
0x73: {  	v14 =	vadd.f32 v16, v14;
	(v2sf) =	vpush v15, $0xF  }
0x74: {  	v13, _, _ =	vpop (xrf2)  }
0x75: {  	(xrf2) =	vadd.scan.msk.f32 $0xffff, v14;
	(v2sf) =	vpush v13, $0xF;
	s22 =	spop (v2sf)  }
0x76: {  	s14 =	smul.f32 $1.562500000e-02, s22;
	s23 =	spop (v2sf)  }
0x77: {  	s1 =	smul.f32 $1.562500000e-02, s23  }
0x78: {  	v13, _, _ =	vpop (xrf2);
	s25 =	smul.f32 s14, s14  }
0x79: {  	(v2sf) =	vpush v13, $0xF;
	s15 =	spop (v2sf);
	v13, _, _ =	vpop (xrf2)  }
0x7a: {  	s26 =	smul.f32 s15, s15;
	(v2sf) =	vpush v13, $0xF;
	s1 =	ssub.f32 s1, s25  }
0x7b: {  	_ = 	snop  }
0x7c: {  	s11 =	spop (v2sf);
	v13, _, _ =	vpop (xrf2);
	s1 =	smul.f32 s1, s26  }
0x7d: {  	s13 =	spop (v2sf);
	(v2sf) =	vpush v13, $0xF  }
0x7e: {  	s9 =	smul.f32 s11, s11;
	s1 =	sadd.f32 $9.999999740e-06, s1  }
0x7f: {  	s7 =	smul.f32 s13, s13;
	v13, _, _ =	vpop (xrf2)  }
0x80: {  	s3 =	spop (v2sf);
	(v2sf) =	vpush v13, $0xF;
	s28 =	sshra.s32 s1, $0x1;
	s16 =	smul.f32 $5.000000000e-01, s1  }
0x81: {  	s17 =	smul.f32 s3, s3;
	s2 =	ssub.s32 $0x5F3759DF, s28  }
0x82: {  	s29 =	spop (v2sf);
	s12 =	smul.f32 s2, s16  }
0x83: {  	s6 =	smul.f32 $1.562500000e-02, s29  }
0x84: {  	s4 =	spop (v2sf);
	s12 =	smul.f32 s2, s12  }
0x85: {  	s1 =	smul.f32 $1.562500000e-02, s4  }
0x86: {  	s18 =	smul.f32 s6, s6;
	s12 =	ssub.f32 $1.500000000e+00, s12  }
0x87: {  	s19 =	smul.f32 s1, s1  }
0x88: {  	s25 =	spop (v2sf);
	s2 =	smul.f32 s2, s12  }
0x89: {  	s12 =	smul.f32 $1.562500000e-02, s25;
	s30 =	spop (v2sf)  }
0x8a: {  	s30 =	smul.f32 $1.562500000e-02, s30  }
0x8b: {  	s8 =	smul.f32 s2, s16  }
0x8c: {  	s31 =	smul.f32 s12, s12;
	s29 =	spop (v2sf)  }
0x8d: {  	s29 =	smul.f32 $1.562500000e-02, s29  }
0x8e: {  	s25 =	smul.f32 s8, s2  }
0x8f: {  	s18 =	ssub.f32 s30, s18;
	s22 =	spop (v2sf)  }
0x90: {  	s30 =	smul.f32 $1.562500000e-02, s22;
	s25 =	ssub.f32 $1.500000000e+00, s25  }
0x91: {  	s19 =	ssub.f32 s29, s19;
	s7 =	smul.f32 s18, s7  }
0x92: {  	s25 =	smul.f32 s25, s2;
	s2 =	simm.s32 $0xD180  }
0x93: {  	s23 =	ssub.f32 s30, s31;
	s9 =	smul.f32 s19, s9;
	v20 =	vld [tilespmem:s2+$0x40]  }
0x94: {  	v18 =	vld [tilespmem:s2+$0x50];
	s16 =	smul.f32 s25, s16  }
0x95: {  	s7 =	sadd.f32 $9.999999740e-06, s7;
	v17 =	vld [tilespmem:s2+$0x60];
	s17 =	smul.f32 s23, s17  }
0x96: {  	v19 =	vld [tilespmem:s2+$0x70];
	s9 =	sadd.f32 $9.999999740e-06, s9;
	s26 =	smul.f32 s16, s25  }
0x97: {  	s17 =	sadd.f32 $9.999999740e-06, s17;
	s16 =	smul.f32 $5.000000000e-01, s7  }
0x98: {  	s29 =	sshra.s32 s7, $0x1;
	s7 =	smul.f32 $5.000000000e-01, s9  }
0x99: {  	s19 =	ssub.s32 $0x5F3759DF, s29;
	s4 =	sshra.s32 s9, $0x1;
	s8 =	smul.f32 $5.000000000e-01, s17  }
0x9a: {  	s29 =	ssub.s32 $0x5F3759DF, s4;
	s17 =	sshra.s32 s17, $0x1;
	v13 =	vmul.f32 v20, v20;
	v14 =	vmul.f32 v18, v18;
	s30 =	smul.f32 s19, s16  }
0x9b: {  	v15 =	vmul.f32 v17, v17;
	v16 =	vmul.f32 v19, v19;
	s17 =	ssub.s32 $0x5F3759DF, s17;
	s31 =	smul.f32 s29, s7  }
0x9c: {  	v22 =	vadd.f32 v18, v20;
	v23 =	vadd.f32 v19, v17;
	s28 =	smul.f32 s17, s8  }
0x9d: {  	v13 =	vadd.f32 v14, v13;
	v14 =	vadd.f32 v16, v15;
	s30 =	smul.f32 s19, s30  }
0x9e: {  	v21 =	vld [tilespmem:s2+$0xFFFFFF80];
	s18 =	ssub.f32 $1.500000000e+00, s26;
	v15 =	vadd.f32 v23, v22;
	s31 =	smul.f32 s29, s31  }
0x9f: {  	v25 =	vld [tilespmem:s2+$0xFFFFFFA0];
	s28 =	smul.f32 s17, s28;
	v13 =	vadd.f32 v14, v13;
	s30 =	ssub.f32 $1.500000000e+00, s30  }
0xa0: {  	v26 =	vld [tilespmem:s2+$0xFFFFFFB0];
	s18 =	smul.f32 s18, s25;
	(xrf2) =	vadd.scan.msk.f32 $0xffff, v15;
	s22 =	ssub.f32 $1.500000000e+00, s31  }
0xa1: {  	v28 =	vld [tilespmem:s2+$0xFFFFFFC0];
	s28 =	ssub.f32 $1.500000000e+00, s28;
	(xrf2) =	vadd.scan.msk.f32 $0xffff, v13;
	s19 =	smul.f32 s19, s30  }
0xa2: {  	v27 =	vld [tilespmem:s2+$0xFFFFFFD0];
	s25 =	smul.f32 s29, s22  }
0xa3: {  	v24 =	vld [tilespmem:s2+$0xFFFFFFE0];
	s17 =	smul.f32 s17, s28  }
0xa4: {  	v22 =	vld [tilespmem:s2+$0xFFFFFF90];
	s23 =	smul.f32 s19, s16  }
0xa5: {  	v23 =	vld [tilespmem:s2+$0xFFFFFFF0];
	s29 =	smul.f32 s25, s7  }
0xa6: {  	v16 =	vld [tilespmem:s2+$0x10];
	s30 =	smul.f32 s17, s8  }
0xa7: {  	v14 =	vld [tilespmem:s2+$0x0];
	s28 =	smul.f32 s23, s19  }
0xa8: {  	v15 =	vld [tilespmem:s2+$0x30];
	s29 =	smul.f32 s29, s25  }
0xa9: {  	v46 =	vadd.f32 v26, v25;
	v13 =	vld [tilespmem:s2+$0x20];
	s2 =	simm.s32 $0xC860;
	v45 =	vadd.f32 v22, v21;
	s30 =	smul.f32 s30, s17;
	s28 =	ssub.f32 $1.500000000e+00, s28  }
0xaa: {  	v47 =	vadd.f32 v27, v28;
	s15 =	smul.f32 s18, s15;
	v48 =	vadd.f32 v23, v24;
	v50 =	vld [tilespmem:s2+$0x10];
	s26 =	ssub.f32 $1.500000000e+00, s29;
	v49, _, _ =	vpop (xrf2)  }
0xab: {  	v45 =	vadd.f32 v46, v45;
	s29 =	ssub.f32 $1.500000000e+00, s30;
	s19 =	smul.f32 s28, s19;
	(v2sf) =	vpush v49, $0xF;
	v58, _, _ =	vpop (xrf2)  }
0xac: {  	s18 =	smul.f32 s26, s25;
	(v2sf) =	vpush v58, $0xF  }
0xad: {  	v59 =	vld [tilespmem:s2+$0xFFFFFFF0];
	v47 =	vadd.f32 v48, v47;
	(xrf2) =	vadd.scan.msk.f32 $0xffff, v45;
	s17 =	smul.f32 s29, s17  }
0xae: {  	v60 =	vmul.f32 v21, v21;
	v62 =	vmul.f32 v25, v25;
	v61 =	vld [tilespmem:s2+$0xFFFFFFE0];
	v53 =	vadd.f32 v16, v14;
	s16 =	smul.f32 s19, s16  }
0xaf: {  	v51 =	vmul.f32 v22, v22;
	v55 =	vadd.f32 v15, v13;
	(xrf2) =	vadd.scan.msk.f32 $0xffff, v47;
	s7 =	smul.f32 s18, s7;
	(v2sf) =	vpush v50, $0x0  }
0xb0: {  	v52 =	vmul.f32 v26, v26;
	v63 =	vmul.f32 v28, v28;
	s9 =	smul.f32 s17, s8  }
0xb1: {  	v56 =	vmul.f32 v27, v27;
	v54 =	vld [tilespmem:s2+$0x0];
	v46 =	vadd.f32 v51, v60;
	v57 =	vadd.f32 v55, v53;
	s16 =	smul.f32 s16, s19  }
0xb2: {  	v48 =	vadd.f32 v52, v62;
	v60 =	vmul.f32 v14, v14;
	s7 =	smul.f32 s7, s18;
	(v2sf) =	vpush v59, $0x0  }
0xb3: {  	(xrf2) =	vadd.scan.msk.f32 $0xffff, v57;
	v58 =	vmul.f32 v24, v24;
	v59 =	vmul.f32 v23, v23;
	s9 =	smul.f32 s9, s17;
	(v2sf) =	vpush v61, $0x0;
	s16 =	ssub.f32 $1.500000000e+00, s16  }
0xb4: {  	s14 =	smul.f32 s15, s14;
	v62 =	vmul.f32 v13, v13;
	v47 =	vadd.f32 v56, v63;
	v63 =	vmul.f32 v15, v15;
	s7 =	ssub.f32 $1.500000000e+00, s7  }
0xb5: {  	v46 =	vadd.f32 v48, v46;
	v61 =	vmul.f32 v16, v16;
	v49 =	vadd.f32 v59, v58;
	s9 =	ssub.f32 $1.500000000e+00, s9;
	s16 =	smul.f32 s16, s19  }
0xb6: {  	(v2sf) =	vpush v54, $0x0;
	v54 =	vadd.f32 v63, v62;
	s7 =	smul.f32 s7, s18  }
0xb7: {  	(xrf2) =	vadd.scan.msk.f32 $0xffff, v46;
	v55, _, _ =	vpop (xrf2);
	v45 =	vadd.f32 v61, v60;
	v53 =	vadd.f32 v49, v47;
	s9 =	smul.f32 s9, s17  }
0xb8: {  	(v2sf) =	vpush v55, $0xF;
	s4 =	smul.f32 s16, s13  }
0xb9: {  	v56, _, _ =	vpop (xrf2);
	v45 =	vadd.f32 v54, v45;
	s18 =	smul.f32 s7, s11;
	s16 =	simm.s32 $0x3;
	(xrf2) =	vadd.scan.msk.f32 $0xffff, v53  }
0xba: {  	v44 =	vmul.f32 s15, v44;
	(v2sf) =	vpush v56, $0xF;
	v57 =	vmov s16;
	s16 =	smul.f32 s9, s3;
	s8 =	spop (v2sf)  }
0xbb: {  	v43 =	vmul.f32 s15, v43;
	v41 =	vmul.f32 s15, v41;
	v59 =	vmov s14;
	(xrf2) =	vadd.scan.msk.f32 $0xffff, v45;
	s19 =	smul.f32 $1.562500000e-02, s8;
	s13 =	spop (v2sf)  }
0xbc: {  	v42 =	vmul.f32 s15, v42;
	v44 =	vsub.f32 v44, v59;
	s7 =	smul.f32 $1.562500000e-02, s13  }
0xbd: {  	v43 =	vsub.f32 v43, v59;
	v41 =	vsub.f32 v41, v59;
	v58, _, _ =	vpop (xrf2);
	s17 =	smul.f32 s19, s19  }
0xbe: {  	v42 =	vsub.f32 v42, v59;
	s28 =	smul.f32 s4, s6;
	(v2sf) =	vpush v58, $0xF;
	s13 =	spop (v2sf)  }
0xbf: {  	v44 =	vmul.f32 v44, v5;
	v43 =	vmul.f32 v43, v6;
	s22 =	smul.f32 s13, s13;
	s7 =	ssub.f32 s7, s17  }
0xc0: {  	v41 =	vmul.f32 v41, v7;
	v42 =	vmul.f32 v42, v8;
	v54 =	vmov s0;
	s30 =	smul.f32 s18, s1  }
0xc1: {  	v49 =	vand.u32 $0x7C, v54;
	v60, _, _ =	vpop (xrf2);
	v45 =	vand.u32 $0x7F, v57;
	v44 =	vadd.f32 v44, v9;
	s3 =	spop (v2sf);
	s9 =	smul.f32 s7, s22  }
0xc2: {  	v43 =	vadd.f32 v43, v10;
	v39 =	vmul.f32 s4, v39;
	s12 =	smul.f32 s16, s12;
	(v2sf) =	vpush v60, $0xF;
	s15 =	spop (v2sf)  }
0xc3: {  	v41 =	vadd.f32 v41, v11;
	v40 =	vmul.f32 s4, v40;
	v35 =	vmul.f32 s4, v35;
	v63, _, _ =	vpop (xrf2);
	s6 =	smul.f32 s3, s3;
	s9 =	sadd.f32 $9.999999740e-06, s9  }
0xc4: {  	v38 =	vmul.f32 s4, v38;
	v36 =	vmul.f32 s18, v36;
	(v2sf) =	vpush v63, $0xF;
	s7 =	smul.f32 s15, s15  }
0xc5: {  	v42 =	vadd.f32 v42, v12;
	v37 =	vmul.f32 s18, v37;
	v33 =	vmul.f32 s18, v33;
	s14 =	spop (v2sf);
	v53, _, _ =	vpop (xrf2);
	s23 =	sshra.s32 s9, $0x1;
	s9 =	smul.f32 $5.000000000e-01, s9  }
0xc6: {  	v34 =	vmul.f32 s18, v34;
	v55 =	vadd.s32 v0, v49;
	s17 =	smul.f32 s14, s14;
	(v2sf) =	vpush v53, $0xF;
	s29 =	ssub.s32 $0x5F3759DF, s23  }
0xc7: {  	s4 =	simm.s32 $0x1;
	v56 =	vadd.s32 v2, v49;
	v59 =	vadd.s32 v3, v49;
	v61 =	vadd.s32 v0, v45;
	s25 =	spop (v2sf);
	s26 =	smul.f32 s29, s9  }
0xc8: {  	v57 =	vmov s4;
	v32 =	vmul.f32 s16, v32;
	v31 =	vmul.f32 s16, v31;
	s11 =	smul.f32 $1.562500000e-02, s25  }
0xc9: {  	v30 =	vmul.f32 s16, v30;
	v46 =	vand.u32 $0x7D, v57;
	v57 =	vmov s12;
	s22 =	spop (v2sf);
	s8 =	smul.f32 s29, s26  }
0xca: {  	v62 =	vadd.s32 v2, v45;
	v29 =	vmul.f32 s16, v29;
	v32 =	vsub.f32 v32, v57;
	s1 =	smul.f32 $1.562500000e-02, s22  }
0xcb: {  	v58 =	vmov s28;
	v31 =	vsub.f32 v31, v57;
	v30 =	vsub.f32 v30, v57;
	s0 =	smul.f32 s11, s11;
	s18 =	ssub.f32 $1.500000000e+00, s8  }
0xcc: {  	v52 =	vadd.s32 v3, v45;
	v29 =	vsub.f32 v29, v57;
	v39 =	vsub.f32 v39, v58;
	s25 =	smul.f32 s1, s1  }
0xcd: {  	v45 =	vadd.s32 v4, v45;
	v40 =	vsub.f32 v40, v58;
	v35 =	vsub.f32 v35, v58;
	s23 =	spop (v2sf);
	s18 =	smul.f32 s29, s18  }
0xce: {  	v38 =	vsub.f32 v38, v58;
	[tilespmem:v61+s21+$0x0] =	vst.idx.msk $0xffff, v44;
	v60 =	vadd.s32 v4, v49;
	s31 =	smul.f32 $1.562500000e-02, s23  }
0xcf: {  	v61 =	vadd.s32 v0, v46;
	v32 =	vmul.f32 v32, v5;
	v31 =	vmul.f32 v31, v6;
	s26 =	smul.f32 s18, s9  }
0xd0: {  	v30 =	vmul.f32 v30, v7;
	v29 =	vmul.f32 v29, v8;
	[tilespmem:v62+s21+$0x0] =	vst.idx.msk $0xffff, v43;
	v53 =	vmov s30;
	s30 =	smul.f32 s31, s31  }
0xd1: {  	v39 =	vmul.f32 v39, v5;
	v62 =	vadd.s32 v2, v46;
	v40 =	vmul.f32 v40, v6;
	s4 =	spop (v2sf);
	s28 =	smul.f32 s26, s18  }
0xd2: {  	v35 =	vmul.f32 v35, v7;
	v38 =	vmul.f32 v38, v8;
	v32 =	vadd.f32 v32, v9;
	s29 =	smul.f32 $1.562500000e-02, s4  }
0xd3: {  	[tilespmem:v52+s21+$0x0] =	vst.idx.msk $0xffff, v41;
	v47 =	vadd.f32 v29, v12;
	v39 =	vadd.f32 v39, v9;
	s4 =	spop (v2sf);
	s28 =	ssub.f32 $1.500000000e+00, s28  }
0xd4: {  	v52 =	vadd.s32 v4, v46;
	v40 =	vadd.f32 v40, v10;
	v35 =	vadd.f32 v35, v11;
	s4 =	smul.f32 $1.562500000e-02, s4  }
0xd5: {  	[tilespmem:v45+s21+$0x0] =	vst.idx.msk $0xffff, v42;
	v38 =	vadd.f32 v38, v12;
	v36 =	vsub.f32 v36, v53;
	s8 =	spop (v2sf);
	s18 =	smul.f32 s28, s18  }
0xd6: {  	v63 =	vadd.s32 v3, v46;
	[tilespmem:v55+s21+$0x0] =	vst.idx.msk $0xffff, v39;
	v37 =	vsub.f32 v37, v53;
	s0 =	ssub.f32 s29, s0;
	s28 =	smul.f32 $1.562500000e-02, s8  }
0xd7: {  	s12 =	simm.s32 $0xD280;
	[tilespmem:v56+s21+$0x0] =	vst.idx.msk $0xffff, v40;
	v33 =	vsub.f32 v33, v53;
	s22 =	simm.s32 $0x2;
	v36 =	vmul.f32 v36, v5;
	s9 =	smul.f32 s18, s9  }
0xd8: {  	v34 =	vsub.f32 v34, v53;
	[tilespmem:v59+s21+$0x0] =	vst.idx.msk $0xffff, v35;
	v35 =	vld [tilespmem:s12+$0x40];
	v37 =	vmul.f32 v37, v6;
	v56 =	vmov s22;
	s0 =	smul.f32 s0, s7;
	s4 =	ssub.f32 s4, s25  }
0xd9: {  	v33 =	vmul.f32 v33, v7;
	[tilespmem:v60+s21+$0x0] =	vst.idx.msk $0xffff, v38;
	v38 =	vld [tilespmem:s12+$0x70];
	v58 =	vand.u32 $0x7E, v56;
	v54 =	vadd.f32 v36, v9;
	s22 =	ssub.f32 s28, s30;
	s9 =	smul.f32 s9, s18  }
0xda: {  	v34 =	vmul.f32 v34, v8;
	v55 =	vadd.f32 v37, v10;
	v59 =	vadd.s32 v0, v58;
	v36 =	vld [tilespmem:s12+$0x50];
	s23 =	sadd.f32 $9.999999740e-06, s0;
	s4 =	smul.f32 s4, s6  }
0xdb: {  	v33 =	vadd.f32 v33, v11;
	v60 =	vadd.s32 v2, v58;
	v37 =	vld [tilespmem:s12+$0x60];
	[tilespmem:v61+s21+$0x0] =	vst.idx.msk $0xffff, v54;
	s25 =	smul.f32 s22, s17;
	s26 =	ssub.f32 $1.500000000e+00, s9  }
0xdc: {  	v29 =	vld [tilespmem:s12+$0xFFFFFFC0];
	v34 =	vadd.f32 v34, v12;
	v61 =	vadd.s32 v3, v58;
	[tilespmem:v62+s21+$0x0] =	vst.idx.msk $0xffff, v55;
	s0 =	simm.s32 $0x4;
	s4 =	sadd.f32 $9.999999740e-06, s4;
	s17 =	smul.f32 $5.000000000e-01, s23  }
0xdd: {  	v48 =	vadd.s32 v4, v58;
	v62 =	vadd.f32 v31, v10;
	v31 =	vld [tilespmem:s12+$0xFFFFFF80];
	[tilespmem:v63+s21+$0x0] =	vst.idx.msk $0xffff, v33;
	s16 =	sshra.s32 s23, $0x1;
	s6 =	sadd.f32 $9.999999740e-06, s25;
	s9 =	smul.f32 s26, s18  }
0xde: {  	v30 =	vadd.f32 v30, v11;
	v33 =	vld [tilespmem:s12+$0xFFFFFF90];
	[tilespmem:v52+s21+$0x0] =	vst.idx.msk $0xffff, v34;
	s7 =	ssub.s32 $0x5F3759DF, s16;
	s28 =	simm.s32 $0x7;
	s18 =	smul.f32 $5.000000000e-01, s4  }
0xdf: {  	v41 =	vmul.f32 v35, v35;
	[tilespmem:v59+s21+$0x0] =	vst.idx.msk $0xffff, v32;
	v32 =	vld [tilespmem:s12+$0xFFFFFFA0];
	v40 =	vadd.f32 v36, v35;
	s30 =	simm.s32 $0x8;
	v63 =	vmov s28;
	s29 =	sshra.s32 s6, $0x1;
	s16 =	smul.f32 s9, s13  }
0xe0: {  	v34 =	vld [tilespmem:s12+$0xFFFFFFB0];
	v43 =	vadd.f32 v38, v37;
	v44 =	vmul.f32 v36, v36;
	[tilespmem:v60+s21+$0x0] =	vst.idx.msk $0xffff, v62;
	v45 =	vand.u32 $0x7F, v63;
	s4 =	sshra.s32 s4, $0x1;
	s6 =	smul.f32 $5.000000000e-01, s6;
	s25 =	ssub.s32 $0x5F3759DF, s29  }
0xe1: {  	v42 =	vmul.f32 v37, v37;
	[tilespmem:v61+s21+$0x0] =	vst.idx.msk $0xffff, v30;
	v30 =	vld [tilespmem:s12+$0xFFFFFFD0];
	v46 =	vadd.s32 v0, v45;
	s9 =	ssub.s32 $0x5F3759DF, s4;
	s13 =	simm.s32 $0xC;
	s19 =	smul.f32 s16, s19  }
.LBB2_5:
0xe2: {  	p1 =	slt.u32 s13, $0x7C;
	v39 =	vld [tilespmem:s12+$0xFFFFFFE0];
	v43 =	vadd.f32 v43, v40;
	v49 =	vmul.f32 v38, v38;
	s4 =	smul.f32 s7, s17;
	v50 =	vmul.f32 s16, v20;
	[tilespmem:v48+s21+$0x0] =	vst.idx.msk $0xffff, v47  }
0xe3: {  	s22 =	smul.f32 s9, s18;
	v47 =	vmul.f32 s16, v18;
	v20 =	vmovc v35;
	v18 =	vmovc v36;
	v40 =	vld [tilespmem:s12+$0xFFFFFFF0];
	v41 =	vadd.f32 v44, v41;
	v44 =	vmov s19  }
0xe4: {  	s19 =	smul.f32 s25, s6;
	v35 =	vld [tilespmem:s12+$0x0];
	v42 =	vadd.f32 v49, v42;
	v48 =	vsub.f32 v50, v44;
	v49 =	vmul.f32 s16, v17;
	v17 =	vmovc v37  }
0xe5: {  	s4 =	smul.f32 s7, s4;
	v50 =	vmul.f32 s16, v19;
	v19 =	vmovc v38;
	v36 =	vld [tilespmem:s12+$0x10];
	(xrf2) =	vadd.scan.msk.f32 $0xffff, v43;
	v43 =	vsub.f32 v47, v44;
	v47 =	vadd.s32 v2, v45  }
0xe6: {  	s16 =	smul.f32 s9, s22;
	v37 =	vld [tilespmem:s12+$0x20];
	v41 =	vadd.f32 v42, v41;
	v42 =	vmul.f32 v48, v5;
	v48 =	vsub.f32 v49, v44  }
0xe7: {  	s19 =	smul.f32 s25, s19;
	s4 =	ssub.f32 $1.500000000e+00, s4;
	v49 =	vadd.s32 v3, v45;
	v44 =	vsub.f32 v50, v44;
	v38 =	vld [tilespmem:s12+$0x30];
	v43 =	vmul.f32 v43, v6  }
0xe8: {  	s16 =	ssub.f32 $1.500000000e+00, s16;
	v45 =	vadd.s32 v4, v45;
	(xrf2) =	vadd.scan.msk.f32 $0xffff, v41;
	v41 =	vadd.f32 v42, v9;
	v42 =	vmul.f32 v48, v7  }
0xe9: {  	v48 =	vadd.f32 v33, v31;
	s4 =	smul.f32 s7, s4;
	s7 =	ssub.f32 $1.500000000e+00, s19;
	v44 =	vmul.f32 v44, v8;
	v43 =	vadd.f32 v43, v10  }
0xea: {  	v50 =	vadd.f32 v34, v32;
	s9 =	smul.f32 s9, s16;
	[tilespmem:v46+s21+$0x0] =	vst.idx.msk $0xffff, v41;
	v41 =	vadd.f32 v42, v11  }
0xeb: {  	v42 =	vmul.f32 v31, v31;
	s7 =	smul.f32 s25, s7;
	[tilespmem:v47+s21+$0x0] =	vst.idx.msk $0xffff, v43;
	v43 =	vadd.f32 v44, v12  }
0xec: {  	v46 =	vmul.f32 v32, v32;
	s16 =	smul.f32 s4, s17;
	v44 =	vmul.f32 v33, v33;
	[tilespmem:v49+s21+$0x0] =	vst.idx.msk $0xffff, v41  }
0xed: {  	s19 =	smul.f32 s9, s18;
	v47 =	vadd.f32 v30, v29;
	v41 =	vmul.f32 v34, v34;
	[tilespmem:v45+s21+$0x0] =	vst.idx.msk $0xffff, v43  }
0xee: {  	v49 =	vmul.f32 v30, v30;
	s22 =	smul.f32 s7, s6;
	v43 =	vadd.f32 v40, v39;
	v45 =	vmul.f32 v29, v29  }
0xef: {  	v51 =	vmul.f32 v39, v39;
	v52 =	vmul.f32 v40, v40;
	v53 =	vadd.f32 v36, v35;
	s16 =	smul.f32 s16, s4;
	v54, _, _ =	vpop (xrf2)  }
0xf0: {  	s2 =	sadd.s32 $0x40, s2;
	v56 =	vmul.f32 v35, v35;
	v57 =	vmul.f32 v36, v36;
	v55 =	vadd.f32 v38, v37;
	s19 =	smul.f32 s19, s9  }
0xf1: {  	v48 =	vadd.f32 v50, v48;
	v50 =	vmul.f32 v37, v37;
	v58 =	vmul.f32 v38, v38;
	s16 =	ssub.f32 $1.500000000e+00, s16;
	s22 =	smul.f32 s22, s7;
	v59 =	vld [tilespmem:s2+$0x10]  }
0xf2: {  	v42 =	vadd.f32 v44, v42;
	s19 =	ssub.f32 $1.500000000e+00, s19;
	v44 =	vld [tilespmem:s2+$0xFFFFFFF0];
	(v2sf) =	vpush v54, $0xF;
	v54, _, _ =	vpop (xrf2)  }
0xf3: {  	v41 =	vadd.f32 v41, v46;
	s4 =	smul.f32 s16, s4;
	s16 =	ssub.f32 $1.500000000e+00, s22;
	v46 =	vld [tilespmem:s2+$0x0];
	(xrf2) =	vadd.scan.msk.f32 $0xffff, v48;
	(v2sf) =	vpush v54, $0xF  }
0xf4: {  	v43 =	vadd.f32 v43, v47;
	v45 =	vadd.f32 v49, v45;
	s9 =	smul.f32 s19, s9;
	v48 =	vld [tilespmem:s2+$0xFFFFFFE0]  }
0xf5: {  	v47 =	vadd.f32 v52, v51;
	v49 =	vadd.f32 v55, v53;
	s7 =	smul.f32 s16, s7  }
0xf6: {  	v51 =	vadd.f32 v57, v56;
	s16 =	smul.f32 s4, s17;
	(xrf2) =	vadd.scan.msk.f32 $0xffff, v43;
	(v2sf) =	vpush v59, $0x0  }
0xf7: {  	v41 =	vadd.f32 v41, v42;
	v42 =	vadd.f32 v58, v50;
	s17 =	smul.f32 s9, s18  }
0xf8: {  	s6 =	smul.f32 s7, s6;
	v43 =	vadd.f32 v47, v45;
	(v2sf) =	vpush v44, $0x0  }
0xf9: {  	v42 =	vadd.f32 v42, v51;
	s16 =	smul.f32 s16, s4;
	(v2sf) =	vpush v48, $0x0;
	(xrf2) =	vadd.scan.msk.f32 $0xffff, v49  }
0xfa: {  	s17 =	smul.f32 s17, s9;
	(v2sf) =	vpush v46, $0x0  }
0xfb: {  	s16 =	ssub.f32 $1.500000000e+00, s16;
	s6 =	smul.f32 s6, s7  }
0xfc: {  	s17 =	ssub.f32 $1.500000000e+00, s17;
	(xrf2) =	vadd.scan.msk.f32 $0xffff, v41  }
0xfd: {  	s4 =	smul.f32 s16, s4;
	s6 =	ssub.f32 $1.500000000e+00, s6;
	v41, _, _ =	vpop (xrf2)  }
0xfe: {  	s9 =	smul.f32 s17, s9;
	(v2sf) =	vpush v41, $0xF  }
0xff: {  	s7 =	smul.f32 s6, s7;
	(xrf2) =	vadd.scan.msk.f32 $0xffff, v43  }
0x100: {  	s4 =	smul.f32 s4, s15;
	v41, _, _ =	vpop (xrf2)  }
0x101: {  	s9 =	smul.f32 s9, s3;
	(v2sf) =	vpush v41, $0xF;
	s6 =	spop (v2sf)  }
0x102: {  	v41 =	vmul.f32 s4, v21;
	v21 =	vmovc v31;
	s19 =	smul.f32 $1.562500000e-02, s6;
	(xrf2) =	vadd.scan.msk.f32 $0xffff, v42;
	s3 =	spop (v2sf);
	v42 =	vmul.f32 s4, v22;
	v22 =	vmov v33  }
0x103: {  	v44 =	vmul.f32 s4, v26;
	v43 =	vmul.f32 s4, v25;
	v33 =	vmov s0;
	s3 =	smul.f32 $1.562500000e-02, s3;
	v31, _, _ =	vpop (xrf2)  }
0x104: {  	v45 =	vmul.f32 s9, v27;
	v26 =	vmovc v34;
	v25 =	vmovc v32;
	s15 =	smul.f32 s19, s19;
	(v2sf) =	vpush v31, $0xF;
	v31 =	vmul.f32 s9, v28  }
0x105: {  	s16 =	sadd.s32 $0x1, s0;
	s17 =	smul.f32 s7, s14;
	v32 =	vmul.f32 s9, v24;
	v24 =	vmovc v39;
	v27 =	vand.u32 $0x7C, v33;
	v33 =	vmul.f32 s9, v23;
	v23 =	vmovc v40;
	s6 =	spop (v2sf)  }
0x106: {  	v40 =	vmov s16;
	v34 =	vadd.s32 v0, v27;
	v39 =	vadd.s32 v2, v27;
	s7 =	ssub.f32 s3, s15;
	s14 =	smul.f32 s6, s6;
	v28, _, _ =	vpop (xrf2)  }
0x107: {  	v46 =	vmul.f32 s17, v14;
	v47 =	vmul.f32 s17, v16;
	v14 =	vmovc v35;
	v16 =	vmovc v36;
	s4 =	smul.f32 s4, s11;
	(v2sf) =	vpush v28, $0xF;
	s3 =	spop (v2sf)  }
0x108: {  	v36 =	vmul.f32 s17, v13;
	v48 =	vmul.f32 s17, v15;
	v13 =	vmovc v37;
	v15 =	vmovc v38;
	v35 =	vadd.s32 v3, v27;
	s11 =	smul.f32 s7, s14;
	s15 =	spop (v2sf)  }
0x109: {  	v37 =	vmov s4;
	v38 =	vadd.s32 v4, v27;
	v40 =	vand.u32 $0x7D, v40;
	s7 =	smul.f32 s15, s15;
	v28, _, _ =	vpop (xrf2);
	s14 =	spop (v2sf)  }
0x10a: {  	v41 =	vsub.f32 v41, v37;
	v49 =	vadd.s32 v0, v40;
	v27 =	vmovc v30;
	s16 =	smul.f32 s3, s3;
	s4 =	sadd.f32 $9.999999740e-06, s11;
	(v2sf) =	vpush v28, $0xF;
	v28 =	vmovc v29  }
0x10b: {  	v30 =	vsub.f32 v43, v37;
	s18 =	smul.f32 s14, s14;
	v29 =	vsub.f32 v42, v37;
	v42 =	vadd.s32 v2, v40  }
0x10c: {  	v41 =	vmul.f32 v41, v5;
	v37 =	vsub.f32 v44, v37;
	v44 =	vadd.s32 v3, v40;
	s11 =	sshra.s32 s4, $0x1;
	s25 =	smul.f32 $5.000000000e-01, s4;
	v43, _, _ =	vpop (xrf2)  }
0x10d: {  	s1 =	smul.f32 s9, s1;
	v30 =	vmul.f32 v30, v7;
	v29 =	vmul.f32 v29, v6;
	s4 =	ssub.s32 $0x5F3759DF, s11;
	s11 =	spop (v2sf);
	(v2sf) =	vpush v43, $0xF  }
0x10e: {  	v41 =	vadd.f32 v41, v9;
	v40 =	vadd.s32 v4, v40;
	v37 =	vmul.f32 v37, v8;
	s9 =	smul.f32 s4, s25  }
0x10f: {  	v30 =	vadd.f32 v30, v11;
	v43 =	vmov s1;
	s11 =	smul.f32 $1.562500000e-02, s11;
	v29 =	vadd.f32 v29, v10  }
0x110: {  	v31 =	vsub.f32 v31, v43;
	s9 =	smul.f32 s4, s9;
	s1 =	spop (v2sf);
	[tilespmem:v34+s21+$0x0] =	vst.idx.msk $0xffff, v41;
	v34 =	vsub.f32 v45, v43  }
0x111: {  	s1 =	smul.f32 $1.562500000e-02, s1;
	[tilespmem:v39+s21+$0x0] =	vst.idx.msk $0xffff, v29;
	v29 =	vsub.f32 v32, v43;
	v32 =	vsub.f32 v33, v43  }
0x112: {  	s22 =	smul.f32 s11, s11;
	v31 =	vmul.f32 v31, v5;
	v33 =	vadd.f32 v37, v12;
	s9 =	ssub.f32 $1.500000000e+00, s9;
	v34 =	vmul.f32 v34, v6  }
0x113: {  	s28 =	smul.f32 s1, s1;
	s29 =	spop (v2sf);
	[tilespmem:v35+s21+$0x0] =	vst.idx.msk $0xffff, v30;
	v29 =	vmul.f32 v29, v7;
	v30 =	vmul.f32 v32, v8  }
0x114: {  	v31 =	vadd.f32 v31, v9;
	s4 =	smul.f32 s4, s9;
	[tilespmem:v38+s21+$0x0] =	vst.idx.msk $0xffff, v33;
	v32 =	vadd.f32 v34, v10  }
0x115: {  	s9 =	smul.f32 $1.562500000e-02, s29;
	v29 =	vadd.f32 v29, v11;
	v30 =	vadd.f32 v30, v12  }
0x116: {  	s29 =	smul.f32 s4, s25;
	s23 =	spop (v2sf);
	[tilespmem:v49+s21+$0x0] =	vst.idx.msk $0xffff, v31  }
0x117: {  	s23 =	smul.f32 $1.562500000e-02, s23;
	[tilespmem:v42+s21+$0x0] =	vst.idx.msk $0xffff, v32  }
0x118: {  	s29 =	smul.f32 s29, s4;
	[tilespmem:v44+s21+$0x0] =	vst.idx.msk $0xffff, v29  }
0x119: {  	s26 =	smul.f32 s9, s9;
	s8 =	spop (v2sf);
	[tilespmem:v40+s21+$0x0] =	vst.idx.msk $0xffff, v30  }
0x11a: {  	s8 =	smul.f32 $1.562500000e-02, s8;
	s29 =	ssub.f32 $1.500000000e+00, s29  }
0x11b: {  	s17 =	smul.f32 s17, s31;
	s31 =	smov.u32 s9;
	s22 =	ssub.f32 s23, s22  }
0x11c: {  	s4 =	smul.f32 s29, s4;
	s9 =	spop (v2sf)  }
0x11d: {  	s0 =	sadd.s32 $0x2, s0;
	s9 =	smul.f32 $1.562500000e-02, s9  }
0x11e: {  	v29 =	vmov s0;
	s0 =	smov.u32 s30;
	v30 =	vmov s17;
	s8 =	ssub.f32 s8, s28;
	s17 =	smul.f32 s4, s25  }
0x11f: {  	s12 =	sadd.s32 $0x100, s12;
	s30 =	smov.u32 s13;
	v29 =	vand.u32 $0x7E, v29;
	v31 =	vsub.f32 v46, v30;
	v32 =	vsub.f32 v47, v30;
	s7 =	smul.f32 s22, s7  }
0x120: {  	v34 =	vadd.s32 v0, v29;
	v33 =	vsub.f32 v36, v30;
	v30 =	vsub.f32 v48, v30;
	v35 =	vld [tilespmem:s12+$0x40];
	s9 =	ssub.f32 s9, s26;
	s17 =	smul.f32 s17, s4  }
0x121: {  	v39 =	vadd.s32 v2, v29;
	v31 =	vmul.f32 v31, v5;
	v32 =	vmul.f32 v32, v6;
	s7 =	sadd.f32 $9.999999740e-06, s7;
	s8 =	smul.f32 s8, s16;
	v36 =	vld [tilespmem:s12+$0x50]  }
0x122: {  	v40 =	vadd.s32 v3, v29;
	v33 =	vmul.f32 v33, v7;
	v30 =	vmul.f32 v30, v8;
	v37 =	vld [tilespmem:s12+$0x60];
	s9 =	smul.f32 s9, s18;
	s16 =	ssub.f32 $1.500000000e+00, s17  }
0x123: {  	v41 =	vadd.f32 v31, v9;
	v42 =	vadd.f32 v32, v10;
	v38 =	vld [tilespmem:s12+$0x70];
	s17 =	smul.f32 $5.000000000e-01, s7  }
0x124: {  	v43 =	vadd.f32 v33, v11;
	v47 =	vadd.f32 v30, v12;
	s8 =	sadd.f32 $9.999999740e-06, s8;
	s18 =	sshra.s32 s7, $0x1;
	v31 =	vld [tilespmem:s12+$0xFFFFFF80];
	s4 =	smul.f32 s16, s4  }
.Ltmp1:
0x125: {  	v48 =	vadd.s32 v4, v29;
	s22 =	sadd.f32 $9.999999740e-06, s9;
	s9 =	sadd.s32 $0x3, s0;
	v33 =	vld [tilespmem:s12+$0xFFFFFF90];
	[tilespmem:v34+s21+$0x0] =	vst.idx.msk $0xffff, v41;
	(pc) =	sbr.rel @p1 .LBB2_5-.Ltmp1, $4  }
0x126: {  	s7 =	ssub.s32 $0x5F3759DF, s18;
	s18 =	smul.f32 $5.000000000e-01, s8;
	s16 =	sshra.s32 s8, $0x1;
	v29 =	vmov s9;
	v32 =	vld [tilespmem:s12+$0xFFFFFFA0];
	[tilespmem:v39+s21+$0x0] =	vst.idx.msk $0xffff, v42  }
0x127: {  	s9 =	ssub.s32 $0x5F3759DF, s16;
	s8 =	sshra.s32 s22, $0x1;
	v45 =	vand.u32 $0x7F, v29;
	v34 =	vld [tilespmem:s12+$0xFFFFFFB0];
	s16 =	smul.f32 s4, s6;
	[tilespmem:v40+s21+$0x0] =	vst.idx.msk $0xffff, v43  }
0x128: {  	v41 =	vmul.f32 v35, v35;
	v40 =	vadd.f32 v36, v35;
	s25 =	ssub.s32 $0x5F3759DF, s8;
	s6 =	smul.f32 $5.000000000e-01, s22;
	v29 =	vld [tilespmem:s12+$0xFFFFFFC0];
	v43 =	vadd.f32 v38, v37  }
0x129: {  	s13 =	sadd.s32 $0x4, s13;
	v44 =	vmul.f32 v36, v36;
	v42 =	vmul.f32 v37, v37;
	v46 =	vadd.s32 v0, v45;
	v30 =	vld [tilespmem:s12+$0xFFFFFFD0];
	s19 =	smul.f32 s16, s19  }
0x12a: {  	v39 =	vmul.f32 v38, v38  }
0x12b: {  	v40 =	vadd.f32 v43, v40  }
0x12c: {  	v41 =	vadd.f32 v44, v41;
	v39 =	vadd.f32 v39, v42  }
0x12d: {  	(xrf2) =	vadd.scan.msk.f32 $0xffff, v40  }
0x12e: {  	v39 =	vadd.f32 v39, v41;
	_ =	sdelay $0x1  }
0x12f: {  	(xrf2) =	vadd.scan.msk.f32 $0xffff, v39  }
0x130: {  	s4 =	smul.f32 s7, s17  }
0x131: {  	s8 =	smul.f32 s9, s18  }
0x132: {  	s13 =	smul.f32 s25, s6  }
0x133: {  	s4 =	smul.f32 s7, s4  }
0x134: {  	s8 =	smul.f32 s9, s8  }
0x135: {  	s13 =	smul.f32 s25, s13;
	s4 =	ssub.f32 $1.500000000e+00, s4  }
0x136: {  	s2 =	sadd.s32 $0x40, s2;
	v43 =	vld [tilespmem:s12+$0xFFFFFFE0];
	s8 =	ssub.f32 $1.500000000e+00, s8;
	v60, _, _ =	vpop (xrf2)  }
0x137: {  	v61 =	vld [tilespmem:s2+$0x10];
	s26 =	ssub.f32 $1.500000000e+00, s13;
	s4 =	smul.f32 s7, s4;
	(v2sf) =	vpush v60, $0xF  }
0x138: {  	v44 =	vld [tilespmem:s12+$0xFFFFFFF0];
	s8 =	smul.f32 s9, s8  }
0x139: {  	v42 =	vld [tilespmem:s12+$0x0];
	s7 =	smul.f32 s25, s26;
	v62, _, _ =	vpop (xrf2)  }
0x13a: {  	v40 =	vld [tilespmem:s12+$0x20];
	s28 =	smul.f32 s4, s17;
	(v2sf) =	vpush v62, $0xF  }
0x13b: {  	v39 =	vld [tilespmem:s12+$0x30];
	s29 =	smul.f32 s8, s18  }
0x13c: {  	v41 =	vld [tilespmem:s12+$0x10];
	s22 =	smul.f32 s7, s6;
	(v2sf) =	vpush v61, $0x0  }
0x13d: {  	v49 =	vadd.f32 v33, v31;
	v50 =	vadd.f32 v34, v32;
	s9 =	smul.f32 s28, s4  }
0x13e: {  	v51 =	vmul.f32 v31, v31;
	v52 =	vadd.f32 v30, v29;
	s23 =	smul.f32 s29, s8  }
0x13f: {  	v53 =	vmul.f32 v33, v33;
	v49 =	vadd.f32 v50, v49;
	v54 =	vadd.f32 v44, v43;
	s25 =	smul.f32 s22, s7;
	s9 =	ssub.f32 $1.500000000e+00, s9  }
0x140: {  	v63 =	vmul.f32 v32, v32;
	v55 =	vmul.f32 v34, v34;
	v58 =	vadd.f32 v39, v40;
	s12 =	ssub.f32 $1.500000000e+00, s23  }
0x141: {  	(xrf2) =	vadd.scan.msk.f32 $0xffff, v49;
	s26 =	ssub.f32 $1.500000000e+00, s25;
	v60 =	vadd.f32 v54, v52;
	s4 =	smul.f32 s9, s4;
	v62 =	vadd.f32 v41, v42  }
0x142: {  	v51 =	vadd.f32 v53, v51;
	v50 =	vadd.f32 v55, v63;
	s8 =	smul.f32 s12, s8  }
0x143: {  	v56 =	vmul.f32 v29, v29;
	v57 =	vmul.f32 v30, v30;
	s9 =	smul.f32 s26, s7;
	(xrf2) =	vadd.scan.msk.f32 $0xffff, v60;
	v54 =	vadd.f32 v58, v62  }
0x144: {  	v59 =	vmul.f32 v44, v44;
	v50 =	vadd.f32 v50, v51;
	v49 =	vld [tilespmem:s2+$0xFFFFFFF0];
	s28 =	smul.f32 s4, s17;
	v61 =	vmul.f32 v43, v43  }
0x145: {  	v55 =	vld [tilespmem:s2+$0xFFFFFFE0];
	s12 =	smul.f32 s8, s18;
	(xrf2) =	vadd.scan.msk.f32 $0xffff, v54  }
0x146: {  	v63 =	vadd.f32 v57, v56;
	v51 =	vld [tilespmem:s2+$0x0];
	s29 =	smul.f32 s9, s6;
	v52 =	vadd.f32 v59, v61;
	(xrf2) =	vadd.scan.msk.f32 $0xffff, v50;
	s18 =	spop (v2sf)  }
0x147: {  	s17 =	smul.f32 $1.562500000e-02, s18  }
0x148: {  	s12 =	smul.f32 s12, s8;
	v52 =	vadd.f32 v52, v63  }
0x149: {  	(v2sf) =	vpush v49, $0x0;
	s23 =	smul.f32 s17, s17;
	s22 =	spop (v2sf)  }
0x14a: {  	(xrf2) =	vadd.scan.msk.f32 $0xffff, v52;
	(v2sf) =	vpush v55, $0x0;
	s6 =	smul.f32 $1.562500000e-02, s22  }
0x14b: {  	s2 =	smul.f32 s29, s9;
	v53, _, _ =	vpop (xrf2);
	s7 =	spop (v2sf);
	(v2sf) =	vpush v51, $0x0  }
0x14c: {  	v60 =	vmul.f32 v42, v42;
	v62 =	vmul.f32 v40, v40;
	s26 =	smul.f32 s7, s7;
	(v2sf) =	vpush v53, $0xF;
	s6 =	ssub.f32 s6, s23  }
0x14d: {  	s25 =	smul.f32 s28, s4;
	v61 =	vmul.f32 v41, v41;
	s12 =	ssub.f32 $1.500000000e+00, s12;
	v63 =	vmul.f32 v39, v39;
	v55, _, _ =	vpop (xrf2)  }
0x14e: {  	s2 =	ssub.f32 $1.500000000e+00, s2;
	(v2sf) =	vpush v55, $0xF;
	s6 =	smul.f32 s6, s26  }
0x14f: {  	v54 =	vadd.f32 v61, v60;
	s8 =	smul.f32 s12, s8;
	v52 =	vadd.f32 v63, v62;
	s18 =	ssub.f32 $1.500000000e+00, s25;
	v56, _, _ =	vpop (xrf2)  }
0x150: {  	s2 =	smul.f32 s2, s9;
	v57, _, _ =	vpop (xrf2);
	(v2sf) =	vpush v56, $0xF;
	s6 =	sadd.f32 $9.999999740e-06, s6  }
0x151: {  	v49 =	vadd.f32 v52, v54;
	s4 =	smul.f32 s18, s4;
	(v2sf) =	vpush v57, $0xF  }
0x152: {  	s28 =	sshra.s32 s6, $0x1;
	s18 =	smul.f32 $5.000000000e-01, s6  }
0x153: {  	s8 =	smul.f32 s8, s3;
	(xrf2) =	vadd.scan.msk.f32 $0xffff, v49;
	s29 =	ssub.s32 $0x5F3759DF, s28  }
0x154: {  	v58, _, _ =	vpop (xrf2);
	s13 =	smul.f32 s29, s18  }
0x155: {  	s14 =	smul.f32 s2, s14;
	(v2sf) =	vpush v58, $0xF  }
0x156: {  	s9 =	smul.f32 s29, s13  }
0x157: {  	s4 =	smul.f32 s4, s15  }
0x158: {  	s12 =	spop (v2sf);
	s22 =	ssub.f32 $1.500000000e+00, s9  }
0x159: {  	s9 =	smul.f32 s4, s11;
	s13 =	spop (v2sf)  }
0x15a: {  	s15 =	smul.f32 s13, s13;
	s3 =	spop (v2sf)  }
0x15b: {  	s2 =	smul.f32 s29, s22;
	s23 =	spop (v2sf)  }
0x15c: {  	s11 =	smul.f32 $1.562500000e-02, s23  }
0x15d: {  	v59, _, _ =	vpop (xrf2);
	s26 =	spop (v2sf);
	s25 =	smul.f32 s2, s18  }
0x15e: {  	(v2sf) =	vpush v59, $0xF;
	s6 =	smul.f32 $1.562500000e-02, s26  }
0x15f: {  	s26 =	spop (v2sf);
	s22 =	smul.f32 s25, s2  }
0x160: {  	s23 =	smul.f32 s11, s11;
	s28 =	spop (v2sf)  }
0x161: {  	s25 =	smul.f32 s6, s6;
	s22 =	ssub.f32 $1.500000000e+00, s22  }
0x162: {  	s28 =	smul.f32 $1.562500000e-02, s28  }
0x163: {  	s22 =	smul.f32 s22, s2  }
0x164: {  	s29 =	spop (v2sf);
	s2 =	smul.f32 $1.562500000e-02, s26  }
0x165: {  	s23 =	ssub.f32 s28, s23;
	s26 =	smul.f32 $1.562500000e-02, s29  }
0x166: {  	s29 =	smul.f32 s12, s12  }
0x167: {  	s15 =	smul.f32 s23, s15  }
0x168: {  	v20 =	vmul.f32 s16, v20;
	v18 =	vmul.f32 s16, v18;
	s23 =	smul.f32 s2, s2  }
0x169: {  	v17 =	vmul.f32 s16, v17;
	v19 =	vmul.f32 s16, v19;
	v60 =	vmov s19;
	s25 =	ssub.f32 s26, s25;
	s28 =	smul.f32 s22, s18  }
0x16a: {  	v20 =	vsub.f32 v20, v60;
	v18 =	vsub.f32 v18, v60;
	s18 =	smul.f32 s8, s1  }
0x16b: {  	v17 =	vsub.f32 v17, v60;
	v19 =	vsub.f32 v19, v60;
	s15 =	sadd.f32 $9.999999740e-06, s15;
	s25 =	smul.f32 s25, s29  }
0x16c: {  	v20 =	vmul.f32 v20, v5;
	v18 =	vmul.f32 v18, v6;
	s16 =	smul.f32 s28, s22  }
0x16d: {  	v62 =	vadd.s32 v2, v45;
	v17 =	vmul.f32 v17, v7;
	v19 =	vmul.f32 v19, v8;
	s29 =	spop (v2sf);
	s28 =	sshra.s32 s15, $0x1;
	s15 =	smul.f32 $5.000000000e-01, s15  }
0x16e: {  	v63 =	vadd.s32 v3, v45;
	v28 =	vmul.f32 s8, v28;
	v27 =	vmul.f32 s8, v27;
	s26 =	smul.f32 $1.562500000e-02, s29;
	s25 =	sadd.f32 $9.999999740e-06, s25  }
0x16f: {  	v45 =	vadd.s32 v4, v45;
	v24 =	vmul.f32 s8, v24;
	v23 =	vmul.f32 s8, v23;
	s29 =	smul.f32 s3, s3;
	s19 =	ssub.s32 $0x5F3759DF, s28;
	s28 =	ssub.f32 $1.500000000e+00, s16  }
0x170: {  	v14 =	vmul.f32 s14, v14;
	v16 =	vmul.f32 s14, v16;
	v20 =	vadd.f32 v20, v9;
	s23 =	ssub.f32 s26, s23;
	s26 =	sadd.s32 $0x1, s0;
	s1 =	smul.f32 $5.000000000e-01, s25  }
0x171: {  	v18 =	vadd.f32 v18, v10;
	v17 =	vadd.f32 v17, v11;
	v61 =	vmov s26;
	s26 =	smul.f32 s19, s15  }
0x172: {  	[tilespmem:v48+s21+$0x0] =	vst.idx.msk $0xffff, v47;
	v19 =	vadd.f32 v19, v12;
	v21 =	vmul.f32 s4, v21;
	v51 =	vmov s9;
	s9 =	smul.f32 s28, s22  }
0x173: {  	[tilespmem:v46+s21+$0x0] =	vst.idx.msk $0xffff, v20;
	v22 =	vmul.f32 s4, v22;
	v25 =	vmul.f32 s4, v25;
	v56 =	vmov s0;
	s23 =	smul.f32 s23, s29;
	s29 =	sshra.s32 s25, $0x1  }
0x174: {  	[tilespmem:v62+s21+$0x0] =	vst.idx.msk $0xffff, v18;
	v26 =	vmul.f32 s4, v26;
	v57 =	vand.u32 $0x7C, v56;
	v59 =	vsub.f32 v21, v51;
	s4 =	ssub.s32 $0x5F3759DF, s29;
	s8 =	smul.f32 s19, s26  }
0x175: {  	v13 =	vmul.f32 s14, v13;
	v15 =	vmul.f32 s14, v15;
	[tilespmem:v63+s21+$0x0] =	vst.idx.msk $0xffff, v17;
	v58 =	vadd.s32 v0, v57;
	s29 =	smul.f32 s4, s1  }
0x176: {  	[tilespmem:v45+s21+$0x0] =	vst.idx.msk $0xffff, v19;
	v53 =	vadd.s32 v2, v57;
	v18 =	vmul.f32 v59, v5;
	v52 =	vmov s18;
	s9 =	smul.f32 s9, s7;
	s25 =	sadd.f32 $9.999999740e-06, s23  }
0x177: {  	v20 =	vadd.s32 v3, v57;
	v62 =	vsub.f32 v25, v51;
	v28 =	vsub.f32 v28, v52;
	s8 =	ssub.f32 $1.500000000e+00, s8;
	s16 =	smul.f32 s4, s29  }
0x178: {  	v63 =	vadd.s32 v4, v57;
	v18 =	vadd.f32 v18, v9;
	v27 =	vsub.f32 v27, v52;
	s7 =	smul.f32 $5.000000000e-01, s25  }
0x179: {  	v24 =	vsub.f32 v24, v52;
	v23 =	vsub.f32 v23, v52;
	v55 =	vmul.f32 v28, v5;
	s28 =	sshra.s32 s25, $0x1;
	s8 =	smul.f32 s19, s8  }
0x17a: {  	[tilespmem:v58+s21+$0x0] =	vst.idx.msk $0xffff, v18;
	v56 =	vmul.f32 v27, v6;
	v60 =	vand.u32 $0x7D, v61;
	v61 =	vsub.f32 v22, v51;
	s29 =	ssub.s32 $0x5F3759DF, s28;
	s22 =	ssub.f32 $1.500000000e+00, s16;
	s16 =	smul.f32 s14, s31  }
0x17b: {  	v24 =	vmul.f32 v24, v7;
	v23 =	vmul.f32 v23, v8;
	v51 =	vsub.f32 v26, v51;
	s31 =	smul.f32 s29, s7  }
0x17c: {  	v18 =	vadd.f32 v55, v9;
	v49 =	vadd.s32 v0, v60;
	v21 =	vmul.f32 v61, v6;
	s26 =	smul.f32 s8, s15  }
0x17d: {  	v22 =	vmul.f32 v62, v7;
	v58 =	vadd.f32 v56, v10;
	v59 =	vadd.f32 v24, v11;
	s14 =	smul.f32 s4, s22  }
0x17e: {  	v50 =	vadd.s32 v2, v60;
	v54 =	vadd.s32 v3, v60;
	v21 =	vadd.f32 v21, v10;
	s18 =	smul.f32 s29, s31  }
0x17f: {  	v17 =	vadd.s32 v4, v60;
	v60 =	vadd.f32 v23, v12;
	v19 =	vmul.f32 v51, v8;
	s23 =	sadd.s32 $0x2, s0;
	s4 =	smul.f32 s26, s8  }
0x180: {  	v22 =	vadd.f32 v22, v11;
	v57 =	vmov s23;
	v51 =	vmul.f32 s9, v35;
	[tilespmem:v53+s21+$0x0] =	vst.idx.msk $0xffff, v21;
	s22 =	smul.f32 s14, s1  }
0x181: {  	s17 =	smul.f32 s9, s17;
	v52 =	vmul.f32 s9, v36;
	v19 =	vadd.f32 v19, v12;
	v48 =	vand.u32 $0x7E, v57;
	[tilespmem:v49+s21+$0x0] =	vst.idx.msk $0xffff, v18;
	s28 =	ssub.f32 $1.500000000e+00, s18  }
0x182: {  	v55 =	vadd.s32 v3, v48;
	v49 =	vadd.s32 v0, v48;
	[tilespmem:v20+s21+$0x0] =	vst.idx.msk $0xffff, v22;
	v61 =	vmov s16;
	s4 =	ssub.f32 $1.500000000e+00, s4;
	s25 =	smul.f32 s22, s14  }
0x183: {  	v53 =	vmul.f32 s9, v37;
	v18 =	vadd.s32 v4, v48;
	[tilespmem:v50+s21+$0x0] =	vst.idx.msk $0xffff, v58;
	v14 =	vsub.f32 v14, v61;
	s29 =	smul.f32 s29, s28  }
0x184: {  	v50 =	vadd.s32 v2, v48;
	[tilespmem:v63+s21+$0x0] =	vst.idx.msk $0xffff, v19;
	v63 =	vmov s17;
	v16 =	vsub.f32 v16, v61;
	s4 =	smul.f32 s4, s8  }
0x185: {  	v13 =	vsub.f32 v13, v61;
	v15 =	vsub.f32 v15, v61;
	v14 =	vmul.f32 v14, v5;
	s0 =	ssub.f32 $1.500000000e+00, s25;
	s31 =	smul.f32 s29, s7  }
0x186: {  	[tilespmem:v54+s21+$0x0] =	vst.idx.msk $0xffff, v59;
	v54 =	vmul.f32 s9, v38;
	s26 =	sadd.s32 $0x3, s30;
	v23 =	vsub.f32 v51, v63;
	v56 =	vsub.f32 v52, v63;
	s15 =	smul.f32 s4, s15  }
0x187: {  	[tilespmem:v17+s21+$0x0] =	vst.idx.msk $0xffff, v60;
	v17 =	vsub.f32 v53, v63;
	v62 =	vmov s26;
	v14 =	vadd.f32 v14, v9;
	s0 =	smul.f32 s0, s14  }
0x188: {  	v59 =	vsub.f32 v54, v63;
	v16 =	vmul.f32 v16, v6;
	v13 =	vmul.f32 v13, v7;
	s9 =	smul.f32 s31, s29  }
0x189: {  	v15 =	vmul.f32 v15, v8;
	v23 =	vmul.f32 v23, v5;
	[tilespmem:v49+s21+$0x0] =	vst.idx.msk $0xffff, v14;
	v14 =	vand.u32 $0x7F, v62;
	s15 =	smul.f32 s15, s4  }
0x18a: {  	v21 =	vmul.f32 v56, v6;
	v16 =	vadd.f32 v16, v10;
	v24 =	vadd.s32 v0, v14;
	s1 =	smul.f32 s0, s1  }
0x18b: {  	v17 =	vmul.f32 v17, v7;
	v13 =	vadd.f32 v13, v11;
	v57 =	vadd.s32 v2, v14;
	s15 =	ssub.f32 $1.500000000e+00, s15  }
0x18c: {  	v15 =	vadd.f32 v15, v12;
	v58 =	vadd.s32 v3, v14;
	[tilespmem:v50+s21+$0x0] =	vst.idx.msk $0xffff, v16;
	s9 =	ssub.f32 $1.500000000e+00, s9;
	s1 =	smul.f32 s1, s0  }
0x18d: {  	v14 =	vadd.s32 v4, v14;
	[tilespmem:v55+s21+$0x0] =	vst.idx.msk $0xffff, v13;
	v13 =	vadd.f32 v23, v9;
	s4 =	smul.f32 s15, s4  }
0x18e: {  	v21 =	vadd.f32 v21, v10;
	v16 =	vmul.f32 v59, v8;
	[tilespmem:v18+s21+$0x0] =	vst.idx.msk $0xffff, v15;
	s14 =	smul.f32 s9, s29  }
0x18f: {  	v15 =	vadd.f32 v17, v11;
	[tilespmem:v24+s21+$0x0] =	vst.idx.msk $0xffff, v13;
	s15 =	sadd.s32 $0x1, s30;
	s1 =	ssub.f32 $1.500000000e+00, s1;
	s4 =	smul.f32 s4, s13  }
0x190: {  	v16 =	vadd.f32 v16, v12;
	v13 =	vmov s30;
	s7 =	smul.f32 s14, s7;
	v36 =	vmov s15;
	[tilespmem:v57+s21+$0x0] =	vst.idx.msk $0xffff, v21  }
0x191: {  	v13 =	vand.u32 $0x7C, v13;
	[tilespmem:v58+s21+$0x0] =	vst.idx.msk $0xffff, v15;
	s0 =	smul.f32 s1, s0;
	v60 =	vmul.f32 s4, v31;
	v61 =	vmul.f32 s4, v33  }
0x192: {  	[tilespmem:v14+s21+$0x0] =	vst.idx.msk $0xffff, v16;
	v14 =	vand.u32 $0x7D, v36;
	v62 =	vmul.f32 s4, v32;
	v63 =	vmul.f32 s4, v34;
	s4 =	smul.f32 s4, s11  }
0x193: {  	v15 =	vadd.s32 v0, v13;
	v46 =	vadd.s32 v0, v14;
	s0 =	smul.f32 s0, s12  }
0x194: {  	v28 =	vadd.s32 v2, v14;
	v47 =	vadd.s32 v3, v14;
	v37 =	vmov s4  }
0x195: {  	s16 =	smul.f32 s7, s14;
	v32 =	vmul.f32 s0, v29;
	v33 =	vmul.f32 s0, v30;
	v19 =	vsub.f32 v60, v37  }
0x196: {  	v34 =	vmul.f32 s0, v43;
	v35 =	vmul.f32 s0, v44;
	s0 =	smul.f32 s0, s6;
	v43 =	vadd.s32 v2, v13  }
0x197: {  	v44 =	vadd.s32 v3, v13;
	v45 =	vsub.f32 v61, v37;
	v19 =	vmul.f32 v19, v5  }
0x198: {  	v22 =	vsub.f32 v62, v37;
	v23 =	vsub.f32 v63, v37;
	v38 =	vmov s0;
	s0 =	ssub.f32 $1.500000000e+00, s16  }
0x199: {  	v13 =	vadd.s32 v4, v13;
	v16 =	vmul.f32 v45, v6;
	v19 =	vadd.f32 v19, v9  }
0x19a: {  	v22 =	vmul.f32 v22, v7;
	v23 =	vmul.f32 v23, v8;
	v17 =	vsub.f32 v32, v38;
	s0 =	smul.f32 s0, s14  }
0x19b: {  	v16 =	vadd.f32 v16, v10;
	[tilespmem:v15+s21+$0x0] =	vst.idx.msk $0xffff, v19;
	v15 =	vsub.f32 v33, v38  }
0x19c: {  	s17 =	sadd.s32 $0x2, s30;
	v50 =	vsub.f32 v34, v38;
	v22 =	vadd.f32 v22, v11;
	v17 =	vmul.f32 v17, v5;
	s0 =	smul.f32 s0, s3  }
0x19d: {  	v48 =	vmov s17;
	v52 =	vadd.f32 v23, v12;
	[tilespmem:v43+s21+$0x0] =	vst.idx.msk $0xffff, v16;
	v15 =	vmul.f32 v15, v6  }
0x19e: {  	v57 =	vand.u32 $0x7E, v48;
	v51 =	vsub.f32 v35, v38;
	v17 =	vadd.f32 v17, v9;
	[tilespmem:v44+s21+$0x0] =	vst.idx.msk $0xffff, v22;
	s18 =	smul.f32 s0, s2  }
0x19f: {  	v16 =	vmul.f32 v50, v7;
	v49 =	vmul.f32 s0, v42;
	[tilespmem:v13+s21+$0x0] =	vst.idx.msk $0xffff, v52;
	v13 =	vadd.f32 v15, v10  }
0x1a0: {  	v14 =	vadd.s32 v4, v14;
	v19 =	vmul.f32 v51, v8;
	[tilespmem:v46+s21+$0x0] =	vst.idx.msk $0xffff, v17;
	v55 =	vmov s18  }
0x1a1: {  	v53 =	vmul.f32 s0, v41;
	v15 =	vadd.f32 v16, v11;
	[tilespmem:v28+s21+$0x0] =	vst.idx.msk $0xffff, v13;
	v13 =	vsub.f32 v49, v55  }
0x1a2: {  	v59 =	vadd.s32 v0, v57;
	v54 =	vmul.f32 s0, v40;
	v56 =	vadd.f32 v19, v12  }
0x1a3: {  	[tilespmem:v47+s21+$0x0] =	vst.idx.msk $0xffff, v15;
	v15 =	vsub.f32 v53, v55;
	v13 =	vmul.f32 v13, v5  }
0x1a4: {  	v61 =	vadd.s32 v2, v57;
	v58 =	vmul.f32 s0, v39;
	v60 =	vsub.f32 v54, v55  }
0x1a5: {  	[tilespmem:v14+s21+$0x0] =	vst.idx.msk $0xffff, v56;
	v15 =	vmul.f32 v15, v6;
	v13 =	vadd.f32 v13, v9  }
0x1a6: {  	v18 =	vadd.s32 v4, v57;
	v62 =	vadd.s32 v3, v57;
	v16 =	vsub.f32 v58, v55;
	s19 =	rddreg [dreg:$0x8]  }
0x1a7: {  	v21 =	vmul.f32 v60, v7;
	s22 =	rddreg [dreg:$0x11];
	v15 =	vadd.f32 v15, v10;
	[tilespmem:v59+s21+$0x0] =	vst.idx.msk $0xffff, v13  }
0x1a8: {  	v14 =	vmul.f32 v16, v8;
	s0 =	sadd.s32 s19, s22;
	s23 =	rddreg [dreg:$0x10]  }
0x1a9: {  	v63 =	vadd.f32 v21, v11;
	s0 =	sshll.u32 s0, $0xA;
	[tilespmem:v61+s21+$0x0] =	vst.idx.msk $0xffff, v15;
	s1 =	sshll.u32 s23, $0x14  }
0x1aa: {  	v13 =	vadd.f32 v14, v12;
	[dreg:$0xe] =	wrdreg s1;
	s0 =	sadd.s32 s1, s0  }
0x1ab: {  	s3 =	rddreg [dreg:$0x3];
	[tilespmem:v62+s21+$0x0] =	vst.idx.msk $0xffff, v63;
	s1 =	sshrl.u32 s0, $0x3  }
0x1ac: {  	[tilespmem:v18+s21+$0x0] =	vst.idx.msk $0xffff, v13;
	s1 =	sadd.s32 s3, s1  }
0x1ad: {  	[hbm4b:s1+s5] =	stream.linear.scatter [tilespmem:s21], [sflag:$0x3], $0x80, $0x38;
	[tilespmem:$0x15480] =	vst v63  }
0x1ae: {  	s26 =	simm.s32 $0x11088;
	s25 =	sadd.s32 $0x10, s1  }
0x1af: {  	[hbm4b:s25+s5] =	stream.linear.scatter [tilespmem:s26], [sflag:$0x3], $0x80, $0x38;
	[tilespmem:$0x15480] =	vst v63  }
0x1b0: {  	s29 =	simm.s32 $0x11110;
	s28 =	sadd.s32 $0x20, s1  }
0x1b1: {  	[hbm4b:s28+s5] =	stream.linear.scatter [tilespmem:s29], [sflag:$0x3], $0x80, $0x38;
	[tilespmem:$0x15480] =	vst v63  }
0x1b2: {  	s31 =	simm.s32 $0x11198;
	s30 =	sadd.s32 $0x30, s1  }
0x1b3: {  	[hbm4b:s30+s5] =	stream.linear.scatter [tilespmem:s31], [sflag:$0x3], $0x80, $0x38;
	[tilespmem:$0x15480] =	vst v63  }
0x1b4: {  	s6 =	simm.s32 $0x11220;
	s4 =	sadd.s32 $0x40, s1  }
0x1b5: {  	[hbm4b:s4+s5] =	stream.linear.scatter [tilespmem:s6], [sflag:$0x3], $0x80, $0x38;
	[tilespmem:$0x15480] =	vst v63  }
0x1b6: {  	s8 =	simm.s32 $0x112A8;
	s7 =	sadd.s32 $0x50, s1  }
0x1b7: {  	[hbm4b:s7+s5] =	stream.linear.scatter [tilespmem:s8], [sflag:$0x3], $0x80, $0x38;
	[tilespmem:$0x15480] =	vst v63  }
0x1b8: {  	s11 =	simm.s32 $0x11330;
	s9 =	sadd.s32 $0x60, s1  }
0x1b9: {  	[hbm4b:s9+s5] =	stream.linear.scatter [tilespmem:s11], [sflag:$0x3], $0x80, $0x38;
	[tilespmem:$0x15480] =	vst v63  }
0x1ba: {  	s12 =	simm.s32 $0x113B8;
	s13 =	sadd.s32 $0x20000, s0;
	s1 =	sadd.s32 $0x70, s1  }
0x1bb: {  	[hbm4b:s1+s5] =	stream.linear.scatter [tilespmem:s12], [sflag:$0x3], $0x80, $0x38;
	[tilespmem:$0x15480] =	vst v63  }
0x1bc: {  	s1 =	sshrl.u32 s13, $0x3  }
0x1bd: {  	s14 =	simm.s32 $0x11440;
	s1 =	sadd.s32 s3, s1  }
0x1be: {  	[hbm4b:s1+s5] =	stream.linear.scatter [tilespmem:s14], [sflag:$0x3], $0x80, $0x38;
	[tilespmem:$0x15480] =	vst v63  }
0x1bf: {  	s16 =	simm.s32 $0x114C8;
	s15 =	sadd.s32 $0x10, s1  }
0x1c0: {  	[hbm4b:s15+s5] =	stream.linear.scatter [tilespmem:s16], [sflag:$0x3], $0x80, $0x38;
	[tilespmem:$0x15480] =	vst v63  }
0x1c1: {  	s18 =	simm.s32 $0x11550;
	s17 =	sadd.s32 $0x20, s1  }
0x1c2: {  	[hbm4b:s17+s5] =	stream.linear.scatter [tilespmem:s18], [sflag:$0x3], $0x80, $0x38;
	[tilespmem:$0x15480] =	vst v63  }
0x1c3: {  	s22 =	simm.s32 $0x115D8;
	s19 =	sadd.s32 $0x30, s1  }
0x1c4: {  	[hbm4b:s19+s5] =	stream.linear.scatter [tilespmem:s22], [sflag:$0x3], $0x80, $0x38;
	[tilespmem:$0x15480] =	vst v63  }
0x1c5: {  	s25 =	simm.s32 $0x11660;
	s23 =	sadd.s32 $0x40, s1  }
0x1c6: {  	[hbm4b:s23+s5] =	stream.linear.scatter [tilespmem:s25], [sflag:$0x3], $0x80, $0x38;
	[tilespmem:$0x15480] =	vst v63  }
0x1c7: {  	s28 =	simm.s32 $0x116E8;
	s26 =	sadd.s32 $0x50, s1  }
0x1c8: {  	[hbm4b:s26+s5] =	stream.linear.scatter [tilespmem:s28], [sflag:$0x3], $0x80, $0x38;
	[tilespmem:$0x15480] =	vst v63  }
0x1c9: {  	s30 =	simm.s32 $0x11770;
	s29 =	sadd.s32 $0x60, s1  }
0x1ca: {  	[hbm4b:s29+s5] =	stream.linear.scatter [tilespmem:s30], [sflag:$0x3], $0x80, $0x38;
	[tilespmem:$0x15480] =	vst v63  }
0x1cb: {  	s2 =	sadd.s32 $0x40000, s0;
	s31 =	simm.s32 $0x117F8;
	s1 =	sadd.s32 $0x70, s1  }
0x1cc: {  	[hbm4b:s1+s5] =	stream.linear.scatter [tilespmem:s31], [sflag:$0x3], $0x80, $0x38;
	[tilespmem:$0x15480] =	vst v63  }
0x1cd: {  	s1 =	sshrl.u32 s2, $0x3  }
0x1ce: {  	s4 =	simm.s32 $0x11880;
	s1 =	sadd.s32 s3, s1  }
0x1cf: {  	[hbm4b:s1+s5] =	stream.linear.scatter [tilespmem:s4], [sflag:$0x3], $0x80, $0x38;
	[tilespmem:$0x15480] =	vst v63  }
0x1d0: {  	s7 =	simm.s32 $0x11908;
	s6 =	sadd.s32 $0x10, s1  }
0x1d1: {  	[hbm4b:s6+s5] =	stream.linear.scatter [tilespmem:s7], [sflag:$0x3], $0x80, $0x38;
	[tilespmem:$0x15480] =	vst v63  }
0x1d2: {  	s9 =	simm.s32 $0x11990;
	s8 =	sadd.s32 $0x20, s1  }
0x1d3: {  	[hbm4b:s8+s5] =	stream.linear.scatter [tilespmem:s9], [sflag:$0x3], $0x80, $0x38;
	[tilespmem:$0x15480] =	vst v63  }
0x1d4: {  	s12 =	simm.s32 $0x11A18;
	s11 =	sadd.s32 $0x30, s1  }
0x1d5: {  	[hbm4b:s11+s5] =	stream.linear.scatter [tilespmem:s12], [sflag:$0x3], $0x80, $0x38;
	[tilespmem:$0x15480] =	vst v63  }
0x1d6: {  	s14 =	simm.s32 $0x11AA0;
	s13 =	sadd.s32 $0x40, s1  }
0x1d7: {  	[hbm4b:s13+s5] =	stream.linear.scatter [tilespmem:s14], [sflag:$0x3], $0x80, $0x38;
	[tilespmem:$0x15480] =	vst v63  }
0x1d8: {  	s16 =	simm.s32 $0x11B28;
	s15 =	sadd.s32 $0x50, s1  }
0x1d9: {  	[hbm4b:s15+s5] =	stream.linear.scatter [tilespmem:s16], [sflag:$0x3], $0x80, $0x38;
	[tilespmem:$0x15480] =	vst v63  }
0x1da: {  	s18 =	simm.s32 $0x11BB0;
	s17 =	sadd.s32 $0x60, s1  }
0x1db: {  	[hbm4b:s17+s5] =	stream.linear.scatter [tilespmem:s18], [sflag:$0x3], $0x80, $0x38;
	[tilespmem:$0x15480] =	vst v63  }
0x1dc: {  	s19 =	simm.s32 $0x11C38;
	s22 =	sadd.s32 $0x60000, s0;
	s1 =	sadd.s32 $0x70, s1  }
0x1dd: {  	[hbm4b:s1+s5] =	stream.linear.scatter [tilespmem:s19], [sflag:$0x3], $0x80, $0x38;
	[tilespmem:$0x15480] =	vst v63  }
0x1de: {  	s1 =	sshrl.u32 s22, $0x3  }
0x1df: {  	s23 =	simm.s32 $0x11CC0;
	s1 =	sadd.s32 s3, s1  }
0x1e0: {  	[hbm4b:s1+s5] =	stream.linear.scatter [tilespmem:s23], [sflag:$0x3], $0x80, $0x38;
	[tilespmem:$0x15480] =	vst v63  }
0x1e1: {  	s26 =	simm.s32 $0x11D48;
	s25 =	sadd.s32 $0x10, s1  }
0x1e2: {  	[hbm4b:s25+s5] =	stream.linear.scatter [tilespmem:s26], [sflag:$0x3], $0x80, $0x38;
	[tilespmem:$0x15480] =	vst v63  }
0x1e3: {  	s29 =	simm.s32 $0x11DD0;
	s28 =	sadd.s32 $0x20, s1  }
0x1e4: {  	[hbm4b:s28+s5] =	stream.linear.scatter [tilespmem:s29], [sflag:$0x3], $0x80, $0x38;
	[tilespmem:$0x15480] =	vst v63  }
0x1e5: {  	s31 =	simm.s32 $0x11E58;
	s30 =	sadd.s32 $0x30, s1  }
0x1e6: {  	[hbm4b:s30+s5] =	stream.linear.scatter [tilespmem:s31], [sflag:$0x3], $0x80, $0x38;
	[tilespmem:$0x15480] =	vst v63  }
0x1e7: {  	s6 =	simm.s32 $0x11EE0;
	s4 =	sadd.s32 $0x40, s1  }
0x1e8: {  	[hbm4b:s4+s5] =	stream.linear.scatter [tilespmem:s6], [sflag:$0x3], $0x80, $0x38;
	[tilespmem:$0x15480] =	vst v63  }
0x1e9: {  	s8 =	simm.s32 $0x11F68;
	s7 =	sadd.s32 $0x50, s1  }
0x1ea: {  	[hbm4b:s7+s5] =	stream.linear.scatter [tilespmem:s8], [sflag:$0x3], $0x80, $0x38;
	[tilespmem:$0x15480] =	vst v63  }
0x1eb: {  	s11 =	simm.s32 $0x11FF0;
	s9 =	sadd.s32 $0x60, s1  }
0x1ec: {  	[hbm4b:s9+s5] =	stream.linear.scatter [tilespmem:s11], [sflag:$0x3], $0x80, $0x38;
	[tilespmem:$0x15480] =	vst v63  }
0x1ed: {  	s12 =	simm.s32 $0x12078;
	s13 =	sadd.s32 $0x80000, s0;
	s1 =	sadd.s32 $0x70, s1  }
0x1ee: {  	[hbm4b:s1+s5] =	stream.linear.scatter [tilespmem:s12], [sflag:$0x3], $0x80, $0x38;
	[tilespmem:$0x15480] =	vst v63  }
0x1ef: {  	s1 =	sshrl.u32 s13, $0x3  }
0x1f0: {  	s14 =	simm.s32 $0x12100;
	s1 =	sadd.s32 s3, s1  }
0x1f1: {  	[hbm4b:s1+s5] =	stream.linear.scatter [tilespmem:s14], [sflag:$0x3], $0x80, $0x38;
	[tilespmem:$0x15480] =	vst v63  }
0x1f2: {  	s16 =	simm.s32 $0x12188;
	s15 =	sadd.s32 $0x10, s1  }
0x1f3: {  	[hbm4b:s15+s5] =	stream.linear.scatter [tilespmem:s16], [sflag:$0x3], $0x80, $0x38;
	[tilespmem:$0x15480] =	vst v63  }
0x1f4: {  	s18 =	simm.s32 $0x12210;
	s17 =	sadd.s32 $0x20, s1  }
0x1f5: {  	[hbm4b:s17+s5] =	stream.linear.scatter [tilespmem:s18], [sflag:$0x3], $0x80, $0x38;
	[tilespmem:$0x15480] =	vst v63  }
0x1f6: {  	s22 =	simm.s32 $0x12298;
	s19 =	sadd.s32 $0x30, s1  }
0x1f7: {  	[hbm4b:s19+s5] =	stream.linear.scatter [tilespmem:s22], [sflag:$0x3], $0x80, $0x38;
	[tilespmem:$0x15480] =	vst v63  }
0x1f8: {  	s25 =	simm.s32 $0x12320;
	s23 =	sadd.s32 $0x40, s1  }
0x1f9: {  	[hbm4b:s23+s5] =	stream.linear.scatter [tilespmem:s25], [sflag:$0x3], $0x80, $0x38;
	[tilespmem:$0x15480] =	vst v63  }
0x1fa: {  	s28 =	simm.s32 $0x123A8;
	s26 =	sadd.s32 $0x50, s1  }
0x1fb: {  	[hbm4b:s26+s5] =	stream.linear.scatter [tilespmem:s28], [sflag:$0x3], $0x80, $0x38;
	[tilespmem:$0x15480] =	vst v63  }
0x1fc: {  	s30 =	simm.s32 $0x12430;
	s29 =	sadd.s32 $0x60, s1  }
0x1fd: {  	[hbm4b:s29+s5] =	stream.linear.scatter [tilespmem:s30], [sflag:$0x3], $0x80, $0x38;
	[tilespmem:$0x15480] =	vst v63  }
0x1fe: {  	s2 =	sadd.s32 $0xA0000, s0;
	s31 =	simm.s32 $0x124B8;
	s1 =	sadd.s32 $0x70, s1  }
0x1ff: {  	[hbm4b:s1+s5] =	stream.linear.scatter [tilespmem:s31], [sflag:$0x3], $0x80, $0x38;
	[tilespmem:$0x15480] =	vst v63  }
0x200: {  	s1 =	sshrl.u32 s2, $0x3  }
0x201: {  	s4 =	simm.s32 $0x12540;
	s1 =	sadd.s32 s3, s1  }
0x202: {  	[hbm4b:s1+s5] =	stream.linear.scatter [tilespmem:s4], [sflag:$0x3], $0x80, $0x38;
	[tilespmem:$0x15480] =	vst v63  }
0x203: {  	s7 =	simm.s32 $0x125C8;
	s6 =	sadd.s32 $0x10, s1  }
0x204: {  	[hbm4b:s6+s5] =	stream.linear.scatter [tilespmem:s7], [sflag:$0x3], $0x80, $0x38;
	[tilespmem:$0x15480] =	vst v63  }
0x205: {  	s9 =	simm.s32 $0x12650;
	s8 =	sadd.s32 $0x20, s1  }
0x206: {  	[hbm4b:s8+s5] =	stream.linear.scatter [tilespmem:s9], [sflag:$0x3], $0x80, $0x38;
	[tilespmem:$0x15480] =	vst v63  }
0x207: {  	s12 =	simm.s32 $0x126D8;
	s11 =	sadd.s32 $0x30, s1  }
0x208: {  	[hbm4b:s11+s5] =	stream.linear.scatter [tilespmem:s12], [sflag:$0x3], $0x80, $0x38;
	[tilespmem:$0x15480] =	vst v63  }
0x209: {  	s14 =	simm.s32 $0x12760;
	s13 =	sadd.s32 $0x40, s1  }
0x20a: {  	[hbm4b:s13+s5] =	stream.linear.scatter [tilespmem:s14], [sflag:$0x3], $0x80, $0x38;
	[tilespmem:$0x15480] =	vst v63  }
0x20b: {  	s16 =	simm.s32 $0x127E8;
	s15 =	sadd.s32 $0x50, s1  }
0x20c: {  	[hbm4b:s15+s5] =	stream.linear.scatter [tilespmem:s16], [sflag:$0x3], $0x80, $0x38;
	[tilespmem:$0x15480] =	vst v63  }
0x20d: {  	s18 =	simm.s32 $0x12870;
	s17 =	sadd.s32 $0x60, s1  }
0x20e: {  	[hbm4b:s17+s5] =	stream.linear.scatter [tilespmem:s18], [sflag:$0x3], $0x80, $0x38;
	[tilespmem:$0x15480] =	vst v63  }
0x20f: {  	s19 =	simm.s32 $0x128F8;
	s22 =	sadd.s32 $0xC0000, s0;
	s1 =	sadd.s32 $0x70, s1  }
0x210: {  	[hbm4b:s1+s5] =	stream.linear.scatter [tilespmem:s19], [sflag:$0x3], $0x80, $0x38;
	[tilespmem:$0x15480] =	vst v63  }
0x211: {  	s1 =	sshrl.u32 s22, $0x3  }
0x212: {  	s23 =	simm.s32 $0x12980;
	s1 =	sadd.s32 s3, s1  }
0x213: {  	[hbm4b:s1+s5] =	stream.linear.scatter [tilespmem:s23], [sflag:$0x3], $0x80, $0x38;
	[tilespmem:$0x15480] =	vst v63  }
0x214: {  	s26 =	simm.s32 $0x12A08;
	s25 =	sadd.s32 $0x10, s1  }
0x215: {  	[hbm4b:s25+s5] =	stream.linear.scatter [tilespmem:s26], [sflag:$0x3], $0x80, $0x38;
	[tilespmem:$0x15480] =	vst v63  }
0x216: {  	s29 =	simm.s32 $0x12A90;
	s28 =	sadd.s32 $0x20, s1  }
0x217: {  	[hbm4b:s28+s5] =	stream.linear.scatter [tilespmem:s29], [sflag:$0x3], $0x80, $0x38;
	[tilespmem:$0x15480] =	vst v63  }
0x218: {  	s31 =	simm.s32 $0x12B18;
	s30 =	sadd.s32 $0x30, s1  }
0x219: {  	[hbm4b:s30+s5] =	stream.linear.scatter [tilespmem:s31], [sflag:$0x3], $0x80, $0x38;
	[tilespmem:$0x15480] =	vst v63  }
0x21a: {  	s7 =	simm.s32 $0x12BA0;
	s6 =	sadd.s32 $0x40, s1  }
0x21b: {  	[hbm4b:s6+s5] =	stream.linear.scatter [tilespmem:s7], [sflag:$0x3], $0x80, $0x38;
	[tilespmem:$0x15480] =	vst v63  }
0x21c: {  	s9 =	simm.s32 $0x12C28;
	s8 =	sadd.s32 $0x50, s1  }
0x21d: {  	[hbm4b:s8+s5] =	stream.linear.scatter [tilespmem:s9], [sflag:$0x3], $0x80, $0x38;
	[tilespmem:$0x15480] =	vst v63  }
0x21e: {  	s0 =	sadd.s32 $0xE0000, s0;
	s12 =	simm.s32 $0x12CB0;
	s11 =	sadd.s32 $0x60, s1  }
0x21f: {  	[hbm4b:s11+s5] =	stream.linear.scatter [tilespmem:s12], [sflag:$0x3], $0x80, $0x38;
	[tilespmem:$0x15480] =	vst v63  }
0x220: {  	s0 =	sshrl.u32 s0, $0x3;
	s13 =	simm.s32 $0x12D38;
	s1 =	sadd.s32 $0x70, s1  }
0x221: {  	[hbm4b:s1+s5] =	stream.linear.scatter [tilespmem:s13], [sflag:$0x3], $0x80, $0x38;
	[tilespmem:$0x15480] =	vst v63  }
0x222: {  	s0 =	sadd.s32 s3, s0;
	s14 =	simm.s32 $0x12DC0  }
0x223: {  	[hbm4b:s0+s5] =	stream.linear.scatter [tilespmem:s14], [sflag:$0x3], $0x80, $0x38;
	[tilespmem:$0x15480] =	vst v63  }
0x224: {  	s15 =	sadd.s32 $0x10, s0;
	s16 =	simm.s32 $0x12E48  }
0x225: {  	[hbm4b:s15+s5] =	stream.linear.scatter [tilespmem:s16], [sflag:$0x3], $0x80, $0x38;
	[tilespmem:$0x15480] =	vst v63  }
0x226: {  	s17 =	sadd.s32 $0x20, s0;
	s18 =	simm.s32 $0x12ED0  }
0x227: {  	[hbm4b:s17+s5] =	stream.linear.scatter [tilespmem:s18], [sflag:$0x3], $0x80, $0x38;
	[tilespmem:$0x15480] =	vst v63  }
0x228: {  	s19 =	sadd.s32 $0x30, s0;
	s22 =	simm.s32 $0x12F58  }
0x229: {  	[hbm4b:s19+s5] =	stream.linear.scatter [tilespmem:s22], [sflag:$0x3], $0x80, $0x38;
	[tilespmem:$0x15480] =	vst v63  }
0x22a: {  	s23 =	sadd.s32 $0x40, s0;
	s25 =	simm.s32 $0x12FE0  }
0x22b: {  	[hbm4b:s23+s5] =	stream.linear.scatter [tilespmem:s25], [sflag:$0x3], $0x80, $0x38;
	[tilespmem:$0x15480] =	vst v63  }
0x22c: {  	p1 =	sne.s32 s24, $0x63;
	s26 =	sadd.s32 $0x50, s0;
	s28 =	simm.s32 $0x13068  }
0x22d: {  	[hbm4b:s26+s5] =	stream.linear.scatter [tilespmem:s28], [sflag:$0x3], $0x80, $0x38;
	[tilespmem:$0x15480] =	vst v63  }
.Ltmp2:
0x22e: {  	_ = 	snop;
	(pc) =	sbr.rel @p1 .LBB2_8-.Ltmp2, $4  }
0x22f: {  	s29 =	sadd.s32 $0x60, s0;
	s30 =	simm.s32 $0x130F0  }
0x230: {  	[hbm4b:s29+s5] =	stream.linear.scatter [tilespmem:s30], [sflag:$0x3], $0x80, $0x38;
	[tilespmem:$0x15480] =	vst v63  }
0x231: {  	s31 =	simm.s32 $0x13178;
	s0 =	sadd.s32 $0x70, s0  }
0x232: {  	[hbm4b:s0+s5] =	stream.linear.scatter [tilespmem:s31], [sflag:$0x3], $0x80, $0x38;
	[tilespmem:$0x15480] =	vst v63  }
.Ltmp3:
0x233: {  	(pc) =	sbr.rel .LBB2_9-.Ltmp3, $4  }
0x234: {  	s0 =	simm.s32 $0x2  }
0x235: {  	_ =	swait.ge [sflag:s0], $0x2000  }
0x236: {  	[sflag:s0] =	ssyncset.done $0x0  }
0x237: {  	[sflag:s0] =	ssyncadd.s32 $0xFFFFE000  }
.LBB2_8:
0x238: {  	s0 =	rddreg [dreg:$0xf]  }
0x239: {  	s1 =	rddreg [dreg:$0x5];
	s0 =	sshll.u32 s0, $0x7  }
0x23a: {  	s2 =	simm.s32 $0x80;
	s3 =	simm.s32 $0xD000;
	s0 =	sadd.s32 $0x100, s0  }
.Ltmp4:
0x23b: {  	s31 =	simm.s32 $0x2;
	s0 =	sand.u32 $0x3FFFFF80, s0;
	(pc) =	sbr.rel @p0 .LBB2_10-.Ltmp4, $4  }
0x23c: {  	[tilespmem:s3], [sflag:$0x1] =	stream.indirect.gather [hbm4b:s1+s2], $0x40, s0, s2, $0xb8;
	[tilespmem:$0x15480] =	vst v63  }
0x23d: {  	_ =	swait.ge [sflag:s31], $0x2000  }
0x23e: {  	[sflag:s31] =	ssyncset.done $0x0  }
0x23f: {  	[sflag:s31] =	ssyncadd.s32 $0xFFFFE000  }
.LBB2_9:
0x240: {  	s0 =	simm.s32 $0x4  }
0x241: {  	_ =	swait.ge [sflag:s0], $0x400  }
0x242: {  	[sflag:s0] =	ssyncset.done $0x0  }
0x243: {  	[sflag:s0] =	ssyncadd.s32 $0xFFFFFC00  }
0x244: {  	_ =	swait.ge [sflag:s0], $0x400  }
0x245: {  	[sflag:s0] =	ssyncset.done $0x0  }
0x246: {  	[sflag:s0] =	ssyncadd.s32 $0xFFFFFC00  }
0x247: {  	_ =	swait.ge [sflag:s0], $0x400  }
0x248: {  	[sflag:s0] =	ssyncset.done $0x0  }
0x249: {  	[sflag:s0] =	ssyncadd.s32 $0xFFFFFC00  }
0x24a: {  	_ =	swait.ge [sflag:s0], $0x400  }
0x24b: {  	[sflag:s0] =	ssyncset.done $0x0  }
0x24c: {  	[sflag:s0] =	ssyncadd.s32 $0xFFFFFC00  }
0x24d: {  	_ =	swait.ge [sflag:s0], $0x400  }
0x24e: {  	[sflag:s0] =	ssyncset.done $0x0  }
0x24f: {  	[sflag:s0] =	ssyncadd.s32 $0xFFFFFC00  }
0x250: {  	_ =	swait.ge [sflag:s0], $0x400  }
0x251: {  	[sflag:s0] =	ssyncset.done $0x0  }
0x252: {  	[sflag:s0] =	ssyncadd.s32 $0xFFFFFC00  }
0x253: {  	_ =	swait.ge [sflag:s0], $0x400  }
0x254: {  	[sflag:s0] =	ssyncset.done $0x0  }
0x255: {  	[sflag:s0] =	ssyncadd.s32 $0xFFFFFC00  }
0x256: {  	_ =	swait.ge [sflag:s0], $0x400  }
0x257: {  	[sflag:s0] =	ssyncset.done $0x0  }
0x258: {  	[sflag:s0] =	ssyncadd.s32 $0xFFFFFC00  }
.LBB2_10:
0x259: {  	s0 =	simm.s32 $0x0;
	s2 =	rddreg [dreg:$0xc]  }
0x25a: {  	s1 =	simm.s32 $0x100;
	v13 =	vld [tilespmem:s2+$0x0];
	v14 =	vor.u32 s0, v1  }
.LBB2_11:
0x25b: {  	p0 =	sne.s32 s1, $0x700  }
.Ltmp5:
0x25c: {  	_ = 	snop;
	(pc) =	sbr.rel @p0 .LBB2_11-.Ltmp5, $3  }
0x25d: {  	_ =	sdelay $0x1  }
0x25e: {  	s2 =	sadd.s32 $0x10, s2;
	s3 =	smov.u32 s1;
	s1 =	sadd.s32 $0x100, s1;
	[tilespmem:v14+s20+$0x0] =	vst.idx.msk $0xffff, v13  }
0x25f: {  	v14 =	vor.u32 s3, v1;
	v13 =	vld [tilespmem:s2+$0x0]  }
0x260: {  	_ =	sdelay $0x3  }
0x261: {  	s1 =	simm.s32 $0xF080;
	[tilespmem:v14+s20+$0x0] =	vst.idx.msk $0xffff, v13  }
0x262: {  	v44 =	vld [tilespmem:s1+$0x40]  }
0x263: {  	v43 =	vld [tilespmem:s1+$0x50]  }
0x264: {  	v41 =	vld [tilespmem:s1+$0x60]  }
0x265: {  	v42 =	vld [tilespmem:s1+$0x70];
	_ =	sdelay $0x3  }
0x266: {  	v13 =	vmul.f32 v44, v44;
	v14 =	vmul.f32 v43, v43  }
0x267: {  	v15 =	vmul.f32 v41, v41;
	v16 =	vmul.f32 v42, v42  }
0x268: {  	v17 =	vadd.f32 v43, v44;
	v18 =	vadd.f32 v42, v41  }
0x269: {  	v39 =	vld [tilespmem:s1+$0xFFFFFF80];
	v13 =	vadd.f32 v14, v13;
	v14 =	vadd.f32 v16, v15  }
0x26a: {  	v40 =	vld [tilespmem:s1+$0xFFFFFF90];
	v15 =	vadd.f32 v18, v17  }
0x26b: {  	v35 =	vld [tilespmem:s1+$0xFFFFFFA0];
	v13 =	vadd.f32 v14, v13  }
0x26c: {  	v38 =	vld [tilespmem:s1+$0xFFFFFFB0];
	(xrf2) =	vadd.scan.msk.f32 $0xffff, v15  }
0x26d: {  	v36 =	vld [tilespmem:s1+$0xFFFFFFC0];
	(xrf2) =	vadd.scan.msk.f32 $0xffff, v13  }
0x26e: {  	v37 =	vld [tilespmem:s1+$0xFFFFFFD0]  }
0x26f: {  	v33 =	vld [tilespmem:s1+$0xFFFFFFE0]  }
0x270: {  	v34 =	vld [tilespmem:s1+$0xFFFFFFF0]  }
0x271: {  	v32 =	vld [tilespmem:s1+$0x0]  }
0x272: {  	v31 =	vld [tilespmem:s1+$0x10]  }
0x273: {  	v30 =	vld [tilespmem:s1+$0x20];
	v14 =	vadd.f32 v38, v35  }
0x274: {  	v29 =	vld [tilespmem:s1+$0x30]  }
0x275: {  	s2 =	simm.s32 $0xC820;
	v13 =	vadd.f32 v40, v39  }
0x276: {  	v16 =	vadd.f32 v34, v33;
	v18 =	vld [tilespmem:s2+$0x10];
	v15 =	vadd.f32 v37, v36;
	v17, _, _ =	vpop (xrf2)  }
0x277: {  	v13 =	vadd.f32 v14, v13;
	(v2sf) =	vpush v17, $0xF;
	v14, _, _ =	vpop (xrf2)  }
0x278: {  	v19 =	vadd.f32 v31, v32;
	v21 =	vmul.f32 v38, v38;
	v17 =	vld [tilespmem:s2+$0xFFFFFFF0];
	(v2sf) =	vpush v14, $0xF  }
0x279: {  	v20 =	vld [tilespmem:s2+$0xFFFFFFE0];
	v22 =	vadd.f32 v29, v30;
	(xrf2) =	vadd.scan.msk.f32 $0xffff, v13;
	v13 =	vadd.f32 v16, v15;
	v15 =	vmul.f32 v40, v40  }
0x27a: {  	v16 =	vmul.f32 v35, v35;
	v14 =	vmul.f32 v39, v39  }
0x27b: {  	v19 =	vadd.f32 v22, v19;
	v22 =	vmul.f32 v34, v34;
	(xrf2) =	vadd.scan.msk.f32 $0xffff, v13;
	(v2sf) =	vpush v18, $0x0  }
0x27c: {  	v13 =	vmul.f32 v36, v36;
	v16 =	vadd.f32 v21, v16;
	v14 =	vadd.f32 v15, v14  }
0x27d: {  	v21 =	vmul.f32 v33, v33;
	v18 =	vld [tilespmem:s2+$0x0];
	v15 =	vmul.f32 v37, v37;
	(v2sf) =	vpush v17, $0x0  }
0x27e: {  	v14 =	vadd.f32 v16, v14;
	(v2sf) =	vpush v20, $0x0  }
0x27f: {  	(xrf2) =	vadd.scan.msk.f32 $0xffff, v19;
	v13 =	vadd.f32 v15, v13;
	v15 =	vadd.f32 v22, v21  }
0x280: {  	v19 =	vmul.f32 v30, v30;
	v17 =	vmul.f32 v32, v32;
	(xrf2) =	vadd.scan.msk.f32 $0xffff, v14  }
0x281: {  	v16 =	vmul.f32 v31, v31;
	v20 =	vmul.f32 v29, v29;
	v13 =	vadd.f32 v15, v13  }
0x282: {  	(v2sf) =	vpush v18, $0x0  }
0x283: {  	v14 =	vadd.f32 v16, v17;
	v16 =	vadd.f32 v20, v19;
	v15, _, _ =	vpop (xrf2)  }
0x284: {  	(v2sf) =	vpush v15, $0xF  }
0x285: {  	v14 =	vadd.f32 v16, v14;
	(xrf2) =	vadd.scan.msk.f32 $0xffff, v13;
	v13, _, _ =	vpop (xrf2)  }
0x286: {  	(v2sf) =	vpush v13, $0xF;
	s14 =	spop (v2sf)  }
0x287: {  	(xrf2) =	vadd.scan.msk.f32 $0xffff, v14;
	s14 =	smul.f32 $1.562500000e-02, s14;
	s15 =	spop (v2sf)  }
0x288: {  	s1 =	smul.f32 $1.562500000e-02, s15  }
0x289: {  	v13, _, _ =	vpop (xrf2);
	s16 =	smul.f32 s14, s14  }
0x28a: {  	(v2sf) =	vpush v13, $0xF;
	s15 =	spop (v2sf);
	v13, _, _ =	vpop (xrf2)  }
0x28b: {  	s17 =	smul.f32 s15, s15;
	(v2sf) =	vpush v13, $0xF;
	s1 =	ssub.f32 s1, s16  }
0x28c: {  	_ = 	snop  }
0x28d: {  	s6 =	spop (v2sf);
	s1 =	smul.f32 s1, s17  }
0x28e: {  	s13 =	spop (v2sf)  }
0x28f: {  	v13, _, _ =	vpop (xrf2);
	s7 =	smul.f32 s6, s6;
	s1 =	sadd.f32 $9.999999740e-06, s1  }
0x290: {  	(v2sf) =	vpush v13, $0xF;
	s4 =	smul.f32 s13, s13  }
0x291: {  	v13, _, _ =	vpop (xrf2);
	s3 =	spop (v2sf);
	s18 =	sshra.s32 s1, $0x1;
	s8 =	smul.f32 $5.000000000e-01, s1  }
0x292: {  	(v2sf) =	vpush v13, $0xF;
	s9 =	smul.f32 s3, s3;
	s2 =	ssub.s32 $0x5F3759DF, s18  }
0x293: {  	s19 =	spop (v2sf);
	s11 =	smul.f32 s2, s8  }
0x294: {  	s12 =	smul.f32 $1.562500000e-02, s19  }
0x295: {  	s22 =	spop (v2sf);
	s11 =	smul.f32 s2, s11  }
0x296: {  	s1 =	smul.f32 $1.562500000e-02, s22  }
0x297: {  	s16 =	smul.f32 s12, s12;
	s11 =	ssub.f32 $1.500000000e+00, s11  }
0x298: {  	s17 =	smul.f32 s1, s1  }
0x299: {  	s18 =	spop (v2sf);
	s2 =	smul.f32 s2, s11  }
0x29a: {  	s11 =	smul.f32 $1.562500000e-02, s18;
	s19 =	spop (v2sf)  }
0x29b: {  	s19 =	smul.f32 $1.562500000e-02, s19  }
0x29c: {  	s23 =	smul.f32 s2, s8  }
0x29d: {  	s22 =	smul.f32 s11, s11  }
0x29e: {  	s18 =	smul.f32 s23, s2  }
0x29f: {  	s16 =	ssub.f32 s19, s16;
	s23 =	spop (v2sf)  }
0x2a0: {  	s23 =	smul.f32 $1.562500000e-02, s23;
	s18 =	ssub.f32 $1.500000000e+00, s18  }
0x2a1: {  	s25 =	spop (v2sf);
	s4 =	smul.f32 s16, s4  }
0x2a2: {  	s17 =	ssub.f32 s23, s17;
	s18 =	smul.f32 s18, s2;
	s2 =	simm.s32 $0xF180  }
0x2a3: {  	s26 =	smul.f32 $1.562500000e-02, s25;
	s4 =	sadd.f32 $9.999999740e-06, s4;
	v20 =	vld [tilespmem:s2+$0x40]  }
0x2a4: {  	v19 =	vld [tilespmem:s2+$0x50];
	s7 =	smul.f32 s17, s7  }
0x2a5: {  	s19 =	ssub.f32 s26, s22;
	v16 =	vld [tilespmem:s2+$0x60];
	s16 =	smul.f32 $5.000000000e-01, s4  }
0x2a6: {  	v18 =	vld [tilespmem:s2+$0x70];
	s4 =	sshra.s32 s4, $0x1;
	s8 =	smul.f32 s18, s8  }
0x2a7: {  	s9 =	smul.f32 s19, s9;
	s4 =	ssub.s32 $0x5F3759DF, s4  }
0x2a8: {  	s17 =	sadd.f32 $9.999999740e-06, s7;
	s23 =	smul.f32 s4, s16  }
0x2a9: {  	s8 =	smul.f32 s8, s18;
	s22 =	sadd.f32 $9.999999740e-06, s9  }
0x2aa: {  	s7 =	smul.f32 $5.000000000e-01, s17;
	v13 =	vmul.f32 v20, v20;
	v14 =	vmul.f32 v19, v19  }
0x2ab: {  	s17 =	sshra.s32 s17, $0x1;
	s9 =	smul.f32 $5.000000000e-01, s22;
	v15 =	vmul.f32 v16, v16;
	v17 =	vmul.f32 v18, v18  }
0x2ac: {  	s17 =	ssub.s32 $0x5F3759DF, s17;
	s19 =	sshra.s32 s22, $0x1;
	v22 =	vadd.f32 v19, v20;
	v23 =	vadd.f32 v18, v16;
	s22 =	smul.f32 s4, s23  }
0x2ad: {  	s19 =	ssub.s32 $0x5F3759DF, s19;
	s26 =	smul.f32 s17, s7;
	v13 =	vadd.f32 v14, v13;
	v14 =	vadd.f32 v17, v15  }
0x2ae: {  	v21 =	vld [tilespmem:s2+$0xFFFFFF80];
	s25 =	smul.f32 s19, s9;
	v15 =	vadd.f32 v23, v22  }
0x2af: {  	v25 =	vld [tilespmem:s2+$0xFFFFFFA0];
	s22 =	ssub.f32 $1.500000000e+00, s22;
	s23 =	smul.f32 s17, s26;
	v13 =	vadd.f32 v14, v13  }
0x2b0: {  	v26 =	vld [tilespmem:s2+$0xFFFFFFB0];
	s8 =	ssub.f32 $1.500000000e+00, s8;
	(xrf2) =	vadd.scan.msk.f32 $0xffff, v15;
	s25 =	smul.f32 s19, s25  }
0x2b1: {  	v27 =	vld [tilespmem:s2+$0xFFFFFFC0];
	s4 =	smul.f32 s4, s22;
	(xrf2) =	vadd.scan.msk.f32 $0xffff, v13  }
0x2b2: {  	v28 =	vld [tilespmem:s2+$0xFFFFFFD0];
	s8 =	smul.f32 s8, s18;
	s23 =	ssub.f32 $1.500000000e+00, s23  }
0x2b3: {  	v24 =	vld [tilespmem:s2+$0xFFFFFFF0];
	s26 =	ssub.f32 $1.500000000e+00, s25;
	s22 =	smul.f32 s4, s16  }
0x2b4: {  	v22 =	vld [tilespmem:s2+$0xFFFFFF90];
	s17 =	smul.f32 s17, s23  }
0x2b5: {  	v23 =	vld [tilespmem:s2+$0xFFFFFFE0];
	s18 =	smul.f32 s19, s26  }
0x2b6: {  	v17 =	vld [tilespmem:s2+$0x10];
	s19 =	smul.f32 s22, s4  }
0x2b7: {  	v15 =	vld [tilespmem:s2+$0x0];
	s23 =	smul.f32 s17, s7  }
0x2b8: {  	v14 =	vld [tilespmem:s2+$0x20];
	s25 =	smul.f32 s18, s9  }
0x2b9: {  	v46 =	vadd.f32 v26, v25;
	v13 =	vld [tilespmem:s2+$0x30];
	s2 =	simm.s32 $0xC860;
	s19 =	ssub.f32 $1.500000000e+00, s19;
	s22 =	smul.f32 s23, s17  }
0x2ba: {  	v47 =	vadd.f32 v28, v27;
	v45 =	vadd.f32 v22, v21;
	v50 =	vld [tilespmem:s2+$0x10];
	s23 =	smul.f32 s25, s18;
	v49, _, _ =	vpop (xrf2)  }
0x2bb: {  	v48 =	vadd.f32 v24, v23;
	v59 =	vld [tilespmem:s2+$0xFFFFFFF0];
	s4 =	smul.f32 s19, s4;
	(v2sf) =	vpush v49, $0xF;
	v58, _, _ =	vpop (xrf2)  }
0x2bc: {  	s15 =	smul.f32 s8, s15;
	v45 =	vadd.f32 v46, v45;
	s26 =	ssub.f32 $1.500000000e+00, s22;
	(v2sf) =	vpush v58, $0xF  }
0x2bd: {  	v60 =	vmul.f32 v21, v21;
	s22 =	ssub.f32 $1.500000000e+00, s23;
	s16 =	smul.f32 s4, s16  }
0x2be: {  	v62 =	vmul.f32 v25, v25;
	v52 =	vmul.f32 v26, v26;
	v61 =	vld [tilespmem:s2+$0xFFFFFFE0];
	v47 =	vadd.f32 v48, v47;
	(xrf2) =	vadd.scan.msk.f32 $0xffff, v45;
	s8 =	smul.f32 s26, s17  }
0x2bf: {  	v51 =	vmul.f32 v22, v22;
	v54 =	vld [tilespmem:s2+$0x0];
	v53 =	vadd.f32 v17, v15;
	s23 =	smul.f32 s22, s18;
	(v2sf) =	vpush v50, $0x0  }
0x2c0: {  	v55 =	vadd.f32 v13, v14;
	(xrf2) =	vadd.scan.msk.f32 $0xffff, v47;
	s16 =	smul.f32 s16, s4;
	(v2sf) =	vpush v59, $0x0  }
0x2c1: {  	v46 =	vadd.f32 v51, v60;
	v48 =	vadd.f32 v52, v62;
	s7 =	smul.f32 s8, s7  }
0x2c2: {  	v63 =	vmul.f32 v27, v27;
	v57 =	vadd.f32 v55, v53;
	s9 =	smul.f32 s23, s9  }
0x2c3: {  	v56 =	vmul.f32 v28, v28;
	v46 =	vadd.f32 v48, v46;
	s16 =	ssub.f32 $1.500000000e+00, s16;
	s7 =	smul.f32 s7, s8;
	(v2sf) =	vpush v61, $0x0  }
0x2c4: {  	(xrf2) =	vadd.scan.msk.f32 $0xffff, v57;
	v58 =	vmul.f32 v23, v23;
	v59 =	vmul.f32 v24, v24;
	s9 =	smul.f32 s9, s23;
	(v2sf) =	vpush v54, $0x0  }
0x2c5: {  	v62 =	vmul.f32 v14, v14;
	v47 =	vadd.f32 v56, v63;
	v63 =	vmul.f32 v13, v13;
	s4 =	smul.f32 s16, s4  }
0x2c6: {  	s14 =	smul.f32 s15, s14;
	v60 =	vmul.f32 v15, v15;
	(xrf2) =	vadd.scan.msk.f32 $0xffff, v46;
	v61 =	vmul.f32 v17, v17;
	v49 =	vadd.f32 v59, v58;
	s7 =	ssub.f32 $1.500000000e+00, s7  }
0x2c7: {  	v54 =	vadd.f32 v63, v62;
	s9 =	ssub.f32 $1.500000000e+00, s9;
	s4 =	smul.f32 s4, s13  }
0x2c8: {  	v55, _, _ =	vpop (xrf2);
	v45 =	vadd.f32 v61, v60;
	v53 =	vadd.f32 v49, v47;
	s7 =	smul.f32 s7, s8  }
0x2c9: {  	(v2sf) =	vpush v55, $0xF;
	s25 =	smul.f32 s9, s23  }
0x2ca: {  	v56, _, _ =	vpop (xrf2);
	v45 =	vadd.f32 v54, v45;
	(xrf2) =	vadd.scan.msk.f32 $0xffff, v53;
	s17 =	smul.f32 s7, s6;
	s26 =	spop (v2sf)  }
0x2cb: {  	(v2sf) =	vpush v56, $0xF;
	s6 =	smul.f32 $1.562500000e-02, s26;
	s13 =	spop (v2sf)  }
0x2cc: {  	v44 =	vmul.f32 s15, v44;
	(xrf2) =	vadd.scan.msk.f32 $0xffff, v45;
	s7 =	smul.f32 $1.562500000e-02, s13  }
0x2cd: {  	v43 =	vmul.f32 s15, v43;
	v41 =	vmul.f32 s15, v41;
	s16 =	simm.s32 $0x3;
	v59 =	vmov s14;
	s18 =	smul.f32 s6, s6  }
0x2ce: {  	v42 =	vmul.f32 s15, v42;
	v57 =	vmov s16;
	v44 =	vsub.f32 v44, v59;
	v58, _, _ =	vpop (xrf2);
	s16 =	spop (v2sf);
	s13 =	smul.f32 s25, s3  }
0x2cf: {  	v43 =	vsub.f32 v43, v59;
	(v2sf) =	vpush v58, $0xF;
	s19 =	smul.f32 s16, s16;
	s3 =	spop (v2sf)  }
0x2d0: {  	v41 =	vsub.f32 v41, v59;
	v42 =	vsub.f32 v42, v59;
	v60, _, _ =	vpop (xrf2);
	s7 =	ssub.f32 s7, s18;
	s18 =	smul.f32 s4, s12  }
0x2d1: {  	v44 =	vmul.f32 v44, v5;
	v43 =	vmul.f32 v43, v6;
	(v2sf) =	vpush v60, $0xF;
	s12 =	smul.f32 s3, s3  }
0x2d2: {  	v41 =	vmul.f32 v41, v7;
	v42 =	vmul.f32 v42, v8;
	s14 =	spop (v2sf);
	s8 =	smul.f32 s7, s19  }
0x2d3: {  	v39 =	vmul.f32 s4, v39;
	v40 =	vmul.f32 s4, v40;
	s11 =	smul.f32 s13, s11;
	s31 =	spop (v2sf)  }
0x2d4: {  	v54 =	vmov s0;
	v35 =	vmul.f32 s4, v35;
	v38 =	vmul.f32 s4, v38;
	v63, _, _ =	vpop (xrf2);
	s7 =	smul.f32 s14, s14;
	s8 =	sadd.f32 $9.999999740e-06, s8  }
0x2d5: {  	v49 =	vand.u32 $0x7C, v54;
	v45 =	vand.u32 $0x7F, v57;
	(v2sf) =	vpush v63, $0xF;
	s15 =	smul.f32 s31, s31  }
0x2d6: {  	v44 =	vadd.f32 v44, v9;
	v43 =	vadd.f32 v43, v10;
	v61 =	vadd.s32 v0, v45;
	v53, _, _ =	vpop (xrf2);
	s22 =	sshra.s32 s8, $0x1;
	s9 =	smul.f32 $5.000000000e-01, s8  }
0x2d7: {  	v41 =	vadd.f32 v41, v11;
	v62 =	vadd.s32 v2, v45;
	(v2sf) =	vpush v53, $0xF;
	s19 =	smul.f32 s17, s1;
	s8 =	ssub.s32 $0x5F3759DF, s22  }
0x2d8: {  	v42 =	vadd.f32 v42, v12;
	v55 =	vadd.s32 v0, v49;
	v52 =	vadd.s32 v3, v45;
	s23 =	spop (v2sf);
	s25 =	smul.f32 s8, s9  }
0x2d9: {  	v56 =	vadd.s32 v2, v49;
	v59 =	vadd.s32 v3, v49;
	v45 =	vadd.s32 v4, v45;
	s26 =	simm.s32 $0x1;
	s1 =	smul.f32 $1.562500000e-02, s23  }
0x2da: {  	v36 =	vmul.f32 s17, v36;
	v37 =	vmul.f32 s17, v37;
	v57 =	vmov s26;
	s22 =	spop (v2sf);
	s4 =	smul.f32 s8, s25  }
0x2db: {  	v33 =	vmul.f32 s17, v33;
	[tilespmem:v61+s10+$0x0] =	vst.idx.msk $0xffff, v44;
	v60 =	vadd.s32 v4, v49;
	v46 =	vand.u32 $0x7D, v57;
	s30 =	smul.f32 $1.562500000e-02, s22  }
0x2dc: {  	v34 =	vmul.f32 s17, v34;
	[tilespmem:v62+s10+$0x0] =	vst.idx.msk $0xffff, v43;
	v61 =	vadd.s32 v0, v46;
	v62 =	vadd.s32 v2, v46;
	s0 =	smul.f32 s1, s1;
	s4 =	ssub.f32 $1.500000000e+00, s4  }
0x2dd: {  	[tilespmem:v52+s10+$0x0] =	vst.idx.msk $0xffff, v41;
	v52 =	vadd.s32 v4, v46;
	v32 =	vmul.f32 s13, v32;
	v58 =	vmov s18;
	s17 =	smul.f32 s30, s30  }
0x2de: {  	v31 =	vmul.f32 s13, v31;
	v30 =	vmul.f32 s13, v30;
	v39 =	vsub.f32 v39, v58;
	s23 =	spop (v2sf);
	s4 =	smul.f32 s8, s4  }
0x2df: {  	v57 =	vmov s11;
	v40 =	vsub.f32 v40, v58;
	v35 =	vsub.f32 v35, v58;
	s29 =	smul.f32 $1.562500000e-02, s23  }
0x2e0: {  	v29 =	vmul.f32 s13, v29;
	v38 =	vsub.f32 v38, v58;
	v32 =	vsub.f32 v32, v57;
	s25 =	spop (v2sf);
	s8 =	smul.f32 s4, s9  }
0x2e1: {  	v63 =	vadd.s32 v3, v46;
	v31 =	vsub.f32 v31, v57;
	v30 =	vsub.f32 v30, v57;
	s18 =	smul.f32 $1.562500000e-02, s25  }
0x2e2: {  	[tilespmem:v45+s10+$0x0] =	vst.idx.msk $0xffff, v42;
	v29 =	vsub.f32 v29, v57;
	v53 =	vmov s19;
	v39 =	vmul.f32 v39, v5;
	s8 =	smul.f32 s8, s4  }
0x2e3: {  	v40 =	vmul.f32 v40, v6;
	v35 =	vmul.f32 v35, v7;
	v36 =	vsub.f32 v36, v53;
	s19 =	smul.f32 s29, s29  }
0x2e4: {  	v38 =	vmul.f32 v38, v8;
	v37 =	vsub.f32 v37, v53;
	v33 =	vsub.f32 v33, v53;
	s26 =	spop (v2sf);
	s8 =	ssub.f32 $1.500000000e+00, s8  }
0x2e5: {  	v34 =	vsub.f32 v34, v53;
	v32 =	vmul.f32 v32, v5;
	v31 =	vmul.f32 v31, v6;
	s22 =	smul.f32 $1.562500000e-02, s26  }
0x2e6: {  	v30 =	vmul.f32 v30, v7;
	v29 =	vmul.f32 v29, v8;
	v39 =	vadd.f32 v39, v9;
	s23 =	spop (v2sf);
	s4 =	smul.f32 s8, s4  }
0x2e7: {  	v40 =	vadd.f32 v40, v10;
	v35 =	vadd.f32 v35, v11;
	v36 =	vmul.f32 v36, v5;
	s0 =	ssub.f32 s18, s0;
	s8 =	smul.f32 $1.562500000e-02, s23  }
0x2e8: {  	s11 =	simm.s32 $0xF280;
	v37 =	vmul.f32 v37, v6;
	v38 =	vadd.f32 v38, v12;
	[tilespmem:v55+s10+$0x0] =	vst.idx.msk $0xffff, v39;
	s25 =	simm.s32 $0x2;
	s9 =	smul.f32 s4, s9  }
0x2e9: {  	v47 =	vadd.f32 v29, v12;
	v29 =	vld [tilespmem:s11+$0xFFFFFFC0];
	v54 =	vadd.f32 v36, v9;
	[tilespmem:v56+s10+$0x0] =	vst.idx.msk $0xffff, v40;
	v56 =	vmov s25;
	s0 =	smul.f32 s0, s7;
	s26 =	ssub.f32 s22, s17  }
0x2ea: {  	v33 =	vmul.f32 v33, v7;
	v34 =	vmul.f32 v34, v8;
	v36 =	vld [tilespmem:s11+$0x50];
	[tilespmem:v59+s10+$0x0] =	vst.idx.msk $0xffff, v35;
	v58 =	vand.u32 $0x7E, v56;
	s17 =	ssub.f32 s8, s19;
	s18 =	smul.f32 s9, s4  }
0x2eb: {  	v55 =	vadd.f32 v37, v10;
	v37 =	vld [tilespmem:s11+$0x60];
	[tilespmem:v61+s10+$0x0] =	vst.idx.msk $0xffff, v54;
	v59 =	vadd.s32 v0, v58;
	s12 =	smul.f32 s26, s12;
	s19 =	sadd.f32 $9.999999740e-06, s0  }
0x2ec: {  	v33 =	vadd.f32 v33, v11;
	v35 =	vld [tilespmem:s11+$0x40];
	[tilespmem:v60+s10+$0x0] =	vst.idx.msk $0xffff, v38;
	v60 =	vadd.s32 v2, v58;
	s7 =	smul.f32 s17, s15;
	s8 =	ssub.f32 $1.500000000e+00, s18  }
0x2ed: {  	s28 =	simm.s32 $0x8;
	v34 =	vadd.f32 v34, v12;
	[tilespmem:v62+s10+$0x0] =	vst.idx.msk $0xffff, v55;
	v38 =	vld [tilespmem:s11+$0x70];
	v61 =	vadd.s32 v3, v58;
	s12 =	sadd.f32 $9.999999740e-06, s12;
	s13 =	smul.f32 $5.000000000e-01, s19  }
0x2ee: {  	v32 =	vadd.f32 v32, v9;
	v62 =	vadd.f32 v31, v10;
	v31 =	vld [tilespmem:s11+$0xFFFFFF80];
	[tilespmem:v63+s10+$0x0] =	vst.idx.msk $0xffff, v33;
	s22 =	simm.s32 $0x7;
	s0 =	simm.s32 $0x4;
	s4 =	smul.f32 s8, s4  }
0x2ef: {  	v30 =	vadd.f32 v30, v11;
	v33 =	vld [tilespmem:s11+$0xFFFFFF90];
	[tilespmem:v52+s10+$0x0] =	vst.idx.msk $0xffff, v34;
	v44 =	vmul.f32 v36, v36;
	s25 =	sshra.s32 s12, $0x1;
	s15 =	smul.f32 $5.000000000e-01, s12;
	s23 =	sadd.f32 $9.999999740e-06, s7  }
0x2f0: {  	v34 =	vld [tilespmem:s11+$0xFFFFFFB0];
	v42 =	vmul.f32 v37, v37;
	v48 =	vadd.s32 v4, v58;
	v63 =	vmov s22;
	[tilespmem:v59+s10+$0x0] =	vst.idx.msk $0xffff, v32;
	s9 =	sshra.s32 s19, $0x1;
	s12 =	simm.s32 $0xC;
	s18 =	smul.f32 s4, s16  }
0x2f1: {  	v40 =	vadd.f32 v36, v35;
	v41 =	vmul.f32 v35, v35;
	v32 =	vld [tilespmem:s11+$0xFFFFFFA0];
	v45 =	vand.u32 $0x7F, v63;
	[tilespmem:v60+s10+$0x0] =	vst.idx.msk $0xffff, v62;
	s19 =	ssub.s32 $0x5F3759DF, s9;
	s26 =	sshra.s32 s23, $0x1;
	s17 =	smul.f32 $5.000000000e-01, s23  }
0x2f2: {  	v43 =	vadd.f32 v38, v37;
	v46 =	vadd.s32 v0, v45;
	[tilespmem:v61+s10+$0x0] =	vst.idx.msk $0xffff, v30;
	v30 =	vld [tilespmem:s11+$0xFFFFFFD0];
	s7 =	ssub.s32 $0x5F3759DF, s25;
	s9 =	ssub.s32 $0x5F3759DF, s26;
	s16 =	smul.f32 s18, s6  }
.LBB2_13:
0x2f3: {  	s4 =	smul.f32 s19, s13  }
0x2f4: {  	s6 =	smul.f32 s7, s15  }
0x2f5: {  	p0 =	slt.u32 s12, $0x7C;
	v39 =	vld [tilespmem:s11+$0xFFFFFFE0];
	v43 =	vadd.f32 v43, v40;
	v49 =	vmul.f32 v38, v38;
	v50 =	vmul.f32 s18, v20;
	[tilespmem:v48+s10+$0x0] =	vst.idx.msk $0xffff, v47;
	s8 =	smul.f32 s9, s17  }
0x2f6: {  	v47 =	vmul.f32 s18, v19;
	v20 =	vmovc v35;
	v19 =	vmovc v36;
	v40 =	vld [tilespmem:s11+$0xFFFFFFF0];
	v41 =	vadd.f32 v44, v41;
	v44 =	vmov s16;
	s4 =	smul.f32 s19, s4  }
0x2f7: {  	v35 =	vld [tilespmem:s11+$0x0];
	v42 =	vadd.f32 v49, v42;
	v48 =	vsub.f32 v50, v44;
	v49 =	vmul.f32 s18, v16;
	v16 =	vmovc v37;
	s6 =	smul.f32 s7, s6  }
0x2f8: {  	v50 =	vmul.f32 s18, v18;
	v18 =	vmovc v38;
	s8 =	smul.f32 s9, s8;
	v36 =	vld [tilespmem:s11+$0x10];
	(xrf2) =	vadd.scan.msk.f32 $0xffff, v43;
	v43 =	vsub.f32 v47, v44;
	v47 =	vadd.s32 v2, v45;
	s4 =	ssub.f32 $1.500000000e+00, s4  }
0x2f9: {  	v37 =	vld [tilespmem:s11+$0x20];
	v41 =	vadd.f32 v42, v41;
	v42 =	vmul.f32 v48, v5;
	v48 =	vsub.f32 v49, v44;
	s6 =	ssub.f32 $1.500000000e+00, s6  }
0x2fa: {  	v49 =	vadd.s32 v3, v45;
	v44 =	vsub.f32 v50, v44;
	s8 =	ssub.f32 $1.500000000e+00, s8;
	v38 =	vld [tilespmem:s11+$0x30];
	v43 =	vmul.f32 v43, v6;
	s4 =	smul.f32 s19, s4  }
0x2fb: {  	v45 =	vadd.s32 v4, v45;
	(xrf2) =	vadd.scan.msk.f32 $0xffff, v41;
	v41 =	vadd.f32 v42, v9;
	v42 =	vmul.f32 v48, v7;
	s6 =	smul.f32 s7, s6  }
0x2fc: {  	v48 =	vadd.f32 v33, v31;
	v44 =	vmul.f32 v44, v8;
	s7 =	smul.f32 s9, s8;
	v43 =	vadd.f32 v43, v10  }
0x2fd: {  	v50 =	vadd.f32 v34, v32;
	[tilespmem:v46+s10+$0x0] =	vst.idx.msk $0xffff, v41;
	v41 =	vadd.f32 v42, v11;
	s8 =	smul.f32 s4, s13  }
0x2fe: {  	v42 =	vmul.f32 v31, v31;
	s9 =	smul.f32 s6, s15;
	[tilespmem:v47+s10+$0x0] =	vst.idx.msk $0xffff, v43;
	v43 =	vadd.f32 v44, v12  }
0x2ff: {  	v46 =	vmul.f32 v32, v32;
	s16 =	smul.f32 s7, s17;
	v44 =	vmul.f32 v33, v33;
	[tilespmem:v49+s10+$0x0] =	vst.idx.msk $0xffff, v41  }
0x300: {  	v47 =	vadd.f32 v30, v29;
	v41 =	vmul.f32 v34, v34;
	s8 =	smul.f32 s8, s4;
	[tilespmem:v45+s10+$0x0] =	vst.idx.msk $0xffff, v43  }
0x301: {  	v49 =	vmul.f32 v30, v30;
	s9 =	smul.f32 s9, s6;
	v43 =	vadd.f32 v40, v39;
	v45 =	vmul.f32 v29, v29  }
0x302: {  	v51 =	vmul.f32 v39, v39;
	v52 =	vmul.f32 v40, v40;
	v53 =	vadd.f32 v36, v35;
	s16 =	smul.f32 s16, s7;
	s8 =	ssub.f32 $1.500000000e+00, s8;
	v54, _, _ =	vpop (xrf2)  }
0x303: {  	s2 =	sadd.s32 $0x40, s2;
	v56 =	vmul.f32 v35, v35;
	v57 =	vmul.f32 v36, v36;
	v55 =	vadd.f32 v38, v37;
	s9 =	ssub.f32 $1.500000000e+00, s9  }
0x304: {  	v48 =	vadd.f32 v50, v48;
	v50 =	vmul.f32 v37, v37;
	v58 =	vmul.f32 v38, v38;
	s4 =	smul.f32 s8, s4;
	s8 =	ssub.f32 $1.500000000e+00, s16;
	v59 =	vld [tilespmem:s2+$0x10]  }
0x305: {  	v42 =	vadd.f32 v44, v42;
	s6 =	smul.f32 s9, s6;
	v44 =	vld [tilespmem:s2+$0xFFFFFFF0];
	(v2sf) =	vpush v54, $0xF;
	v54, _, _ =	vpop (xrf2)  }
0x306: {  	v41 =	vadd.f32 v41, v46;
	s7 =	smul.f32 s8, s7;
	v46 =	vld [tilespmem:s2+$0x0];
	(xrf2) =	vadd.scan.msk.f32 $0xffff, v48;
	(v2sf) =	vpush v54, $0xF  }
0x307: {  	v43 =	vadd.f32 v43, v47;
	v45 =	vadd.f32 v49, v45;
	s8 =	smul.f32 s4, s13;
	v48 =	vld [tilespmem:s2+$0xFFFFFFE0]  }
0x308: {  	v47 =	vadd.f32 v52, v51;
	v49 =	vadd.f32 v55, v53;
	s9 =	smul.f32 s6, s15  }
0x309: {  	v51 =	vadd.f32 v57, v56;
	s13 =	smul.f32 s7, s17;
	(xrf2) =	vadd.scan.msk.f32 $0xffff, v43;
	(v2sf) =	vpush v59, $0x0  }
0x30a: {  	v41 =	vadd.f32 v41, v42;
	v42 =	vadd.f32 v58, v50;
	s8 =	smul.f32 s8, s4  }
0x30b: {  	s9 =	smul.f32 s9, s6;
	v43 =	vadd.f32 v47, v45;
	(v2sf) =	vpush v44, $0x0  }
0x30c: {  	v42 =	vadd.f32 v42, v51;
	s8 =	ssub.f32 $1.500000000e+00, s8;
	s13 =	smul.f32 s13, s7;
	(v2sf) =	vpush v48, $0x0;
	(xrf2) =	vadd.scan.msk.f32 $0xffff, v49  }
0x30d: {  	s9 =	ssub.f32 $1.500000000e+00, s9;
	(v2sf) =	vpush v46, $0x0  }
0x30e: {  	s4 =	smul.f32 s8, s4;
	s8 =	ssub.f32 $1.500000000e+00, s13  }
0x30f: {  	s6 =	smul.f32 s9, s6;
	(xrf2) =	vadd.scan.msk.f32 $0xffff, v41  }
0x310: {  	s7 =	smul.f32 s8, s7;
	v41, _, _ =	vpop (xrf2)  }
0x311: {  	s4 =	smul.f32 s4, s14;
	(v2sf) =	vpush v41, $0xF  }
0x312: {  	s9 =	smul.f32 s6, s3;
	(xrf2) =	vadd.scan.msk.f32 $0xffff, v43  }
0x313: {  	v41, _, _ =	vpop (xrf2)  }
0x314: {  	v44 =	vmul.f32 s4, v26;
	v45 =	vmul.f32 s9, v28;
	s15 =	smul.f32 s7, s31;
	(v2sf) =	vpush v41, $0xF;
	s8 =	spop (v2sf)  }
0x315: {  	v41 =	vmul.f32 s4, v21;
	v21 =	vmovc v31;
	s16 =	smul.f32 $1.562500000e-02, s8;
	(xrf2) =	vadd.scan.msk.f32 $0xffff, v42;
	s3 =	spop (v2sf);
	v42 =	vmul.f32 s4, v22;
	v22 =	vmov v33  }
0x316: {  	v46 =	vmul.f32 s15, v15;
	v43 =	vmul.f32 s4, v25;
	v33 =	vmov s0;
	s3 =	smul.f32 $1.562500000e-02, s3;
	v31, _, _ =	vpop (xrf2)  }
0x317: {  	v26 =	vmovc v34;
	v47 =	vmul.f32 s15, v17;
	v25 =	vmovc v32;
	s8 =	smul.f32 s16, s16;
	(v2sf) =	vpush v31, $0xF;
	v31 =	vmul.f32 s9, v27  }
0x318: {  	s13 =	sadd.s32 $0x1, s0;
	s1 =	smul.f32 s4, s1;
	v32 =	vmul.f32 s9, v23;
	v23 =	vmovc v39;
	v27 =	vand.u32 $0x7C, v33;
	v33 =	vmul.f32 s9, v24;
	v24 =	vmovc v40;
	s6 =	spop (v2sf)  }
0x319: {  	v40 =	vmov s13;
	v34 =	vadd.s32 v0, v27;
	v39 =	vadd.s32 v2, v27;
	s7 =	ssub.f32 s3, s8;
	s8 =	smul.f32 s6, s6;
	v28, _, _ =	vpop (xrf2)  }
0x31a: {  	v15 =	vmovc v35;
	v17 =	vmovc v36;
	v36 =	vmul.f32 s15, v14;
	v48 =	vmul.f32 s15, v13;
	s15 =	smul.f32 s15, s29;
	(v2sf) =	vpush v28, $0xF;
	s3 =	spop (v2sf)  }
0x31b: {  	v14 =	vmov v37;
	v13 =	vmov v38;
	v35 =	vadd.s32 v3, v27;
	s4 =	smul.f32 s7, s8;
	s14 =	spop (v2sf)  }
0x31c: {  	v37 =	vmov s1;
	v38 =	vadd.s32 v4, v27;
	v40 =	vand.u32 $0x7D, v40;
	s7 =	smul.f32 s14, s14;
	v28, _, _ =	vpop (xrf2);
	s31 =	spop (v2sf)  }
0x31d: {  	v41 =	vsub.f32 v41, v37;
	v49 =	vadd.s32 v0, v40;
	v27 =	vmovc v29;
	s13 =	smul.f32 s3, s3;
	s1 =	sadd.f32 $9.999999740e-06, s4;
	(v2sf) =	vpush v28, $0xF;
	v28 =	vmovc v30  }
0x31e: {  	v29 =	vsub.f32 v42, v37;
	v42 =	vadd.s32 v2, v40;
	s17 =	smul.f32 s31, s31;
	v30 =	vsub.f32 v43, v37  }
0x31f: {  	v41 =	vmul.f32 v41, v5;
	v37 =	vsub.f32 v44, v37;
	v44 =	vadd.s32 v3, v40;
	s4 =	sshra.s32 s1, $0x1;
	s18 =	smul.f32 $5.000000000e-01, s1;
	v43, _, _ =	vpop (xrf2)  }
0x320: {  	s8 =	smul.f32 s9, s30;
	v29 =	vmul.f32 v29, v6;
	v30 =	vmul.f32 v30, v7;
	s4 =	ssub.s32 $0x5F3759DF, s4;
	s1 =	spop (v2sf);
	(v2sf) =	vpush v43, $0xF  }
0x321: {  	v41 =	vadd.f32 v41, v9;
	v40 =	vadd.s32 v4, v40;
	v37 =	vmul.f32 v37, v8;
	s9 =	smul.f32 s4, s18  }
0x322: {  	v29 =	vadd.f32 v29, v10;
	v43 =	vmov s8;
	s1 =	smul.f32 $1.562500000e-02, s1;
	v30 =	vadd.f32 v30, v11  }
0x323: {  	s8 =	smul.f32 s4, s9;
	s9 =	spop (v2sf)  }
0x324: {  	v31 =	vsub.f32 v31, v43;
	[tilespmem:v34+s10+$0x0] =	vst.idx.msk $0xffff, v41;
	v34 =	vsub.f32 v45, v43;
	s30 =	smul.f32 $1.562500000e-02, s9  }
0x325: {  	[tilespmem:v39+s10+$0x0] =	vst.idx.msk $0xffff, v29;
	v29 =	vsub.f32 v32, v43;
	v32 =	vsub.f32 v33, v43;
	s9 =	smul.f32 s1, s1;
	s8 =	ssub.f32 $1.500000000e+00, s8  }
0x326: {  	v31 =	vmul.f32 v31, v5;
	v33 =	vadd.f32 v37, v12;
	v34 =	vmul.f32 v34, v6;
	s19 =	smul.f32 s30, s30  }
0x327: {  	s22 =	spop (v2sf);
	[tilespmem:v35+s10+$0x0] =	vst.idx.msk $0xffff, v30;
	v29 =	vmul.f32 v29, v7;
	v30 =	vmul.f32 v32, v8;
	s4 =	smul.f32 s4, s8  }
0x328: {  	v31 =	vadd.f32 v31, v9;
	[tilespmem:v38+s10+$0x0] =	vst.idx.msk $0xffff, v33;
	v32 =	vadd.f32 v34, v10;
	s8 =	smul.f32 $1.562500000e-02, s22  }
0x329: {  	v29 =	vadd.f32 v29, v11;
	v30 =	vadd.f32 v30, v12;
	s22 =	smul.f32 s4, s18  }
0x32a: {  	s23 =	spop (v2sf);
	[tilespmem:v49+s10+$0x0] =	vst.idx.msk $0xffff, v31;
	s25 =	smul.f32 s8, s8  }
0x32b: {  	s23 =	smul.f32 $1.562500000e-02, s23;
	[tilespmem:v42+s10+$0x0] =	vst.idx.msk $0xffff, v32  }
0x32c: {  	s22 =	smul.f32 s22, s4;
	[tilespmem:v44+s10+$0x0] =	vst.idx.msk $0xffff, v29  }
0x32d: {  	s26 =	spop (v2sf);
	[tilespmem:v40+s10+$0x0] =	vst.idx.msk $0xffff, v30;
	s9 =	ssub.f32 s23, s9  }
0x32e: {  	s26 =	smul.f32 $1.562500000e-02, s26;
	s22 =	ssub.f32 $1.500000000e+00, s22  }
0x32f: {  	s29 =	smov.u32 s8;
	s7 =	smul.f32 s9, s7  }
0x330: {  	s4 =	smul.f32 s22, s4;
	s8 =	spop (v2sf)  }
0x331: {  	s0 =	sadd.s32 $0x2, s0;
	s8 =	smul.f32 $1.562500000e-02, s8  }
0x332: {  	v29 =	vmov s0;
	s0 =	smov.u32 s28;
	v30 =	vmov s15;
	s19 =	ssub.f32 s26, s19;
	s15 =	smul.f32 s4, s18  }
0x333: {  	s11 =	sadd.s32 $0x100, s11;
	s28 =	smov.u32 s12;
	v29 =	vand.u32 $0x7E, v29;
	v31 =	vsub.f32 v46, v30;
	v32 =	vsub.f32 v47, v30;
	s7 =	sadd.f32 $9.999999740e-06, s7  }
0x334: {  	v34 =	vadd.s32 v0, v29;
	v33 =	vsub.f32 v36, v30;
	v30 =	vsub.f32 v48, v30;
	v35 =	vld [tilespmem:s11+$0x40];
	s8 =	ssub.f32 s8, s25;
	s9 =	smul.f32 s15, s4  }
0x335: {  	v39 =	vadd.s32 v2, v29;
	v31 =	vmul.f32 v31, v5;
	v32 =	vmul.f32 v32, v6;
	v36 =	vld [tilespmem:s11+$0x50];
	s15 =	smul.f32 s19, s13  }
0x336: {  	v40 =	vadd.s32 v3, v29;
	v33 =	vmul.f32 v33, v7;
	v30 =	vmul.f32 v30, v8;
	s13 =	smul.f32 $5.000000000e-01, s7;
	v37 =	vld [tilespmem:s11+$0x60];
	s9 =	ssub.f32 $1.500000000e+00, s9  }
0x337: {  	v41 =	vadd.f32 v31, v9;
	v42 =	vadd.f32 v32, v10;
	s8 =	smul.f32 s8, s17;
	v38 =	vld [tilespmem:s11+$0x70]  }
0x338: {  	v43 =	vadd.f32 v33, v11;
	v47 =	vadd.f32 v30, v12;
	s17 =	sshra.s32 s7, $0x1;
	s7 =	sadd.f32 $9.999999740e-06, s15;
	v31 =	vld [tilespmem:s11+$0xFFFFFF80];
	s4 =	smul.f32 s9, s4  }
.Ltmp6:
0x339: {  	v48 =	vadd.s32 v4, v29;
	s8 =	sadd.f32 $9.999999740e-06, s8;
	v33 =	vld [tilespmem:s11+$0xFFFFFF90];
	s9 =	sadd.s32 $0x3, s0;
	[tilespmem:v34+s10+$0x0] =	vst.idx.msk $0xffff, v41;
	(pc) =	sbr.rel @p0 .LBB2_13-.Ltmp6, $4  }
0x33a: {  	s19 =	ssub.s32 $0x5F3759DF, s17;
	s17 =	sshra.s32 s7, $0x1;
	s15 =	smul.f32 $5.000000000e-01, s7;
	v32 =	vld [tilespmem:s11+$0xFFFFFFA0];
	v29 =	vmov s9;
	[tilespmem:v39+s10+$0x0] =	vst.idx.msk $0xffff, v42  }
0x33b: {  	s7 =	ssub.s32 $0x5F3759DF, s17;
	s9 =	sshra.s32 s8, $0x1;
	v34 =	vld [tilespmem:s11+$0xFFFFFFB0];
	s18 =	smul.f32 s4, s6;
	v45 =	vand.u32 $0x7F, v29;
	[tilespmem:v40+s10+$0x0] =	vst.idx.msk $0xffff, v43  }
0x33c: {  	v41 =	vmul.f32 v35, v35;
	s17 =	smul.f32 $5.000000000e-01, s8;
	v40 =	vadd.f32 v36, v35;
	s9 =	ssub.s32 $0x5F3759DF, s9;
	v29 =	vld [tilespmem:s11+$0xFFFFFFC0];
	v43 =	vadd.f32 v38, v37  }
0x33d: {  	s12 =	sadd.s32 $0x4, s12;
	v44 =	vmul.f32 v36, v36;
	v42 =	vmul.f32 v37, v37;
	v46 =	vadd.s32 v0, v45;
	v30 =	vld [tilespmem:s11+$0xFFFFFFD0];
	s16 =	smul.f32 s18, s16  }
0x33e: {  	v39 =	vmul.f32 v38, v38  }
0x33f: {  	v40 =	vadd.f32 v43, v40  }
0x340: {  	v41 =	vadd.f32 v44, v41;
	v39 =	vadd.f32 v39, v42  }
0x341: {  	(xrf2) =	vadd.scan.msk.f32 $0xffff, v40  }
0x342: {  	v39 =	vadd.f32 v39, v41;
	_ =	sdelay $0x1  }
0x343: {  	(xrf2) =	vadd.scan.msk.f32 $0xffff, v39  }
0x344: {  	s4 =	smul.f32 s19, s13  }
0x345: {  	s6 =	smul.f32 s7, s15  }
0x346: {  	s8 =	smul.f32 s9, s17  }
0x347: {  	s4 =	smul.f32 s19, s4  }
0x348: {  	s6 =	smul.f32 s7, s6  }
0x349: {  	s2 =	sadd.s32 $0x40, s2;
	v43 =	vld [tilespmem:s11+$0xFFFFFFE0];
	s8 =	smul.f32 s9, s8;
	s4 =	ssub.f32 $1.500000000e+00, s4  }
0x34a: {  	v58 =	vld [tilespmem:s2+$0x10];
	s6 =	ssub.f32 $1.500000000e+00, s6;
	v57, _, _ =	vpop (xrf2)  }
0x34b: {  	v44 =	vld [tilespmem:s11+$0xFFFFFFF0];
	s8 =	ssub.f32 $1.500000000e+00, s8;
	s4 =	smul.f32 s19, s4;
	(v2sf) =	vpush v57, $0xF  }
0x34c: {  	v42 =	vld [tilespmem:s11+$0x0];
	s6 =	smul.f32 s7, s6  }
0x34d: {  	v40 =	vld [tilespmem:s11+$0x20];
	s22 =	smul.f32 s9, s8;
	v59, _, _ =	vpop (xrf2)  }
0x34e: {  	v41 =	vld [tilespmem:s11+$0x10];
	s23 =	smul.f32 s4, s13;
	(v2sf) =	vpush v59, $0xF  }
0x34f: {  	v39 =	vld [tilespmem:s11+$0x30];
	s25 =	smul.f32 s6, s15;
	(v2sf) =	vpush v58, $0x0  }
0x350: {  	v49 =	vadd.f32 v33, v31;
	v50 =	vadd.f32 v34, v32;
	s26 =	smul.f32 s22, s17  }
0x351: {  	v52 =	vadd.f32 v30, v29;
	v54 =	vadd.f32 v44, v43;
	s8 =	smul.f32 s23, s4  }
0x352: {  	v51 =	vmul.f32 v31, v31;
	v53 =	vmul.f32 v33, v33;
	v49 =	vadd.f32 v50, v49;
	s9 =	smul.f32 s25, s6  }
0x353: {  	v60 =	vmul.f32 v32, v32;
	v55 =	vmul.f32 v34, v34;
	v61 =	vadd.f32 v54, v52;
	s11 =	smul.f32 s26, s22;
	s8 =	ssub.f32 $1.500000000e+00, s8  }
0x354: {  	v63 =	vadd.f32 v41, v42;
	s9 =	ssub.f32 $1.500000000e+00, s9;
	(xrf2) =	vadd.scan.msk.f32 $0xffff, v49;
	v58 =	vadd.f32 v39, v40  }
0x355: {  	v51 =	vadd.f32 v53, v51;
	v50 =	vadd.f32 v55, v60;
	s12 =	ssub.f32 $1.500000000e+00, s11;
	s4 =	smul.f32 s8, s4  }
0x356: {  	s6 =	smul.f32 s9, s6;
	(xrf2) =	vadd.scan.msk.f32 $0xffff, v61;
	v54 =	vadd.f32 v58, v63  }
0x357: {  	v56 =	vmul.f32 v29, v29;
	v62 =	vmul.f32 v43, v43;
	v50 =	vadd.f32 v50, v51;
	v49 =	vld [tilespmem:s2+$0xFFFFFFF0];
	s7 =	smul.f32 s12, s22  }
0x358: {  	v60 =	vld [tilespmem:s2+$0xFFFFFFE0];
	v57 =	vmul.f32 v30, v30;
	s8 =	smul.f32 s4, s13;
	v59 =	vmul.f32 v44, v44;
	(xrf2) =	vadd.scan.msk.f32 $0xffff, v54  }
0x359: {  	v61 =	vld [tilespmem:s2+$0x0];
	s19 =	smul.f32 s6, s15;
	(xrf2) =	vadd.scan.msk.f32 $0xffff, v50  }
0x35a: {  	v53 =	vadd.f32 v57, v56;
	s12 =	smul.f32 s7, s17;
	v52 =	vadd.f32 v59, v62;
	s22 =	spop (v2sf)  }
0x35b: {  	v62 =	vmul.f32 v42, v42;
	s13 =	smul.f32 $1.562500000e-02, s22  }
0x35c: {  	s8 =	smul.f32 s8, s4;
	v63 =	vmul.f32 v41, v41;
	v52 =	vadd.f32 v52, v53;
	(v2sf) =	vpush v49, $0x0  }
0x35d: {  	v57 =	vmul.f32 v40, v40;
	v58 =	vmul.f32 v39, v39;
	s25 =	smul.f32 s13, s13;
	s23 =	spop (v2sf);
	(v2sf) =	vpush v60, $0x0  }
0x35e: {  	v54 =	vadd.f32 v63, v62;
	(xrf2) =	vadd.scan.msk.f32 $0xffff, v52;
	v60, _, _ =	vpop (xrf2);
	s9 =	smul.f32 $1.562500000e-02, s23;
	s15 =	spop (v2sf);
	(v2sf) =	vpush v61, $0x0  }
0x35f: {  	s2 =	smul.f32 s19, s6;
	v59 =	vadd.f32 v58, v57;
	(v2sf) =	vpush v60, $0xF  }
0x360: {  	v61, _, _ =	vpop (xrf2);
	s26 =	smul.f32 s15, s15;
	s9 =	ssub.f32 s9, s25  }
0x361: {  	s17 =	smul.f32 s12, s7;
	s8 =	ssub.f32 $1.500000000e+00, s8;
	v49 =	vadd.f32 v59, v54;
	(v2sf) =	vpush v61, $0xF  }
0x362: {  	s2 =	ssub.f32 $1.500000000e+00, s2;
	v62, _, _ =	vpop (xrf2);
	s9 =	smul.f32 s9, s26  }
0x363: {  	s4 =	smul.f32 s8, s4;
	(xrf2) =	vadd.scan.msk.f32 $0xffff, v49;
	s23 =	ssub.f32 $1.500000000e+00, s17;
	v63, _, _ =	vpop (xrf2);
	(v2sf) =	vpush v62, $0xF  }
0x364: {  	s2 =	smul.f32 s2, s6;
	(v2sf) =	vpush v63, $0xF;
	s9 =	sadd.f32 $9.999999740e-06, s9  }
0x365: {  	s11 =	smul.f32 s23, s7  }
0x366: {  	s22 =	sshra.s32 s9, $0x1;
	s19 =	smul.f32 $5.000000000e-01, s9  }
0x367: {  	s7 =	smul.f32 s4, s14;
	s25 =	ssub.s32 $0x5F3759DF, s22  }
0x368: {  	v52, _, _ =	vpop (xrf2);
	s8 =	smul.f32 s25, s19  }
0x369: {  	s17 =	smul.f32 s11, s31;
	(v2sf) =	vpush v52, $0xF  }
0x36a: {  	s8 =	smul.f32 s25, s8  }
0x36b: {  	s9 =	smul.f32 s2, s3;
	s12 =	spop (v2sf)  }
0x36c: {  	s26 =	ssub.f32 $1.500000000e+00, s8;
	s14 =	spop (v2sf)  }
0x36d: {  	v53, _, _ =	vpop (xrf2);
	s4 =	smul.f32 s14, s14;
	s2 =	spop (v2sf)  }
0x36e: {  	(v2sf) =	vpush v53, $0xF;
	s31 =	smul.f32 s25, s26;
	s22 =	spop (v2sf)  }
0x36f: {  	s11 =	smul.f32 $1.562500000e-02, s22  }
0x370: {  	s25 =	spop (v2sf);
	s23 =	smul.f32 s31, s19  }
0x371: {  	s6 =	smul.f32 $1.562500000e-02, s25  }
0x372: {  	s25 =	spop (v2sf);
	s22 =	smul.f32 s11, s11  }
0x373: {  	s26 =	spop (v2sf);
	s8 =	smul.f32 s23, s31  }
0x374: {  	s26 =	smul.f32 $1.562500000e-02, s26  }
0x375: {  	s3 =	smul.f32 $1.562500000e-02, s25;
	s8 =	ssub.f32 $1.500000000e+00, s8  }
0x376: {  	s23 =	smul.f32 s6, s6;
	s22 =	ssub.f32 s26, s22  }
0x377: {  	s8 =	smul.f32 s8, s31  }
0x378: {  	s31 =	spop (v2sf);
	s4 =	smul.f32 s22, s4  }
0x379: {  	s25 =	smul.f32 $1.562500000e-02, s31  }
0x37a: {  	s22 =	smul.f32 s3, s3  }
0x37b: {  	s31 =	smul.f32 s12, s12;
	s23 =	ssub.f32 s25, s23  }
0x37c: {  	s19 =	smul.f32 s8, s19  }
0x37d: {  	v20 =	vmul.f32 s18, v20;
	s23 =	smul.f32 s23, s31;
	s31 =	spop (v2sf)  }
0x37e: {  	v19 =	vmul.f32 s18, v19;
	v16 =	vmul.f32 s18, v16;
	s25 =	smul.f32 $1.562500000e-02, s31  }
0x37f: {  	v18 =	vmul.f32 s18, v18;
	v55 =	vadd.s32 v2, v45;
	v54 =	vmov s16;
	s26 =	smul.f32 s2, s2;
	s4 =	sadd.f32 $9.999999740e-06, s4  }
0x380: {  	v56 =	vadd.s32 v3, v45;
	v20 =	vsub.f32 v20, v54;
	v19 =	vsub.f32 v19, v54;
	s22 =	ssub.f32 s25, s22;
	s25 =	smul.f32 s19, s8  }
0x381: {  	v57 =	vadd.s32 v4, v45;
	v16 =	vsub.f32 v16, v54;
	v18 =	vsub.f32 v18, v54;
	s31 =	sshra.s32 s4, $0x1;
	s19 =	smul.f32 $5.000000000e-01, s4  }
0x382: {  	v58 =	vmov s0;
	v20 =	vmul.f32 v20, v5;
	v19 =	vmul.f32 v19, v6;
	s18 =	ssub.s32 $0x5F3759DF, s31;
	s4 =	smul.f32 s22, s26  }
0x383: {  	[tilespmem:v48+s10+$0x0] =	vst.idx.msk $0xffff, v47;
	v59 =	vand.u32 $0x7C, v58;
	v16 =	vmul.f32 v16, v7;
	v18 =	vmul.f32 v18, v8;
	s26 =	ssub.f32 $1.500000000e+00, s25;
	s31 =	smul.f32 s18, s19  }
0x384: {  	v47 =	vadd.s32 v0, v59;
	v20 =	vadd.f32 v20, v9;
	v19 =	vadd.f32 v19, v10;
	s22 =	smul.f32 s7, s1  }
0x385: {  	v16 =	vadd.f32 v16, v11;
	v18 =	vadd.f32 v18, v12;
	v21 =	vmul.f32 s7, v21;
	s16 =	smul.f32 s26, s8  }
0x386: {  	v61 =	vadd.s32 v2, v59;
	v22 =	vmul.f32 s7, v22;
	v25 =	vmul.f32 s7, v25;
	s25 =	smul.f32 s18, s31;
	s26 =	sadd.f32 $9.999999740e-06, s23  }
0x387: {  	[tilespmem:v46+s10+$0x0] =	vst.idx.msk $0xffff, v20;
	v20 =	vadd.s32 v4, v59;
	v26 =	vmul.f32 s7, v26;
	v15 =	vmul.f32 s17, v15;
	s23 =	smul.f32 s9, s30;
	s1 =	sadd.f32 $9.999999740e-06, s4  }
0x388: {  	v63 =	vadd.s32 v3, v59;
	v17 =	vmul.f32 s17, v17;
	v14 =	vmul.f32 s17, v14;
	s8 =	ssub.f32 $1.500000000e+00, s25;
	s7 =	smul.f32 $5.000000000e-01, s26  }
0x389: {  	v13 =	vmul.f32 s17, v13;
	v27 =	vmul.f32 s9, v27;
	v62 =	vmov s22;
	s31 =	sshra.s32 s26, $0x1;
	s26 =	sadd.s32 $0x1, s0;
	s15 =	smul.f32 s16, s15  }
0x38a: {  	v28 =	vmul.f32 s9, v28;
	v23 =	vmul.f32 s9, v23;
	v21 =	vsub.f32 v21, v62;
	s4 =	ssub.s32 $0x5F3759DF, s31;
	s31 =	sshra.s32 s1, $0x1;
	s1 =	smul.f32 $5.000000000e-01, s1  }
0x38b: {  	v22 =	vsub.f32 v22, v62;
	v25 =	vsub.f32 v25, v62;
	v60 =	vmov s26;
	s26 =	smul.f32 s17, s29  }
0x38c: {  	[tilespmem:v55+s10+$0x0] =	vst.idx.msk $0xffff, v19;
	v24 =	vmul.f32 s9, v24;
	v19 =	vsub.f32 v26, v62;
	v21 =	vmul.f32 v21, v5;
	s18 =	smul.f32 s18, s8  }
0x38d: {  	[tilespmem:v56+s10+$0x0] =	vst.idx.msk $0xffff, v16;
	v53 =	vmov s23;
	v22 =	vmul.f32 v22, v6;
	v52 =	vmul.f32 v25, v7;
	s30 =	smul.f32 s4, s7  }
0x38e: {  	v19 =	vmul.f32 v19, v8;
	v54 =	vsub.f32 v27, v53;
	v55 =	vsub.f32 v28, v53;
	s13 =	smul.f32 s15, s13  }
0x38f: {  	[tilespmem:v57+s10+$0x0] =	vst.idx.msk $0xffff, v18;
	v56 =	vsub.f32 v23, v53;
	v57 =	vsub.f32 v24, v53;
	s17 =	sadd.s32 $0x2, s0;
	s8 =	ssub.s32 $0x5F3759DF, s31;
	v46 =	vand.u32 $0x7D, v60;
	s9 =	smul.f32 s4, s30  }
0x390: {  	v59 =	vmov s17;
	v48 =	vmul.f32 s15, v36;
	s25 =	smul.f32 s8, s1;
	v49 =	vadd.s32 v0, v46  }
0x391: {  	v50 =	vadd.s32 v2, v46;
	v26 =	vadd.s32 v3, v46;
	v21 =	vadd.f32 v21, v9;
	s29 =	smul.f32 s18, s19;
	s9 =	ssub.f32 $1.500000000e+00, s9  }
0x392: {  	v45 =	vadd.s32 v4, v46;
	v22 =	vadd.f32 v22, v10;
	v18 =	vadd.f32 v52, v11;
	s22 =	smul.f32 s8, s25  }
0x393: {  	v58 =	vmul.f32 v55, v6;
	v19 =	vadd.f32 v19, v12;
	v52 =	vand.u32 $0x7E, v59;
	s4 =	smul.f32 s4, s9  }
0x394: {  	v60 =	vmul.f32 v56, v7;
	v53 =	vadd.s32 v0, v52;
	v55 =	vadd.s32 v2, v52;
	s22 =	ssub.f32 $1.500000000e+00, s22;
	s9 =	smul.f32 s29, s18  }
0x395: {  	v46 =	vmul.f32 s15, v35;
	[tilespmem:v47+s10+$0x0] =	vst.idx.msk $0xffff, v21;
	v21 =	vmul.f32 v54, v5;
	v62 =	vadd.f32 v58, v10;
	s30 =	smul.f32 s4, s7  }
0x396: {  	v16 =	vadd.f32 v60, v11;
	v54 =	vmov s13;
	[tilespmem:v61+s10+$0x0] =	vst.idx.msk $0xffff, v22;
	v61 =	vmul.f32 v57, v8;
	s31 =	ssub.f32 $1.500000000e+00, s9;
	s9 =	smul.f32 s8, s22  }
0x397: {  	v56 =	vsub.f32 v48, v54;
	[tilespmem:v63+s10+$0x0] =	vst.idx.msk $0xffff, v18;
	v21 =	vadd.f32 v21, v9;
	v63 =	vmov s26;
	s23 =	smul.f32 s30, s4  }
0x398: {  	v25 =	vadd.s32 v3, v52;
	v18 =	vadd.f32 v61, v12;
	v15 =	vsub.f32 v15, v63  }
0x399: {  	v51 =	vmul.f32 s15, v38;
	[tilespmem:v20+s10+$0x0] =	vst.idx.msk $0xffff, v19;
	v17 =	vsub.f32 v17, v63;
	v14 =	vsub.f32 v14, v63;
	s26 =	smul.f32 s9, s1;
	s22 =	ssub.f32 $1.500000000e+00, s23  }
0x39a: {  	v13 =	vsub.f32 v13, v63;
	v20 =	vsub.f32 v46, v54;
	v15 =	vmul.f32 v15, v5;
	s23 =	smul.f32 s31, s18  }
0x39b: {  	v61 =	vsub.f32 v51, v54;
	[tilespmem:v49+s10+$0x0] =	vst.idx.msk $0xffff, v21;
	v21 =	vmul.f32 v56, v6;
	s4 =	smul.f32 s22, s4  }
0x39c: {  	s25 =	sadd.s32 $0x3, s28;
	v49 =	vmul.f32 s15, v37;
	[tilespmem:v50+s10+$0x0] =	vst.idx.msk $0xffff, v62;
	v17 =	vmul.f32 v17, v6;
	v15 =	vadd.f32 v15, v9;
	s29 =	smul.f32 s23, s19  }
0x39d: {  	v47 =	vmov s25;
	v14 =	vmul.f32 v14, v7;
	v13 =	vmul.f32 v13, v8;
	[tilespmem:v26+s10+$0x0] =	vst.idx.msk $0xffff, v16;
	s7 =	smul.f32 s4, s7  }
0x39e: {  	v20 =	vmul.f32 v20, v5;
	v16 =	vadd.s32 v4, v52;
	[tilespmem:v53+s10+$0x0] =	vst.idx.msk $0xffff, v15;
	v15 =	vand.u32 $0x7F, v47;
	s15 =	smul.f32 s29, s23  }
0x39f: {  	v57 =	vsub.f32 v49, v54;
	v17 =	vadd.f32 v17, v10;
	v58 =	vadd.s32 v0, v15;
	s7 =	smul.f32 s7, s4  }
0x3a0: {  	v21 =	vadd.f32 v21, v10;
	v14 =	vadd.f32 v14, v11;
	v59 =	vadd.s32 v2, v15;
	s30 =	ssub.f32 $1.500000000e+00, s15  }
0x3a1: {  	v13 =	vadd.f32 v13, v12;
	s8 =	smul.f32 s26, s9;
	v60 =	vadd.s32 v3, v15;
	[tilespmem:v55+s10+$0x0] =	vst.idx.msk $0xffff, v17;
	s7 =	ssub.f32 $1.500000000e+00, s7  }
0x3a2: {  	v22 =	vmul.f32 v57, v7;
	[tilespmem:v25+s10+$0x0] =	vst.idx.msk $0xffff, v14;
	v14 =	vadd.f32 v20, v9;
	s0 =	smul.f32 s30, s23  }
0x3a3: {  	v15 =	vadd.s32 v4, v15;
	v17 =	vmul.f32 v61, v8;
	s31 =	ssub.f32 $1.500000000e+00, s8;
	[tilespmem:v16+s10+$0x0] =	vst.idx.msk $0xffff, v13;
	s4 =	smul.f32 s7, s4  }
0x3a4: {  	s8 =	sadd.s32 $0x1, s28;
	v13 =	vadd.f32 v22, v11;
	[tilespmem:v58+s10+$0x0] =	vst.idx.msk $0xffff, v14;
	v14 =	vmov s28;
	s0 =	smul.f32 s0, s14  }
0x3a5: {  	v38 =	vmov s8;
	v17 =	vadd.f32 v17, v12;
	[tilespmem:v59+s10+$0x0] =	vst.idx.msk $0xffff, v21;
	v14 =	vand.u32 $0x7C, v14;
	s7 =	smul.f32 s31, s9  }
0x3a6: {  	[tilespmem:v60+s10+$0x0] =	vst.idx.msk $0xffff, v13;
	v13 =	vadd.s32 v0, v14;
	s4 =	smul.f32 s4, s12;
	v62 =	vmul.f32 s0, v31;
	v63 =	vmul.f32 s0, v33  }
0x3a7: {  	[tilespmem:v45+s10+$0x0] =	vst.idx.msk $0xffff, v18;
	v45 =	vadd.s32 v2, v14;
	v32 =	vmul.f32 s0, v32;
	v33 =	vmul.f32 s0, v34;
	s0 =	smul.f32 s0, s11  }
0x3a8: {  	v46 =	vadd.s32 v3, v14;
	v14 =	vadd.s32 v4, v14;
	[tilespmem:v15+s10+$0x0] =	vst.idx.msk $0xffff, v17;
	v15 =	vand.u32 $0x7D, v38  }
0x3a9: {  	v48 =	vadd.s32 v0, v15;
	s1 =	smul.f32 s7, s1;
	v36 =	vmul.f32 s4, v43;
	v43 =	vmov s0  }
0x3aa: {  	v28 =	vadd.s32 v2, v15;
	v49 =	vadd.s32 v3, v15;
	v18 =	vsub.f32 v62, v43  }
0x3ab: {  	v15 =	vadd.s32 v4, v15;
	s12 =	sadd.s32 $0x2, s28;
	s1 =	smul.f32 s1, s7;
	v34 =	vmul.f32 s4, v29;
	v35 =	vmul.f32 s4, v30  }
0x3ac: {  	v50 =	vmov s12;
	v37 =	vmul.f32 s4, v44;
	s4 =	smul.f32 s4, s6;
	v18 =	vmul.f32 v18, v5  }
0x3ad: {  	v57 =	vand.u32 $0x7E, v50;
	v47 =	vsub.f32 v63, v43;
	v20 =	vsub.f32 v32, v43;
	s9 =	ssub.f32 $1.500000000e+00, s1  }
0x3ae: {  	v25 =	vsub.f32 v33, v43;
	v44 =	vmov s4;
	v18 =	vadd.f32 v18, v9  }
0x3af: {  	v60 =	vadd.s32 v0, v57;
	v17 =	vmul.f32 v47, v6;
	v16 =	vsub.f32 v34, v44;
	s0 =	smul.f32 s9, s7  }
0x3b0: {  	v20 =	vmul.f32 v20, v7;
	[tilespmem:v13+s10+$0x0] =	vst.idx.msk $0xffff, v18;
	v13 =	vsub.f32 v35, v44  }
0x3b1: {  	v25 =	vmul.f32 v25, v8;
	v52 =	vsub.f32 v36, v44;
	v16 =	vmul.f32 v16, v5;
	s0 =	smul.f32 s0, s2  }
0x3b2: {  	v21 =	vsub.f32 v37, v44;
	v17 =	vadd.f32 v17, v10;
	v13 =	vmul.f32 v13, v6  }
0x3b3: {  	v61 =	vadd.s32 v2, v57;
	v20 =	vadd.f32 v20, v11;
	v16 =	vadd.f32 v16, v9;
	s11 =	smul.f32 s0, s3  }
0x3b4: {  	v53 =	vadd.f32 v25, v12;
	[tilespmem:v45+s10+$0x0] =	vst.idx.msk $0xffff, v17;
	v54 =	vmul.f32 s0, v42;
	v13 =	vadd.f32 v13, v10  }
0x3b5: {  	v17 =	vmul.f32 v52, v7;
	v55 =	vmul.f32 s0, v41;
	[tilespmem:v48+s10+$0x0] =	vst.idx.msk $0xffff, v16;
	v51 =	vmov s11  }
0x3b6: {  	v21 =	vmul.f32 v21, v8;
	[tilespmem:v28+s10+$0x0] =	vst.idx.msk $0xffff, v13;
	v13 =	vsub.f32 v54, v51  }
0x3b7: {  	[tilespmem:v46+s10+$0x0] =	vst.idx.msk $0xffff, v20;
	v17 =	vadd.f32 v17, v11;
	v59 =	vsub.f32 v55, v51  }
0x3b8: {  	v56 =	vadd.f32 v21, v12;
	[tilespmem:v14+s10+$0x0] =	vst.idx.msk $0xffff, v53;
	v14 =	vmul.f32 s0, v40;
	v13 =	vmul.f32 v13, v5  }
0x3b9: {  	v58 =	vmul.f32 s0, v39;
	[tilespmem:v49+s10+$0x0] =	vst.idx.msk $0xffff, v17;
	v17 =	vmul.f32 v59, v6  }
0x3ba: {  	v14 =	vsub.f32 v14, v51;
	[tilespmem:v15+s10+$0x0] =	vst.idx.msk $0xffff, v56;
	v13 =	vadd.f32 v13, v9  }
0x3bb: {  	v62 =	vadd.s32 v3, v57;
	v18 =	vsub.f32 v58, v51;
	v63 =	vadd.f32 v17, v10;
	s13 =	rddreg [dreg:$0x8]  }
0x3bc: {  	v19 =	vadd.s32 v4, v57;
	v14 =	vmul.f32 v14, v7;
	s14 =	rddreg [dreg:$0xd];
	[tilespmem:v60+s10+$0x0] =	vst.idx.msk $0xffff, v13  }
0x3bd: {  	v15 =	vmul.f32 v18, v8;
	s0 =	sadd.s32 s13, s14;
	[tilespmem:v61+s10+$0x0] =	vst.idx.msk $0xffff, v63  }
0x3be: {  	v14 =	vadd.f32 v14, v11;
	s0 =	sshll.u32 s0, $0xA;
	s15 =	rddreg [dreg:$0xe]  }
0x3bf: {  	v13 =	vadd.f32 v15, v12;
	s0 =	sadd.s32 s15, s0  }
0x3c0: {  	s3 =	rddreg [dreg:$0x3];
	[tilespmem:v62+s10+$0x0] =	vst.idx.msk $0xffff, v14;
	s1 =	sshrl.u32 s0, $0x3  }
0x3c1: {  	[tilespmem:v19+s10+$0x0] =	vst.idx.msk $0xffff, v13;
	s1 =	sadd.s32 s3, s1  }
0x3c2: {  	[hbm4b:s1+s5] =	stream.linear.scatter [tilespmem:s10], [sflag:$0x4], $0x80, $0x38;
	[tilespmem:$0x15480] =	vst v63  }
0x3c3: {  	s17 =	simm.s32 $0x13288;
	s16 =	sadd.s32 $0x10, s1  }
0x3c4: {  	[hbm4b:s16+s5] =	stream.linear.scatter [tilespmem:s17], [sflag:$0x4], $0x80, $0x38;
	[tilespmem:$0x15480] =	vst v63  }
0x3c5: {  	s19 =	simm.s32 $0x13310;
	s18 =	sadd.s32 $0x20, s1  }
0x3c6: {  	[hbm4b:s18+s5] =	stream.linear.scatter [tilespmem:s19], [sflag:$0x4], $0x80, $0x38;
	[tilespmem:$0x15480] =	vst v63  }
0x3c7: {  	s23 =	simm.s32 $0x13398;
	s22 =	sadd.s32 $0x30, s1  }
0x3c8: {  	[hbm4b:s22+s5] =	stream.linear.scatter [tilespmem:s23], [sflag:$0x4], $0x80, $0x38;
	[tilespmem:$0x15480] =	vst v63  }
0x3c9: {  	s26 =	simm.s32 $0x13420;
	s25 =	sadd.s32 $0x40, s1  }
0x3ca: {  	[hbm4b:s25+s5] =	stream.linear.scatter [tilespmem:s26], [sflag:$0x4], $0x80, $0x38;
	[tilespmem:$0x15480] =	vst v63  }
0x3cb: {  	s29 =	simm.s32 $0x134A8;
	s28 =	sadd.s32 $0x50, s1  }
0x3cc: {  	[hbm4b:s28+s5] =	stream.linear.scatter [tilespmem:s29], [sflag:$0x4], $0x80, $0x38;
	[tilespmem:$0x15480] =	vst v63  }
0x3cd: {  	s31 =	simm.s32 $0x13530;
	s30 =	sadd.s32 $0x60, s1  }
0x3ce: {  	[hbm4b:s30+s5] =	stream.linear.scatter [tilespmem:s31], [sflag:$0x4], $0x80, $0x38;
	[tilespmem:$0x15480] =	vst v63  }
0x3cf: {  	s4 =	simm.s32 $0x135B8;
	s6 =	sadd.s32 $0x20000, s0;
	s1 =	sadd.s32 $0x70, s1  }
0x3d0: {  	[hbm4b:s1+s5] =	stream.linear.scatter [tilespmem:s4], [sflag:$0x4], $0x80, $0x38;
	[tilespmem:$0x15480] =	vst v63  }
0x3d1: {  	s1 =	sshrl.u32 s6, $0x3  }
0x3d2: {  	s7 =	simm.s32 $0x13640;
	s1 =	sadd.s32 s3, s1  }
0x3d3: {  	[hbm4b:s1+s5] =	stream.linear.scatter [tilespmem:s7], [sflag:$0x4], $0x80, $0x38;
	[tilespmem:$0x15480] =	vst v63  }
0x3d4: {  	s9 =	simm.s32 $0x136C8;
	s8 =	sadd.s32 $0x10, s1  }
0x3d5: {  	[hbm4b:s8+s5] =	stream.linear.scatter [tilespmem:s9], [sflag:$0x4], $0x80, $0x38;
	[tilespmem:$0x15480] =	vst v63  }
0x3d6: {  	s12 =	simm.s32 $0x13750;
	s11 =	sadd.s32 $0x20, s1  }
0x3d7: {  	[hbm4b:s11+s5] =	stream.linear.scatter [tilespmem:s12], [sflag:$0x4], $0x80, $0x38;
	[tilespmem:$0x15480] =	vst v63  }
0x3d8: {  	s14 =	simm.s32 $0x137D8;
	s13 =	sadd.s32 $0x30, s1  }
0x3d9: {  	[hbm4b:s13+s5] =	stream.linear.scatter [tilespmem:s14], [sflag:$0x4], $0x80, $0x38;
	[tilespmem:$0x15480] =	vst v63  }
0x3da: {  	s16 =	simm.s32 $0x13860;
	s15 =	sadd.s32 $0x40, s1  }
0x3db: {  	[hbm4b:s15+s5] =	stream.linear.scatter [tilespmem:s16], [sflag:$0x4], $0x80, $0x38;
	[tilespmem:$0x15480] =	vst v63  }
0x3dc: {  	s18 =	simm.s32 $0x138E8;
	s17 =	sadd.s32 $0x50, s1  }
0x3dd: {  	[hbm4b:s17+s5] =	stream.linear.scatter [tilespmem:s18], [sflag:$0x4], $0x80, $0x38;
	[tilespmem:$0x15480] =	vst v63  }
0x3de: {  	s22 =	simm.s32 $0x13970;
	s19 =	sadd.s32 $0x60, s1  }
0x3df: {  	[hbm4b:s19+s5] =	stream.linear.scatter [tilespmem:s22], [sflag:$0x4], $0x80, $0x38;
	[tilespmem:$0x15480] =	vst v63  }
0x3e0: {  	s23 =	simm.s32 $0x139F8;
	s25 =	sadd.s32 $0x40000, s0;
	s1 =	sadd.s32 $0x70, s1  }
0x3e1: {  	[hbm4b:s1+s5] =	stream.linear.scatter [tilespmem:s23], [sflag:$0x4], $0x80, $0x38;
	[tilespmem:$0x15480] =	vst v63  }
0x3e2: {  	s1 =	sshrl.u32 s25, $0x3  }
0x3e3: {  	s26 =	simm.s32 $0x13A80;
	s1 =	sadd.s32 s3, s1  }
0x3e4: {  	[hbm4b:s1+s5] =	stream.linear.scatter [tilespmem:s26], [sflag:$0x4], $0x80, $0x38;
	[tilespmem:$0x15480] =	vst v63  }
0x3e5: {  	s29 =	simm.s32 $0x13B08;
	s28 =	sadd.s32 $0x10, s1  }
0x3e6: {  	[hbm4b:s28+s5] =	stream.linear.scatter [tilespmem:s29], [sflag:$0x4], $0x80, $0x38;
	[tilespmem:$0x15480] =	vst v63  }
0x3e7: {  	s31 =	simm.s32 $0x13B90;
	s30 =	sadd.s32 $0x20, s1  }
0x3e8: {  	[hbm4b:s30+s5] =	stream.linear.scatter [tilespmem:s31], [sflag:$0x4], $0x80, $0x38;
	[tilespmem:$0x15480] =	vst v63  }
0x3e9: {  	s7 =	simm.s32 $0x13C18;
	s6 =	sadd.s32 $0x30, s1  }
0x3ea: {  	[hbm4b:s6+s5] =	stream.linear.scatter [tilespmem:s7], [sflag:$0x4], $0x80, $0x38;
	[tilespmem:$0x15480] =	vst v63  }
0x3eb: {  	s9 =	simm.s32 $0x13CA0;
	s8 =	sadd.s32 $0x40, s1  }
0x3ec: {  	[hbm4b:s8+s5] =	stream.linear.scatter [tilespmem:s9], [sflag:$0x4], $0x80, $0x38;
	[tilespmem:$0x15480] =	vst v63  }
0x3ed: {  	s12 =	simm.s32 $0x13D28;
	s11 =	sadd.s32 $0x50, s1  }
0x3ee: {  	[hbm4b:s11+s5] =	stream.linear.scatter [tilespmem:s12], [sflag:$0x4], $0x80, $0x38;
	[tilespmem:$0x15480] =	vst v63  }
0x3ef: {  	s14 =	simm.s32 $0x13DB0;
	s13 =	sadd.s32 $0x60, s1  }
0x3f0: {  	[hbm4b:s13+s5] =	stream.linear.scatter [tilespmem:s14], [sflag:$0x4], $0x80, $0x38;
	[tilespmem:$0x15480] =	vst v63  }
0x3f1: {  	s15 =	simm.s32 $0x13E38;
	s16 =	sadd.s32 $0x60000, s0;
	s1 =	sadd.s32 $0x70, s1  }
0x3f2: {  	[hbm4b:s1+s5] =	stream.linear.scatter [tilespmem:s15], [sflag:$0x4], $0x80, $0x38;
	[tilespmem:$0x15480] =	vst v63  }
0x3f3: {  	s1 =	sshrl.u32 s16, $0x3  }
0x3f4: {  	s17 =	simm.s32 $0x13EC0;
	s1 =	sadd.s32 s3, s1  }
0x3f5: {  	[hbm4b:s1+s5] =	stream.linear.scatter [tilespmem:s17], [sflag:$0x4], $0x80, $0x38;
	[tilespmem:$0x15480] =	vst v63  }
0x3f6: {  	s19 =	simm.s32 $0x13F48;
	s18 =	sadd.s32 $0x10, s1  }
0x3f7: {  	[hbm4b:s18+s5] =	stream.linear.scatter [tilespmem:s19], [sflag:$0x4], $0x80, $0x38;
	[tilespmem:$0x15480] =	vst v63  }
0x3f8: {  	s23 =	simm.s32 $0x13FD0;
	s22 =	sadd.s32 $0x20, s1  }
0x3f9: {  	[hbm4b:s22+s5] =	stream.linear.scatter [tilespmem:s23], [sflag:$0x4], $0x80, $0x38;
	[tilespmem:$0x15480] =	vst v63  }
0x3fa: {  	s26 =	simm.s32 $0x14058;
	s25 =	sadd.s32 $0x30, s1  }
0x3fb: {  	[hbm4b:s25+s5] =	stream.linear.scatter [tilespmem:s26], [sflag:$0x4], $0x80, $0x38;
	[tilespmem:$0x15480] =	vst v63  }
0x3fc: {  	s29 =	simm.s32 $0x140E0;
	s28 =	sadd.s32 $0x40, s1  }
0x3fd: {  	[hbm4b:s28+s5] =	stream.linear.scatter [tilespmem:s29], [sflag:$0x4], $0x80, $0x38;
	[tilespmem:$0x15480] =	vst v63  }
0x3fe: {  	s31 =	simm.s32 $0x14168;
	s30 =	sadd.s32 $0x50, s1  }
0x3ff: {  	[hbm4b:s30+s5] =	stream.linear.scatter [tilespmem:s31], [sflag:$0x4], $0x80, $0x38;
	[tilespmem:$0x15480] =	vst v63  }
0x400: {  	s6 =	simm.s32 $0x141F0;
	s4 =	sadd.s32 $0x60, s1  }
0x401: {  	[hbm4b:s4+s5] =	stream.linear.scatter [tilespmem:s6], [sflag:$0x4], $0x80, $0x38;
	[tilespmem:$0x15480] =	vst v63  }
0x402: {  	s7 =	simm.s32 $0x14278;
	s8 =	sadd.s32 $0x80000, s0;
	s1 =	sadd.s32 $0x70, s1  }
0x403: {  	[hbm4b:s1+s5] =	stream.linear.scatter [tilespmem:s7], [sflag:$0x4], $0x80, $0x38;
	[tilespmem:$0x15480] =	vst v63  }
0x404: {  	s1 =	sshrl.u32 s8, $0x3  }
0x405: {  	s9 =	simm.s32 $0x14300;
	s1 =	sadd.s32 s3, s1  }
0x406: {  	[hbm4b:s1+s5] =	stream.linear.scatter [tilespmem:s9], [sflag:$0x4], $0x80, $0x38;
	[tilespmem:$0x15480] =	vst v63  }
0x407: {  	s12 =	simm.s32 $0x14388;
	s11 =	sadd.s32 $0x10, s1  }
0x408: {  	[hbm4b:s11+s5] =	stream.linear.scatter [tilespmem:s12], [sflag:$0x4], $0x80, $0x38;
	[tilespmem:$0x15480] =	vst v63  }
0x409: {  	s14 =	simm.s32 $0x14410;
	s13 =	sadd.s32 $0x20, s1  }
0x40a: {  	[hbm4b:s13+s5] =	stream.linear.scatter [tilespmem:s14], [sflag:$0x4], $0x80, $0x38;
	[tilespmem:$0x15480] =	vst v63  }
0x40b: {  	s16 =	simm.s32 $0x14498;
	s15 =	sadd.s32 $0x30, s1  }
0x40c: {  	[hbm4b:s15+s5] =	stream.linear.scatter [tilespmem:s16], [sflag:$0x4], $0x80, $0x38;
	[tilespmem:$0x15480] =	vst v63  }
0x40d: {  	s18 =	simm.s32 $0x14520;
	s17 =	sadd.s32 $0x40, s1  }
0x40e: {  	[hbm4b:s17+s5] =	stream.linear.scatter [tilespmem:s18], [sflag:$0x4], $0x80, $0x38;
	[tilespmem:$0x15480] =	vst v63  }
0x40f: {  	s22 =	simm.s32 $0x145A8;
	s19 =	sadd.s32 $0x50, s1  }
0x410: {  	[hbm4b:s19+s5] =	stream.linear.scatter [tilespmem:s22], [sflag:$0x4], $0x80, $0x38;
	[tilespmem:$0x15480] =	vst v63  }
0x411: {  	s25 =	simm.s32 $0x14630;
	s23 =	sadd.s32 $0x60, s1  }
0x412: {  	[hbm4b:s23+s5] =	stream.linear.scatter [tilespmem:s25], [sflag:$0x4], $0x80, $0x38;
	[tilespmem:$0x15480] =	vst v63  }
0x413: {  	s26 =	simm.s32 $0x146B8;
	s28 =	sadd.s32 $0xA0000, s0;
	s1 =	sadd.s32 $0x70, s1  }
0x414: {  	[hbm4b:s1+s5] =	stream.linear.scatter [tilespmem:s26], [sflag:$0x4], $0x80, $0x38;
	[tilespmem:$0x15480] =	vst v63  }
0x415: {  	s1 =	sshrl.u32 s28, $0x3  }
0x416: {  	s29 =	simm.s32 $0x14740;
	s1 =	sadd.s32 s3, s1  }
0x417: {  	[hbm4b:s1+s5] =	stream.linear.scatter [tilespmem:s29], [sflag:$0x4], $0x80, $0x38;
	[tilespmem:$0x15480] =	vst v63  }
0x418: {  	s31 =	simm.s32 $0x147C8;
	s30 =	sadd.s32 $0x10, s1  }
0x419: {  	[hbm4b:s30+s5] =	stream.linear.scatter [tilespmem:s31], [sflag:$0x4], $0x80, $0x38;
	[tilespmem:$0x15480] =	vst v63  }
0x41a: {  	s7 =	simm.s32 $0x14850;
	s6 =	sadd.s32 $0x20, s1  }
0x41b: {  	[hbm4b:s6+s5] =	stream.linear.scatter [tilespmem:s7], [sflag:$0x4], $0x80, $0x38;
	[tilespmem:$0x15480] =	vst v63  }
0x41c: {  	s9 =	simm.s32 $0x148D8;
	s8 =	sadd.s32 $0x30, s1  }
0x41d: {  	[hbm4b:s8+s5] =	stream.linear.scatter [tilespmem:s9], [sflag:$0x4], $0x80, $0x38;
	[tilespmem:$0x15480] =	vst v63  }
0x41e: {  	s12 =	simm.s32 $0x14960;
	s11 =	sadd.s32 $0x40, s1  }
0x41f: {  	[hbm4b:s11+s5] =	stream.linear.scatter [tilespmem:s12], [sflag:$0x4], $0x80, $0x38;
	[tilespmem:$0x15480] =	vst v63  }
0x420: {  	s14 =	simm.s32 $0x149E8;
	s13 =	sadd.s32 $0x50, s1  }
0x421: {  	[hbm4b:s13+s5] =	stream.linear.scatter [tilespmem:s14], [sflag:$0x4], $0x80, $0x38;
	[tilespmem:$0x15480] =	vst v63  }
0x422: {  	s16 =	simm.s32 $0x14A70;
	s15 =	sadd.s32 $0x60, s1  }
0x423: {  	[hbm4b:s15+s5] =	stream.linear.scatter [tilespmem:s16], [sflag:$0x4], $0x80, $0x38;
	[tilespmem:$0x15480] =	vst v63  }
0x424: {  	s17 =	simm.s32 $0x14AF8;
	s18 =	sadd.s32 $0xC0000, s0;
	s1 =	sadd.s32 $0x70, s1  }
0x425: {  	[hbm4b:s1+s5] =	stream.linear.scatter [tilespmem:s17], [sflag:$0x4], $0x80, $0x38;
	[tilespmem:$0x15480] =	vst v63  }
0x426: {  	s1 =	sshrl.u32 s18, $0x3  }
0x427: {  	s19 =	simm.s32 $0x14B80;
	s1 =	sadd.s32 s3, s1  }
0x428: {  	[hbm4b:s1+s5] =	stream.linear.scatter [tilespmem:s19], [sflag:$0x4], $0x80, $0x38;
	[tilespmem:$0x15480] =	vst v63  }
0x429: {  	s23 =	simm.s32 $0x14C08;
	s22 =	sadd.s32 $0x10, s1  }
0x42a: {  	[hbm4b:s22+s5] =	stream.linear.scatter [tilespmem:s23], [sflag:$0x4], $0x80, $0x38;
	[tilespmem:$0x15480] =	vst v63  }
0x42b: {  	s26 =	simm.s32 $0x14C90;
	s25 =	sadd.s32 $0x20, s1  }
0x42c: {  	[hbm4b:s25+s5] =	stream.linear.scatter [tilespmem:s26], [sflag:$0x4], $0x80, $0x38;
	[tilespmem:$0x15480] =	vst v63  }
0x42d: {  	s29 =	simm.s32 $0x14D18;
	s28 =	sadd.s32 $0x30, s1  }
0x42e: {  	[hbm4b:s28+s5] =	stream.linear.scatter [tilespmem:s29], [sflag:$0x4], $0x80, $0x38;
	[tilespmem:$0x15480] =	vst v63  }
0x42f: {  	s31 =	simm.s32 $0x14DA0;
	s30 =	sadd.s32 $0x40, s1  }
0x430: {  	[hbm4b:s30+s5] =	stream.linear.scatter [tilespmem:s31], [sflag:$0x4], $0x80, $0x38;
	[tilespmem:$0x15480] =	vst v63  }
0x431: {  	s7 =	simm.s32 $0x14E28;
	s6 =	sadd.s32 $0x50, s1  }
0x432: {  	[hbm4b:s6+s5] =	stream.linear.scatter [tilespmem:s7], [sflag:$0x4], $0x80, $0x38;
	[tilespmem:$0x15480] =	vst v63  }
0x433: {  	s0 =	sadd.s32 $0xE0000, s0;
	s9 =	simm.s32 $0x14EB0;
	s8 =	sadd.s32 $0x60, s1  }
0x434: {  	[hbm4b:s8+s5] =	stream.linear.scatter [tilespmem:s9], [sflag:$0x4], $0x80, $0x38;
	[tilespmem:$0x15480] =	vst v63  }
0x435: {  	s0 =	sshrl.u32 s0, $0x3;
	s11 =	simm.s32 $0x14F38;
	s1 =	sadd.s32 $0x70, s1  }
0x436: {  	[hbm4b:s1+s5] =	stream.linear.scatter [tilespmem:s11], [sflag:$0x4], $0x80, $0x38;
	[tilespmem:$0x15480] =	vst v63  }
0x437: {  	s0 =	sadd.s32 s3, s0;
	s12 =	simm.s32 $0x14FC0  }
0x438: {  	[hbm4b:s0+s5] =	stream.linear.scatter [tilespmem:s12], [sflag:$0x4], $0x80, $0x38;
	[tilespmem:$0x15480] =	vst v63  }
0x439: {  	s13 =	sadd.s32 $0x10, s0;
	s14 =	simm.s32 $0x15048  }
0x43a: {  	[hbm4b:s13+s5] =	stream.linear.scatter [tilespmem:s14], [sflag:$0x4], $0x80, $0x38;
	[tilespmem:$0x15480] =	vst v63  }
0x43b: {  	s15 =	sadd.s32 $0x20, s0;
	s16 =	simm.s32 $0x150D0  }
0x43c: {  	[hbm4b:s15+s5] =	stream.linear.scatter [tilespmem:s16], [sflag:$0x4], $0x80, $0x38;
	[tilespmem:$0x15480] =	vst v63  }
0x43d: {  	s17 =	sadd.s32 $0x30, s0;
	s18 =	simm.s32 $0x15158  }
0x43e: {  	[hbm4b:s17+s5] =	stream.linear.scatter [tilespmem:s18], [sflag:$0x4], $0x80, $0x38;
	[tilespmem:$0x15480] =	vst v63  }
0x43f: {  	s19 =	sadd.s32 $0x40, s0;
	s22 =	simm.s32 $0x151E0  }
0x440: {  	[hbm4b:s19+s5] =	stream.linear.scatter [tilespmem:s22], [sflag:$0x4], $0x80, $0x38;
	[tilespmem:$0x15480] =	vst v63  }
0x441: {  	s24 =	sadd.s32 $0x1, s24;
	s23 =	sadd.s32 $0x50, s0;
	s25 =	simm.s32 $0x15268  }
0x442: {  	[hbm4b:s23+s5] =	stream.linear.scatter [tilespmem:s25], [sflag:$0x4], $0x80, $0x38;
	[tilespmem:$0x15480] =	vst v63  }
0x443: {  	p0 =	sne.s32 s24, $0x64;
	s26 =	sadd.s32 $0x60, s0;
	s28 =	simm.s32 $0x152F0  }
0x444: {  	[hbm4b:s26+s5] =	stream.linear.scatter [tilespmem:s28], [sflag:$0x4], $0x80, $0x38;
	[tilespmem:$0x15480] =	vst v63  }
.Ltmp7:
0x445: {  	_ = 	snop;
	(pc) =	sbr.rel @p0 .LBB2_2-.Ltmp7, $4  }
0x446: {  	s29 =	simm.s32 $0x15378;
	s31 =	rddreg [dreg:$0xc];
	s0 =	sadd.s32 $0x70, s0  }
0x447: {  	[hbm4b:s0+s5] =	stream.linear.scatter [tilespmem:s29], [sflag:$0x4], $0x80, $0x38;
	[tilespmem:$0x15480] =	vst v63  }
0x448: {  	s30 =	rddreg [dreg:$0xb];
	s0 =	sadd.s32 $0x100, s31  }
0x449: {  	s6 =	sadd.s32 $0x100, s30;
	[dreg:$0xc] =	wrdreg s0  }
0x44a: {  	s0 =	simm.s32 $0x3  }
0x44b: {  	_ =	swait.ge [sflag:s0], $0x400  }
0x44c: {  	[sflag:s0] =	ssyncset.done $0x0  }
0x44d: {  	[sflag:s0] =	ssyncadd.s32 $0xFFFFFC00  }
0x44e: {  	_ =	swait.ge [sflag:s0], $0x400  }
0x44f: {  	[sflag:s0] =	ssyncset.done $0x0  }
0x450: {  	[sflag:s0] =	ssyncadd.s32 $0xFFFFFC00  }
0x451: {  	_ =	swait.ge [sflag:s0], $0x400  }
0x452: {  	[sflag:s0] =	ssyncset.done $0x0  }
0x453: {  	[sflag:s0] =	ssyncadd.s32 $0xFFFFFC00  }
0x454: {  	_ =	swait.ge [sflag:s0], $0x400  }
0x455: {  	[sflag:s0] =	ssyncset.done $0x0  }
0x456: {  	[sflag:s0] =	ssyncadd.s32 $0xFFFFFC00  }
0x457: {  	_ =	swait.ge [sflag:s0], $0x400  }
0x458: {  	[sflag:s0] =	ssyncset.done $0x0  }
0x459: {  	[sflag:s0] =	ssyncadd.s32 $0xFFFFFC00  }
0x45a: {  	_ =	swait.ge [sflag:s0], $0x400  }
0x45b: {  	[sflag:s0] =	ssyncset.done $0x0  }
0x45c: {  	[sflag:s0] =	ssyncadd.s32 $0xFFFFFC00  }
0x45d: {  	_ =	swait.ge [sflag:s0], $0x400  }
0x45e: {  	[sflag:s0] =	ssyncset.done $0x0  }
0x45f: {  	[sflag:s0] =	ssyncadd.s32 $0xFFFFFC00  }
0x460: {  	_ =	swait.ge [sflag:s0], $0x400  }
0x461: {  	[sflag:s0] =	ssyncset.done $0x0  }
0x462: {  	s1 =	simm.s32 $0x4;
	[sflag:s0] =	ssyncadd.s32 $0xFFFFFC00  }
0x463: {  	_ =	swait.ge [sflag:s1], $0x400  }
0x464: {  	[sflag:s1] =	ssyncset.done $0x0  }
0x465: {  	[sflag:s1] =	ssyncadd.s32 $0xFFFFFC00  }
0x466: {  	_ =	swait.ge [sflag:s1], $0x400  }
0x467: {  	[sflag:s1] =	ssyncset.done $0x0  }
0x468: {  	[sflag:s1] =	ssyncadd.s32 $0xFFFFFC00  }
0x469: {  	_ =	swait.ge [sflag:s1], $0x400  }
0x46a: {  	[sflag:s1] =	ssyncset.done $0x0  }
0x46b: {  	[sflag:s1] =	ssyncadd.s32 $0xFFFFFC00  }
0x46c: {  	_ =	swait.ge [sflag:s1], $0x400  }
0x46d: {  	[sflag:s1] =	ssyncset.done $0x0  }
0x46e: {  	[sflag:s1] =	ssyncadd.s32 $0xFFFFFC00  }
0x46f: {  	_ =	swait.ge [sflag:s1], $0x400  }
0x470: {  	[sflag:s1] =	ssyncset.done $0x0  }
0x471: {  	[sflag:s1] =	ssyncadd.s32 $0xFFFFFC00  }
0x472: {  	_ =	swait.ge [sflag:s1], $0x400  }
0x473: {  	[sflag:s1] =	ssyncset.done $0x0  }
0x474: {  	[sflag:s1] =	ssyncadd.s32 $0xFFFFFC00  }
0x475: {  	_ =	swait.ge [sflag:s1], $0x400  }
0x476: {  	[sflag:s1] =	ssyncset.done $0x0  }
0x477: {  	[sflag:s1] =	ssyncadd.s32 $0xFFFFFC00  }
0x478: {  	_ =	swait.ge [sflag:s1], $0x400  }
0x479: {  	s2 =	rddreg [dreg:$0xa]  }
0x47a: {  	s31 =	rddreg [dreg:$0x9];
	s2 =	sadd.s32 $0x1, s2  }
0x47b: {  	p0 =	sne.s32 s2, s31  }
.Ltmp8:
0x47c: {  	_ = 	snop;
	(pc) =	sbr.rel @p0 .LBB2_1-.Ltmp8, $3  }
0x47d: {  	_ =	sdelay $0x1  }
0x47e: {  	[sflag:s1] =	ssyncset.done $0x0  }
0x47f: {  	[sflag:s1] =	ssyncadd.s32 $0xFFFFFC00  }
0x480: {  	_ =	sfence.sel $0x180000  }
0x481: {  	[bflag:$0x0] =	sbarrier.arrive $0xFFFF  }
0x482: {  	_ =	strace $0x90000047  }
0x483: {  	s0 =	stileid.u32;
	[bflag:$0x2] =	sbarrier.arrive $0xFFFF  }
0x484: {  	p0 =	sne.s32 s0, $0x0;
	s0 =	rddreg [dreg:$0x4]  }
0x485: {  	s0 =	sadd.s32 @!p0 $0x100000, s0  }
0x486: {  	[sflag:s0] =	ssyncadd.tile.s32 @!p0 $0x1;
	_ =	shalt  }
.Lfunc_end2:
_tile_overlayer_lowered:
.L_overlay_start_2:
0x487: {  	(tag) =	ssettag $0x2  }
0x488: {  	s0 =	rddreg [dreg:$0x0];
	s2 =	stileid.u32  }
0x489: {  	s1 =	rddreg [dreg:$0x1];
	p0 =	sne.s32 s2, $0x0  }
0x48a: {  	s3 =	rddreg [dreg:$0x2];
	[bflag:$0x3] =	sbarrier.arrive $0xFFFF;
	s2 =	simm.s32 @!p0 $0x1C05  }
0x48b: {  	[timem:s3], [sflag:s2] =	dma.local @!p0 [hbm:s0], s1  }
0x48c: {  	s0 =	simm.s32 @!p0 $0x5  }
0x48d: {  	_ =	swait.ge @!p0 [sflag:s0], s1  }
0x48e: {  	s1 =	ssub.s32 @!p0 $0x0, s1;
	[sflag:s0] =	ssyncset.done @!p0 $0x0  }
0x48f: {  	[sflag:s0] =	ssyncadd.s32 @!p0 s1  }
0x490: {  	[bflag:$0x3] =	sbarrier.arrive $0xFFFF  }
0x491: {  	_ =	shalt  }

</sc_bundles>
